<compile_context>
chip_gen: v7x
topology: tpu7x:2x2x1
jax: 0.10.2.dev20260603
libtpu: 0.0.44.dev20260713+nightly
codegen_flags: <defaults>
</compile_context>

<pallas_src>
import functools

import jax
import jax.numpy as jnp
from jax import lax
from jax.experimental import pallas as pl
from jax.experimental.pallas import tpu as pltpu
from jax.experimental.pallas import tpu_sc as plsc

N = 10000
NP = 10112
E = 320000
D = 64
W = 128
WA = 80
K = 128
KE = 128
NW = 32
CH_W = 80
EP = NW * CH_W * K
RPT = NP // 16


def _tc_pre(x, wl_t, wr_t, b):
    def body(x_ref, wl_ref, wr_ref, b_ref, y_ref, r_ref):
        xv = x_ref[...]
        y_ref[0:N, 0:D] = jnp.dot(xv, wl_ref[...], preferred_element_type=jnp.float32)
        y_ref[:, D:W] = jnp.ones((NP, W - D), jnp.float32)
        r_ref[0:N, :] = jnp.dot(xv, wr_ref[...], preferred_element_type=jnp.float32) + b_ref[...]
        r_ref[N:NP, :] = jnp.zeros((NP - N, D), jnp.float32)

    return pl.pallas_call(
        body,
        out_shape=[jax.ShapeDtypeStruct((NP, W), jnp.float32),
                   jax.ShapeDtypeStruct((NP, D), jnp.float32)],
    )(x, wl_t, wr_t, b)


def _tc_mid(agg, r, wl_t, wr_t, b):
    def body(agg_ref, r_ref, wl_ref, wr_ref, b_ref, y_ref, r2_ref):
        a = agg_ref[0] + agg_ref[1]
        c = a[:, D:D + 1]
        h = jnp.maximum(a[:, 0:D] / jnp.maximum(c, 1.0) + r_ref[...], 0.0)
        y_ref[:, 0:D] = jnp.dot(h, wl_ref[...], preferred_element_type=jnp.float32)
        y_ref[:, D:W] = jnp.ones((NP, W - D), jnp.float32)
        r2_ref[...] = jnp.dot(h, wr_ref[...], preferred_element_type=jnp.float32) + b_ref[...]

    return pl.pallas_call(
        body,
        out_shape=[jax.ShapeDtypeStruct((NP, W), jnp.float32),
                   jax.ShapeDtypeStruct((NP, D), jnp.float32)],
    )(agg, r, wl_t, wr_t, b)


def _tc_fin(agg, r, w_t, b):
    def body(agg_ref, r_ref, w_ref, b_ref, o_ref):
        a = agg_ref[0] + agg_ref[1]
        c = a[:, D:D + 1]
        h = jnp.maximum(a[:, 0:D] / jnp.maximum(c, 1.0) + r_ref[...], 0.0)
        o_ref[...] = jnp.dot(h, w_ref[...], preferred_element_type=jnp.float32) + b_ref[...]

    return pl.pallas_call(
        body,
        out_shape=jax.ShapeDtypeStruct((NP, 1), jnp.float32),
    )(agg, r, w_t, b)


@functools.lru_cache(maxsize=None)
def _make_sc_agg():
    mesh = plsc.VectorSubcoreMesh(core_axis_name="c", subcore_axis_name="s")
    NCH = CH_W * K // KE
    PH = 2
    CPP = NCH // PH
    scratch = [
        pltpu.VMEM_SHARED((NP, W), jnp.float32),
        pltpu.VMEM((CPP, KE), jnp.int32),
        pltpu.VMEM((CPP, KE), jnp.int32),
        pltpu.VMEM((2, KE, W), jnp.float32),
        pltpu.SemaphoreType.DMA((2,)),
        pltpu.SemaphoreType.DMA((2,)),
    ]

    @functools.partial(
        pl.kernel, mesh=mesh, scratch_types=scratch,
        out_type=jax.ShapeDtypeStruct((2, NP, W), jnp.float32))
    def k(y_hbm, src_hbm, dst_hbm, agg_out,
          acc_sh, src_v, dst_v, rows_v, semg, sems):
        c = lax.axis_index("c")
        s = lax.axis_index("s")
        wid = c * 16 + s

        def gather(t, b):
            return pltpu.make_async_copy(
                y_hbm.at[src_v.at[t]], rows_v.at[b], semg.at[b])

        def scatter(t, b):
            return pltpu.make_async_copy(
                rows_v.at[b], acc_sh.at[dst_v.at[t]], sems.at[b])

        @pl.loop(0, KE)
        def _(i):
            for j in range(W // 16):
                rows_v[0, i, pl.ds(j * 16, 16)] = jnp.zeros((16,), jnp.float32)

        for j in range(4):
            pltpu.sync_copy(rows_v.at[0],
                            acc_sh.at[pl.ds(s * RPT + j * KE, KE)])
        pltpu.sync_copy(rows_v.at[0, pl.ds(0, RPT - 4 * KE)],
                        acc_sh.at[pl.ds(s * RPT + 4 * KE, RPT - 4 * KE)])
        plsc.subcore_barrier()

        for phase in range(PH):
            base = wid * NCH + phase * CPP
            pltpu.sync_copy(src_hbm.at[pl.ds(base, CPP)], src_v)
            pltpu.sync_copy(dst_hbm.at[pl.ds(base, CPP)], dst_v)

            for b in range(2):
                gather(b, b).start()

            @pl.loop(0, CPP, step=2)
            def _(t0):
                for b in range(2):
                    t = t0 + b
                    gather(t, b).wait()
                    scatter(t, b).start(add=True)
                    scatter(t, b).wait()

                    @pl.when(t + 2 < CPP)
                    def _():
                        gather(t + 2, b).start()

        plsc.subcore_barrier()
        pltpu.sync_copy(acc_sh.at[pl.ds(s * RPT, RPT)],
                        agg_out.at[c, pl.ds(s * RPT, RPT)])

    return k


def kernel(x, edge_index, W1l, b1, W1r, W2l, b2, W2r, Wlin, blin):
    src = edge_index[0].astype(jnp.int32)
    dst = edge_index[1].astype(jnp.int32)
    pad = N + jnp.arange(EP - E, dtype=jnp.int32) % (NP - N)
    src2d = jnp.concatenate([src, pad]).reshape(EP // KE, KE)
    dst2d = jnp.concatenate([dst, pad]).reshape(EP // KE, KE)
    sc_agg = _make_sc_agg()
    y1, r1 = _tc_pre(x, W1l.T, W1r.T, b1.reshape(1, D))
    agg1 = sc_agg(y1, src2d, dst2d)
    y2, r2 = _tc_mid(agg1, r1, W2l.T, W2r.T, b2.reshape(1, D))
    agg2 = sc_agg(y2, src2d, dst2d)
    out = _tc_fin(agg2, r2, Wlin.T, blin.reshape(1, 1))
    return out[:N]

# --- scband reference (transcript-rebuilt; emitter-appended) ---
"""Pipeline reference for scband-sage-6554120093875 (READ-ONLY COPY).

The authoritative reference and input builder live on the scoring server;
editing this copy changes nothing except your own understanding.
"""

import jax, jax.numpy as jnp
import numpy as np

N_NODES = 10000
N_EDGES = 320000
D_IN = 128
D_HID = 64
D_OUT = 1


def _glorot(key, shape):
    fan_in, fan_out = shape[1], shape[0]
    lim = (6.0 / (fan_in + fan_out)) ** 0.5
    return jax.random.uniform(key, shape, minval=-lim, maxval=lim, dtype=jnp.float32)


def setup_inputs(seed: int = 0) -> dict:
    key = jax.random.key(seed)
    ks = jax.random.split(key, 12)
    x = jax.random.normal(ks[0], (N_NODES, D_IN), dtype=jnp.float32)
    edge_index = jax.random.randint(ks[1], (2, N_EDGES), 0, N_NODES, dtype=jnp.int64)
    # SAGEConv1 params: lin_l (neighbor, with bias), lin_r (root, no bias)
    W1l = _glorot(ks[2], (D_HID, D_IN)); b1 = jnp.zeros((D_HID,), dtype=jnp.float32)
    W1r = _glorot(ks[3], (D_HID, D_IN))
    # SAGEConv2
    W2l = _glorot(ks[4], (D_HID, D_HID)); b2 = jnp.zeros((D_HID,), dtype=jnp.float32)
    W2r = _glorot(ks[5], (D_HID, D_HID))
    # final Linear
    Wlin = _glorot(ks[6], (D_OUT, D_HID)); blin = jnp.zeros((D_OUT,), dtype=jnp.float32)
    return {"x": x, "edge_index": edge_index, "W1l": W1l, "b1": b1, "W1r": W1r,
            "W2l": W2l, "b2": b2, "W2r": W2r, "Wlin": Wlin, "blin": blin}


def _sage_conv(x, src, dst, Wl, bl, Wr, n_nodes):
    # mean aggregation of neighbor (source) features at target nodes
    msg = jnp.take(x, src, axis=0)                      # gather [E, d]
    agg = jax.ops.segment_sum(msg, dst, num_segments=n_nodes)  # scatter-add
    cnt = jax.ops.segment_sum(jnp.ones((src.shape[0],), dtype=x.dtype), dst,
                              num_segments=n_nodes)
    mean = agg / jnp.clip(cnt, 1.0, None)[:, None]
    return mean @ Wl.T + bl + x @ Wr.T


def reference(x, edge_index, W1l, b1, W1r, W2l, b2, W2r, Wlin, blin):
    src = edge_index[0]
    dst = edge_index[1]
    h = jax.nn.relu(_sage_conv(x, src, dst, W1l, b1, W1r, N_NODES))
    h = jax.nn.relu(_sage_conv(h, src, dst, W2l, b2, W2r, N_NODES))
    return h @ Wlin.T + blin

if __name__ == "__main__":
    import jax
    _d = setup_inputs()
    print(jax.jit(kernel)(*tuple(_d.values())))

</pallas_src>

<mosaic_0001>
#map = affine_map<(d0, d1) -> (0, 0)>
#map1 = affine_map<(d0, d1) -> (0, 0, 0)>
module attributes {stable_mosaic.version = 14 : i64} {
  func.func @k(%arg0: i32, %arg1: i32, %arg2: memref<10112x128xf32, #tpu.memory_space<hbm>>, %arg3: memref<2560x128xi32, #tpu.memory_space<hbm>>, %arg4: memref<2560x128xi32, #tpu.memory_space<hbm>>, %arg5: memref<2x10112x128xf32, #tpu.memory_space<hbm>>, %arg6: memref<10112x128xf32, #tpu.memory_space<vmem_shared>>, %arg7: memref<40x128xi32, #tpu.memory_space<vmem>>, %arg8: memref<40x128xi32, #tpu.memory_space<vmem>>, %arg9: memref<2x128x128xf32, #tpu.memory_space<vmem>>, %arg10: memref<2x!tpu.dma_semaphore, #tpu.memory_space<semaphore_mem>>, %arg11: memref<2x!tpu.dma_semaphore, #tpu.memory_space<semaphore_mem>>) attributes {dimension_semantics = [#tpu.dimension_semantics<core_parallel>, #tpu.dimension_semantics<subcore_parallel>], iteration_bounds = array<i64: 2, 16>, scalar_prefetch = 0 : i64, scratch_operands = 6 : i64, tpu.core_type = #tpu.core_type<sc_vector_subcore>, window_params = [{transform_indices = #map}, {transform_indices = #map}, {transform_indices = #map}, {transform_indices = #map1}]} {
    %mul3A = arith.constant 16 : i32
    %mul3A_0 = arith.muli %arg0, %mul3A : i32
    %add3A = arith.addi %mul3A_0, %arg1 : i32
    %scan3A = arith.constant 0 : i32
    %scan3A_1 = arith.constant 128 : i32
    %scan3A_2 = arith.addi %scan3A, %scan3A_1 : i32
    %scan3A_3 = arith.constant 1 : i32
    scf.for %scan3A_111 = %scan3A to %scan3A_2 step %scan3A_3  : i32 {
      %mul3A_112 = arith.constant 1 : i32
      %mul3A_113 = arith.muli %scan3A_111, %mul3A_112 : i32
      %add3A_114 = arith.constant 0 : i32
      %add3A_115 = arith.addi %add3A_114, %mul3A_113 : i32
      %broadcast_in_dim3A = arith.constant 0.000000e+00 : f32
      %broadcast_in_dim3A_116 = vector.broadcast %broadcast_in_dim3A : f32 to vector<16xf32>
      %swap3A = arith.constant 0 : i32
      %swap3A_117 = arith.index_cast %swap3A : i32 to index
      %swap3A_118 = arith.index_cast %add3A_115 : i32 to index
      %swap3A_119 = arith.constant 0 : index
      %swap3A_120 = tpu.vector_load %arg9[%swap3A_117, %swap3A_118, %swap3A_119] {strides = array<i32>} : memref<2x128x128xf32, #tpu.memory_space<vmem>>, vector<1x1x16xf32>,
      %swap3A_121 = vector.shape_cast %swap3A_120 : vector<1x1x16xf32> to vector<16xf32>
      %swap3A_122 = vector.shape_cast %broadcast_in_dim3A_116 : vector<16xf32> to vector<1x1x16xf32>
      tpu.vector_store %arg9[%swap3A_117, %swap3A_118, %swap3A_119], %swap3A_122 {strides = array<i32>} : memref<2x128x128xf32, #tpu.memory_space<vmem>>, vector<1x1x16xf32>,
      %broadcast_in_dim3A_123 = arith.constant 0.000000e+00 : f32
      %broadcast_in_dim3A_124 = vector.broadcast %broadcast_in_dim3A_123 : f32 to vector<16xf32>
      %swap3A_125 = arith.constant 0 : i32
      %swap3A_126 = arith.index_cast %swap3A_125 : i32 to index
      %swap3A_127 = arith.index_cast %add3A_115 : i32 to index
      %swap3A_128 = arith.constant 16 : index
      %swap3A_129 = tpu.vector_load %arg9[%swap3A_126, %swap3A_127, %swap3A_128] {strides = array<i32>} : memref<2x128x128xf32, #tpu.memory_space<vmem>>, vector<1x1x16xf32>,
      %swap3A_130 = vector.shape_cast %swap3A_129 : vector<1x1x16xf32> to vector<16xf32>
      %swap3A_131 = vector.shape_cast %broadcast_in_dim3A_124 : vector<16xf32> to vector<1x1x16xf32>
      tpu.vector_store %arg9[%swap3A_126, %swap3A_127, %swap3A_128], %swap3A_131 {strides = array<i32>} : memref<2x128x128xf32, #tpu.memory_space<vmem>>, vector<1x1x16xf32>,
      %broadcast_in_dim3A_132 = arith.constant 0.000000e+00 : f32
      %broadcast_in_dim3A_133 = vector.broadcast %broadcast_in_dim3A_132 : f32 to vector<16xf32>
      %swap3A_134 = arith.constant 0 : i32
      %swap3A_135 = arith.index_cast %swap3A_134 : i32 to index
      %swap3A_136 = arith.index_cast %add3A_115 : i32 to index
      %swap3A_137 = arith.constant 32 : index
      %swap3A_138 = tpu.vector_load %arg9[%swap3A_135, %swap3A_136, %swap3A_137] {strides = array<i32>} : memref<2x128x128xf32, #tpu.memory_space<vmem>>, vector<1x1x16xf32>,
      %swap3A_139 = vector.shape_cast %swap3A_138 : vector<1x1x16xf32> to vector<16xf32>
      %swap3A_140 = vector.shape_cast %broadcast_in_dim3A_133 : vector<16xf32> to vector<1x1x16xf32>
      tpu.vector_store %arg9[%swap3A_135, %swap3A_136, %swap3A_137], %swap3A_140 {strides = array<i32>} : memref<2x128x128xf32, #tpu.memory_space<vmem>>, vector<1x1x16xf32>,
      %broadcast_in_dim3A_141 = arith.constant 0.000000e+00 : f32
      %broadcast_in_dim3A_142 = vector.broadcast %broadcast_in_dim3A_141 : f32 to vector<16xf32>
      %swap3A_143 = arith.constant 0 : i32
      %swap3A_144 = arith.index_cast %swap3A_143 : i32 to index
      %swap3A_145 = arith.index_cast %add3A_115 : i32 to index
      %swap3A_146 = arith.constant 48 : index
      %swap3A_147 = tpu.vector_load %arg9[%swap3A_144, %swap3A_145, %swap3A_146] {strides = array<i32>} : memref<2x128x128xf32, #tpu.memory_space<vmem>>, vector<1x1x16xf32>,
      %swap3A_148 = vector.shape_cast %swap3A_147 : vector<1x1x16xf32> to vector<16xf32>
      %swap3A_149 = vector.shape_cast %broadcast_in_dim3A_142 : vector<16xf32> to vector<1x1x16xf32>
      tpu.vector_store %arg9[%swap3A_144, %swap3A_145, %swap3A_146], %swap3A_149 {strides = array<i32>} : memref<2x128x128xf32, #tpu.memory_space<vmem>>, vector<1x1x16xf32>,
      %broadcast_in_dim3A_150 = arith.constant 0.000000e+00 : f32
      %broadcast_in_dim3A_151 = vector.broadcast %broadcast_in_dim3A_150 : f32 to vector<16xf32>
      %swap3A_152 = arith.constant 0 : i32
      %swap3A_153 = arith.index_cast %swap3A_152 : i32 to index
      %swap3A_154 = arith.index_cast %add3A_115 : i32 to index
      %swap3A_155 = arith.constant 64 : index
      %swap3A_156 = tpu.vector_load %arg9[%swap3A_153, %swap3A_154, %swap3A_155] {strides = array<i32>} : memref<2x128x128xf32, #tpu.memory_space<vmem>>, vector<1x1x16xf32>,
      %swap3A_157 = vector.shape_cast %swap3A_156 : vector<1x1x16xf32> to vector<16xf32>
      %swap3A_158 = vector.shape_cast %broadcast_in_dim3A_151 : vector<16xf32> to vector<1x1x16xf32>
      tpu.vector_store %arg9[%swap3A_153, %swap3A_154, %swap3A_155], %swap3A_158 {strides = array<i32>} : memref<2x128x128xf32, #tpu.memory_space<vmem>>, vector<1x1x16xf32>,
      %broadcast_in_dim3A_159 = arith.constant 0.000000e+00 : f32
      %broadcast_in_dim3A_160 = vector.broadcast %broadcast_in_dim3A_159 : f32 to vector<16xf32>
      %swap3A_161 = arith.constant 0 : i32
      %swap3A_162 = arith.index_cast %swap3A_161 : i32 to index
      %swap3A_163 = arith.index_cast %add3A_115 : i32 to index
      %swap3A_164 = arith.constant 80 : index
      %swap3A_165 = tpu.vector_load %arg9[%swap3A_162, %swap3A_163, %swap3A_164] {strides = array<i32>} : memref<2x128x128xf32, #tpu.memory_space<vmem>>, vector<1x1x16xf32>,
      %swap3A_166 = vector.shape_cast %swap3A_165 : vector<1x1x16xf32> to vector<16xf32>
      %swap3A_167 = vector.shape_cast %broadcast_in_dim3A_160 : vector<16xf32> to vector<1x1x16xf32>
      tpu.vector_store %arg9[%swap3A_162, %swap3A_163, %swap3A_164], %swap3A_167 {strides = array<i32>} : memref<2x128x128xf32, #tpu.memory_space<vmem>>, vector<1x1x16xf32>,
      %broadcast_in_dim3A_168 = arith.constant 0.000000e+00 : f32
      %broadcast_in_dim3A_169 = vector.broadcast %broadcast_in_dim3A_168 : f32 to vector<16xf32>
      %swap3A_170 = arith.constant 0 : i32
      %swap3A_171 = arith.index_cast %swap3A_170 : i32 to index
      %swap3A_172 = arith.index_cast %add3A_115 : i32 to index
      %swap3A_173 = arith.constant 96 : index
      %swap3A_174 = tpu.vector_load %arg9[%swap3A_171, %swap3A_172, %swap3A_173] {strides = array<i32>} : memref<2x128x128xf32, #tpu.memory_space<vmem>>, vector<1x1x16xf32>,
      %swap3A_175 = vector.shape_cast %swap3A_174 : vector<1x1x16xf32> to vector<16xf32>
      %swap3A_176 = vector.shape_cast %broadcast_in_dim3A_169 : vector<16xf32> to vector<1x1x16xf32>
      tpu.vector_store %arg9[%swap3A_171, %swap3A_172, %swap3A_173], %swap3A_176 {strides = array<i32>} : memref<2x128x128xf32, #tpu.memory_space<vmem>>, vector<1x1x16xf32>,
      %broadcast_in_dim3A_177 = arith.constant 0.000000e+00 : f32
      %broadcast_in_dim3A_178 = vector.broadcast %broadcast_in_dim3A_177 : f32 to vector<16xf32>
      %swap3A_179 = arith.constant 0 : i32
      %swap3A_180 = arith.index_cast %swap3A_179 : i32 to index
      %swap3A_181 = arith.index_cast %add3A_115 : i32 to index
      %swap3A_182 = arith.constant 112 : index
      %swap3A_183 = tpu.vector_load %arg9[%swap3A_180, %swap3A_181, %swap3A_182] {strides = array<i32>} : memref<2x128x128xf32, #tpu.memory_space<vmem>>, vector<1x1x16xf32>,
      %swap3A_184 = vector.shape_cast %swap3A_183 : vector<1x1x16xf32> to vector<16xf32>
      %swap3A_185 = vector.shape_cast %broadcast_in_dim3A_178 : vector<16xf32> to vector<1x1x16xf32>
      tpu.vector_store %arg9[%swap3A_180, %swap3A_181, %swap3A_182], %swap3A_185 {strides = array<i32>} : memref<2x128x128xf32, #tpu.memory_space<vmem>>, vector<1x1x16xf32>,
    }
    %scan3A_4 = arith.constant 128 : i32
    %mul3A_5 = arith.constant 632 : i32
    %mul3A_6 = arith.muli %arg1, %mul3A_5 : i32
    %add3A_7 = arith.constant 0 : i32
    %add3A_8 = arith.addi %mul3A_6, %add3A_7 : i32
    %run_scoped3A = arith.constant 0 : i32
    "tpu.region"() ({
      %run_scoped3A_111 = tpu.sem_alloc : memref<!tpu.dma_semaphore, #tpu.memory_space<semaphore_mem>>
      %dma_start3A_112 = arith.constant 0 : i32
      %dma_start3A_113 = arith.constant 0 : i32
      %dma_start3A_114 = tpu.memref_slice %arg9[%run_scoped3A, %dma_start3A_112, %dma_start3A_113] : memref<2x128x128xf32, #tpu.memory_space<vmem>> -> memref<1x128x128xf32, #tpu.memory_space<vmem>>
      %dma_start3A_115 = tpu.memref_squeeze %dma_start3A_114 : memref<1x128x128xf32, #tpu.memory_space<vmem>> -> memref<128x128xf32, #tpu.memory_space<vmem>>
      %dma_start3A_116 = arith.constant 0 : i32
      %dma_start3A_117 = tpu.memref_slice %arg6[%add3A_8, %dma_start3A_116] : memref<10112x128xf32, #tpu.memory_space<vmem_shared>> -> memref<128x128xf32, #tpu.memory_space<vmem_shared>>
      %dma_start3A_118 = arith.constant 0 : i32
      %dma_start3A_119 = tpu.memref_slice %arg6[%add3A_8, %dma_start3A_118] : memref<10112x128xf32, #tpu.memory_space<vmem_shared>> -> memref<128x128xf32, #tpu.memory_space<vmem_shared>>
      %dma_start3A_120 = arith.constant 0 : i32
      %dma_start3A_121 = arith.constant 0 : i32
      %dma_start3A_122 = tpu.memref_slice %arg9[%run_scoped3A, %dma_start3A_120, %dma_start3A_121] : memref<2x128x128xf32, #tpu.memory_space<vmem>> -> memref<1x128x128xf32, #tpu.memory_space<vmem>>
      %dma_start3A_123 = tpu.memref_squeeze %dma_start3A_122 : memref<1x128x128xf32, #tpu.memory_space<vmem>> -> memref<128x128xf32, #tpu.memory_space<vmem>>
      tpu.enqueue_dma source(%dma_start3A_123 : memref<128x128xf32, #tpu.memory_space<vmem>>) target(%dma_start3A_119 : memref<128x128xf32, #tpu.memory_space<vmem_shared>>) target_semaphore(%run_scoped3A_111 : memref<!tpu.dma_semaphore, #tpu.memory_space<semaphore_mem>>)
      %dma_wait3A = arith.constant 0 : i32
      %dma_wait3A_124 = arith.constant 0 : i32
      %dma_wait3A_125 = tpu.memref_slice %arg9[%run_scoped3A, %dma_wait3A, %dma_wait3A_124] : memref<2x128x128xf32, #tpu.memory_space<vmem>> -> memref<1x128x128xf32, #tpu.memory_space<vmem>>
      %dma_wait3A_126 = tpu.memref_squeeze %dma_wait3A_125 : memref<1x128x128xf32, #tpu.memory_space<vmem>> -> memref<128x128xf32, #tpu.memory_space<vmem>>
      %dma_wait3A_127 = arith.constant 0 : i32
      %dma_wait3A_128 = tpu.memref_slice %arg6[%add3A_8, %dma_wait3A_127] : memref<10112x128xf32, #tpu.memory_space<vmem_shared>> -> memref<128x128xf32, #tpu.memory_space<vmem_shared>>
      %dma_wait3A_129 = arith.constant 0 : i32
      %dma_wait3A_130 = tpu.memref_slice %arg6[%add3A_8, %dma_wait3A_129] : memref<10112x128xf32, #tpu.memory_space<vmem_shared>> -> memref<128x128xf32, #tpu.memory_space<vmem_shared>>
      %dma_wait3A_131 = arith.constant 0 : i32
      %dma_wait3A_132 = arith.constant 0 : i32
      %dma_wait3A_133 = tpu.memref_slice %arg9[%run_scoped3A, %dma_wait3A_131, %dma_wait3A_132] : memref<2x128x128xf32, #tpu.memory_space<vmem>> -> memref<1x128x128xf32, #tpu.memory_space<vmem>>
      %dma_wait3A_134 = tpu.memref_squeeze %dma_wait3A_133 : memref<1x128x128xf32, #tpu.memory_space<vmem>> -> memref<128x128xf32, #tpu.memory_space<vmem>>
      tpu.wait_dma2 semaphore(%run_scoped3A_111 : memref<!tpu.dma_semaphore, #tpu.memory_space<semaphore_mem>>) src(%dma_wait3A_134 : memref<128x128xf32, #tpu.memory_space<vmem>>) dst(%dma_wait3A_130 : memref<128x128xf32, #tpu.memory_space<vmem_shared>>)
      tpu.yield
    }) : () -> ()
    %mul3A_9 = arith.constant 632 : i32
    %mul3A_10 = arith.muli %arg1, %mul3A_9 : i32
    %add3A_11 = arith.constant 128 : i32
    %add3A_12 = arith.addi %mul3A_10, %add3A_11 : i32
    %run_scoped3A_13 = arith.constant 0 : i32
    "tpu.region"() ({
      %run_scoped3A_111 = tpu.sem_alloc : memref<!tpu.dma_semaphore, #tpu.memory_space<semaphore_mem>>
      %dma_start3A_112 = arith.constant 0 : i32
      %dma_start3A_113 = arith.constant 0 : i32
      %dma_start3A_114 = tpu.memref_slice %arg9[%run_scoped3A_13, %dma_start3A_112, %dma_start3A_113] : memref<2x128x128xf32, #tpu.memory_space<vmem>> -> memref<1x128x128xf32, #tpu.memory_space<vmem>>
      %dma_start3A_115 = tpu.memref_squeeze %dma_start3A_114 : memref<1x128x128xf32, #tpu.memory_space<vmem>> -> memref<128x128xf32, #tpu.memory_space<vmem>>
      %dma_start3A_116 = arith.constant 0 : i32
      %dma_start3A_117 = tpu.memref_slice %arg6[%add3A_12, %dma_start3A_116] : memref<10112x128xf32, #tpu.memory_space<vmem_shared>> -> memref<128x128xf32, #tpu.memory_space<vmem_shared>>
      %dma_start3A_118 = arith.constant 0 : i32
      %dma_start3A_119 = tpu.memref_slice %arg6[%add3A_12, %dma_start3A_118] : memref<10112x128xf32, #tpu.memory_space<vmem_shared>> -> memref<128x128xf32, #tpu.memory_space<vmem_shared>>
      %dma_start3A_120 = arith.constant 0 : i32
      %dma_start3A_121 = arith.constant 0 : i32
      %dma_start3A_122 = tpu.memref_slice %arg9[%run_scoped3A_13, %dma_start3A_120, %dma_start3A_121] : memref<2x128x128xf32, #tpu.memory_space<vmem>> -> memref<1x128x128xf32, #tpu.memory_space<vmem>>
      %dma_start3A_123 = tpu.memref_squeeze %dma_start3A_122 : memref<1x128x128xf32, #tpu.memory_space<vmem>> -> memref<128x128xf32, #tpu.memory_space<vmem>>
      tpu.enqueue_dma source(%dma_start3A_123 : memref<128x128xf32, #tpu.memory_space<vmem>>) target(%dma_start3A_119 : memref<128x128xf32, #tpu.memory_space<vmem_shared>>) target_semaphore(%run_scoped3A_111 : memref<!tpu.dma_semaphore, #tpu.memory_space<semaphore_mem>>)
      %dma_wait3A = arith.constant 0 : i32
      %dma_wait3A_124 = arith.constant 0 : i32
      %dma_wait3A_125 = tpu.memref_slice %arg9[%run_scoped3A_13, %dma_wait3A, %dma_wait3A_124] : memref<2x128x128xf32, #tpu.memory_space<vmem>> -> memref<1x128x128xf32, #tpu.memory_space<vmem>>
      %dma_wait3A_126 = tpu.memref_squeeze %dma_wait3A_125 : memref<1x128x128xf32, #tpu.memory_space<vmem>> -> memref<128x128xf32, #tpu.memory_space<vmem>>
      %dma_wait3A_127 = arith.constant 0 : i32
      %dma_wait3A_128 = tpu.memref_slice %arg6[%add3A_12, %dma_wait3A_127] : memref<10112x128xf32, #tpu.memory_space<vmem_shared>> -> memref<128x128xf32, #tpu.memory_space<vmem_shared>>
      %dma_wait3A_129 = arith.constant 0 : i32
      %dma_wait3A_130 = tpu.memref_slice %arg6[%add3A_12, %dma_wait3A_129] : memref<10112x128xf32, #tpu.memory_space<vmem_shared>> -> memref<128x128xf32, #tpu.memory_space<vmem_shared>>
      %dma_wait3A_131 = arith.constant 0 : i32
      %dma_wait3A_132 = arith.constant 0 : i32
      %dma_wait3A_133 = tpu.memref_slice %arg9[%run_scoped3A_13, %dma_wait3A_131, %dma_wait3A_132] : memref<2x128x128xf32, #tpu.memory_space<vmem>> -> memref<1x128x128xf32, #tpu.memory_space<vmem>>
      %dma_wait3A_134 = tpu.memref_squeeze %dma_wait3A_133 : memref<1x128x128xf32, #tpu.memory_space<vmem>> -> memref<128x128xf32, #tpu.memory_space<vmem>>
      tpu.wait_dma2 semaphore(%run_scoped3A_111 : memref<!tpu.dma_semaphore, #tpu.memory_space<semaphore_mem>>) src(%dma_wait3A_134 : memref<128x128xf32, #tpu.memory_space<vmem>>) dst(%dma_wait3A_130 : memref<128x128xf32, #tpu.memory_space<vmem_shared>>)
      tpu.yield
    }) : () -> ()
    %mul3A_14 = arith.constant 632 : i32
    %mul3A_15 = arith.muli %arg1, %mul3A_14 : i32
    %add3A_16 = arith.constant 256 : i32
    %add3A_17 = arith.addi %mul3A_15, %add3A_16 : i32
    %run_scoped3A_18 = arith.constant 0 : i32
    "tpu.region"() ({
      %run_scoped3A_111 = tpu.sem_alloc : memref<!tpu.dma_semaphore, #tpu.memory_space<semaphore_mem>>
      %dma_start3A_112 = arith.constant 0 : i32
      %dma_start3A_113 = arith.constant 0 : i32
      %dma_start3A_114 = tpu.memref_slice %arg9[%run_scoped3A_18, %dma_start3A_112, %dma_start3A_113] : memref<2x128x128xf32, #tpu.memory_space<vmem>> -> memref<1x128x128xf32, #tpu.memory_space<vmem>>
      %dma_start3A_115 = tpu.memref_squeeze %dma_start3A_114 : memref<1x128x128xf32, #tpu.memory_space<vmem>> -> memref<128x128xf32, #tpu.memory_space<vmem>>
      %dma_start3A_116 = arith.constant 0 : i32
      %dma_start3A_117 = tpu.memref_slice %arg6[%add3A_17, %dma_start3A_116] : memref<10112x128xf32, #tpu.memory_space<vmem_shared>> -> memref<128x128xf32, #tpu.memory_space<vmem_shared>>
      %dma_start3A_118 = arith.constant 0 : i32
      %dma_start3A_119 = tpu.memref_slice %arg6[%add3A_17, %dma_start3A_118] : memref<10112x128xf32, #tpu.memory_space<vmem_shared>> -> memref<128x128xf32, #tpu.memory_space<vmem_shared>>
      %dma_start3A_120 = arith.constant 0 : i32
      %dma_start3A_121 = arith.constant 0 : i32
      %dma_start3A_122 = tpu.memref_slice %arg9[%run_scoped3A_18, %dma_start3A_120, %dma_start3A_121] : memref<2x128x128xf32, #tpu.memory_space<vmem>> -> memref<1x128x128xf32, #tpu.memory_space<vmem>>
      %dma_start3A_123 = tpu.memref_squeeze %dma_start3A_122 : memref<1x128x128xf32, #tpu.memory_space<vmem>> -> memref<128x128xf32, #tpu.memory_space<vmem>>
      tpu.enqueue_dma source(%dma_start3A_123 : memref<128x128xf32, #tpu.memory_space<vmem>>) target(%dma_start3A_119 : memref<128x128xf32, #tpu.memory_space<vmem_shared>>) target_semaphore(%run_scoped3A_111 : memref<!tpu.dma_semaphore, #tpu.memory_space<semaphore_mem>>)
      %dma_wait3A = arith.constant 0 : i32
      %dma_wait3A_124 = arith.constant 0 : i32
      %dma_wait3A_125 = tpu.memref_slice %arg9[%run_scoped3A_18, %dma_wait3A, %dma_wait3A_124] : memref<2x128x128xf32, #tpu.memory_space<vmem>> -> memref<1x128x128xf32, #tpu.memory_space<vmem>>
      %dma_wait3A_126 = tpu.memref_squeeze %dma_wait3A_125 : memref<1x128x128xf32, #tpu.memory_space<vmem>> -> memref<128x128xf32, #tpu.memory_space<vmem>>
      %dma_wait3A_127 = arith.constant 0 : i32
      %dma_wait3A_128 = tpu.memref_slice %arg6[%add3A_17, %dma_wait3A_127] : memref<10112x128xf32, #tpu.memory_space<vmem_shared>> -> memref<128x128xf32, #tpu.memory_space<vmem_shared>>
      %dma_wait3A_129 = arith.constant 0 : i32
      %dma_wait3A_130 = tpu.memref_slice %arg6[%add3A_17, %dma_wait3A_129] : memref<10112x128xf32, #tpu.memory_space<vmem_shared>> -> memref<128x128xf32, #tpu.memory_space<vmem_shared>>
      %dma_wait3A_131 = arith.constant 0 : i32
      %dma_wait3A_132 = arith.constant 0 : i32
      %dma_wait3A_133 = tpu.memref_slice %arg9[%run_scoped3A_18, %dma_wait3A_131, %dma_wait3A_132] : memref<2x128x128xf32, #tpu.memory_space<vmem>> -> memref<1x128x128xf32, #tpu.memory_space<vmem>>
      %dma_wait3A_134 = tpu.memref_squeeze %dma_wait3A_133 : memref<1x128x128xf32, #tpu.memory_space<vmem>> -> memref<128x128xf32, #tpu.memory_space<vmem>>
      tpu.wait_dma2 semaphore(%run_scoped3A_111 : memref<!tpu.dma_semaphore, #tpu.memory_space<semaphore_mem>>) src(%dma_wait3A_134 : memref<128x128xf32, #tpu.memory_space<vmem>>) dst(%dma_wait3A_130 : memref<128x128xf32, #tpu.memory_space<vmem_shared>>)
      tpu.yield
    }) : () -> ()
    %mul3A_19 = arith.constant 632 : i32
    %mul3A_20 = arith.muli %arg1, %mul3A_19 : i32
    %add3A_21 = arith.constant 384 : i32
    %add3A_22 = arith.addi %mul3A_20, %add3A_21 : i32
    %run_scoped3A_23 = arith.constant 0 : i32
    "tpu.region"() ({
      %run_scoped3A_111 = tpu.sem_alloc : memref<!tpu.dma_semaphore, #tpu.memory_space<semaphore_mem>>
      %dma_start3A_112 = arith.constant 0 : i32
      %dma_start3A_113 = arith.constant 0 : i32
      %dma_start3A_114 = tpu.memref_slice %arg9[%run_scoped3A_23, %dma_start3A_112, %dma_start3A_113] : memref<2x128x128xf32, #tpu.memory_space<vmem>> -> memref<1x128x128xf32, #tpu.memory_space<vmem>>
      %dma_start3A_115 = tpu.memref_squeeze %dma_start3A_114 : memref<1x128x128xf32, #tpu.memory_space<vmem>> -> memref<128x128xf32, #tpu.memory_space<vmem>>
      %dma_start3A_116 = arith.constant 0 : i32
      %dma_start3A_117 = tpu.memref_slice %arg6[%add3A_22, %dma_start3A_116] : memref<10112x128xf32, #tpu.memory_space<vmem_shared>> -> memref<128x128xf32, #tpu.memory_space<vmem_shared>>
      %dma_start3A_118 = arith.constant 0 : i32
      %dma_start3A_119 = tpu.memref_slice %arg6[%add3A_22, %dma_start3A_118] : memref<10112x128xf32, #tpu.memory_space<vmem_shared>> -> memref<128x128xf32, #tpu.memory_space<vmem_shared>>
      %dma_start3A_120 = arith.constant 0 : i32
      %dma_start3A_121 = arith.constant 0 : i32
      %dma_start3A_122 = tpu.memref_slice %arg9[%run_scoped3A_23, %dma_start3A_120, %dma_start3A_121] : memref<2x128x128xf32, #tpu.memory_space<vmem>> -> memref<1x128x128xf32, #tpu.memory_space<vmem>>
      %dma_start3A_123 = tpu.memref_squeeze %dma_start3A_122 : memref<1x128x128xf32, #tpu.memory_space<vmem>> -> memref<128x128xf32, #tpu.memory_space<vmem>>
      tpu.enqueue_dma source(%dma_start3A_123 : memref<128x128xf32, #tpu.memory_space<vmem>>) target(%dma_start3A_119 : memref<128x128xf32, #tpu.memory_space<vmem_shared>>) target_semaphore(%run_scoped3A_111 : memref<!tpu.dma_semaphore, #tpu.memory_space<semaphore_mem>>)
      %dma_wait3A = arith.constant 0 : i32
      %dma_wait3A_124 = arith.constant 0 : i32
      %dma_wait3A_125 = tpu.memref_slice %arg9[%run_scoped3A_23, %dma_wait3A, %dma_wait3A_124] : memref<2x128x128xf32, #tpu.memory_space<vmem>> -> memref<1x128x128xf32, #tpu.memory_space<vmem>>
      %dma_wait3A_126 = tpu.memref_squeeze %dma_wait3A_125 : memref<1x128x128xf32, #tpu.memory_space<vmem>> -> memref<128x128xf32, #tpu.memory_space<vmem>>
      %dma_wait3A_127 = arith.constant 0 : i32
      %dma_wait3A_128 = tpu.memref_slice %arg6[%add3A_22, %dma_wait3A_127] : memref<10112x128xf32, #tpu.memory_space<vmem_shared>> -> memref<128x128xf32, #tpu.memory_space<vmem_shared>>
      %dma_wait3A_129 = arith.constant 0 : i32
      %dma_wait3A_130 = tpu.memref_slice %arg6[%add3A_22, %dma_wait3A_129] : memref<10112x128xf32, #tpu.memory_space<vmem_shared>> -> memref<128x128xf32, #tpu.memory_space<vmem_shared>>
      %dma_wait3A_131 = arith.constant 0 : i32
      %dma_wait3A_132 = arith.constant 0 : i32
      %dma_wait3A_133 = tpu.memref_slice %arg9[%run_scoped3A_23, %dma_wait3A_131, %dma_wait3A_132] : memref<2x128x128xf32, #tpu.memory_space<vmem>> -> memref<1x128x128xf32, #tpu.memory_space<vmem>>
      %dma_wait3A_134 = tpu.memref_squeeze %dma_wait3A_133 : memref<1x128x128xf32, #tpu.memory_space<vmem>> -> memref<128x128xf32, #tpu.memory_space<vmem>>
      tpu.wait_dma2 semaphore(%run_scoped3A_111 : memref<!tpu.dma_semaphore, #tpu.memory_space<semaphore_mem>>) src(%dma_wait3A_134 : memref<128x128xf32, #tpu.memory_space<vmem>>) dst(%dma_wait3A_130 : memref<128x128xf32, #tpu.memory_space<vmem_shared>>)
      tpu.yield
    }) : () -> ()
    %mul3A_24 = arith.constant 632 : i32
    %mul3A_25 = arith.muli %arg1, %mul3A_24 : i32
    %add3A_26 = arith.constant 512 : i32
    %add3A_27 = arith.addi %mul3A_25, %add3A_26 : i32
    %run_scoped3A_28 = arith.constant 0 : i32
    "tpu.region"() ({
      %run_scoped3A_111 = tpu.sem_alloc : memref<!tpu.dma_semaphore, #tpu.memory_space<semaphore_mem>>
      %dma_start3A_112 = arith.constant 0 : i32
      %dma_start3A_113 = arith.constant 0 : i32
      %dma_start3A_114 = tpu.memref_slice %arg9[%run_scoped3A_28, %dma_start3A_112, %dma_start3A_113] : memref<2x128x128xf32, #tpu.memory_space<vmem>> -> memref<1x120x128xf32, #tpu.memory_space<vmem>>
      %dma_start3A_115 = tpu.memref_squeeze %dma_start3A_114 : memref<1x120x128xf32, #tpu.memory_space<vmem>> -> memref<120x128xf32, #tpu.memory_space<vmem>>
      %dma_start3A_116 = arith.constant 0 : i32
      %dma_start3A_117 = tpu.memref_slice %arg6[%add3A_27, %dma_start3A_116] : memref<10112x128xf32, #tpu.memory_space<vmem_shared>> -> memref<120x128xf32, #tpu.memory_space<vmem_shared>>
      %dma_start3A_118 = arith.constant 0 : i32
      %dma_start3A_119 = tpu.memref_slice %arg6[%add3A_27, %dma_start3A_118] : memref<10112x128xf32, #tpu.memory_space<vmem_shared>> -> memref<120x128xf32, #tpu.memory_space<vmem_shared>>
      %dma_start3A_120 = arith.constant 0 : i32
      %dma_start3A_121 = arith.constant 0 : i32
      %dma_start3A_122 = tpu.memref_slice %arg9[%run_scoped3A_28, %dma_start3A_120, %dma_start3A_121] : memref<2x128x128xf32, #tpu.memory_space<vmem>> -> memref<1x120x128xf32, #tpu.memory_space<vmem>>
      %dma_start3A_123 = tpu.memref_squeeze %dma_start3A_122 : memref<1x120x128xf32, #tpu.memory_space<vmem>> -> memref<120x128xf32, #tpu.memory_space<vmem>>
      tpu.enqueue_dma source(%dma_start3A_123 : memref<120x128xf32, #tpu.memory_space<vmem>>) target(%dma_start3A_119 : memref<120x128xf32, #tpu.memory_space<vmem_shared>>) target_semaphore(%run_scoped3A_111 : memref<!tpu.dma_semaphore, #tpu.memory_space<semaphore_mem>>)
      %dma_wait3A = arith.constant 0 : i32
      %dma_wait3A_124 = arith.constant 0 : i32
      %dma_wait3A_125 = tpu.memref_slice %arg9[%run_scoped3A_28, %dma_wait3A, %dma_wait3A_124] : memref<2x128x128xf32, #tpu.memory_space<vmem>> -> memref<1x120x128xf32, #tpu.memory_space<vmem>>
      %dma_wait3A_126 = tpu.memref_squeeze %dma_wait3A_125 : memref<1x120x128xf32, #tpu.memory_space<vmem>> -> memref<120x128xf32, #tpu.memory_space<vmem>>
      %dma_wait3A_127 = arith.constant 0 : i32
      %dma_wait3A_128 = tpu.memref_slice %arg6[%add3A_27, %dma_wait3A_127] : memref<10112x128xf32, #tpu.memory_space<vmem_shared>> -> memref<120x128xf32, #tpu.memory_space<vmem_shared>>
      %dma_wait3A_129 = arith.constant 0 : i32
      %dma_wait3A_130 = tpu.memref_slice %arg6[%add3A_27, %dma_wait3A_129] : memref<10112x128xf32, #tpu.memory_space<vmem_shared>> -> memref<120x128xf32, #tpu.memory_space<vmem_shared>>
      %dma_wait3A_131 = arith.constant 0 : i32
      %dma_wait3A_132 = arith.constant 0 : i32
      %dma_wait3A_133 = tpu.memref_slice %arg9[%run_scoped3A_28, %dma_wait3A_131, %dma_wait3A_132] : memref<2x128x128xf32, #tpu.memory_space<vmem>> -> memref<1x120x128xf32, #tpu.memory_space<vmem>>
      %dma_wait3A_134 = tpu.memref_squeeze %dma_wait3A_133 : memref<1x120x128xf32, #tpu.memory_space<vmem>> -> memref<120x128xf32, #tpu.memory_space<vmem>>
      tpu.wait_dma2 semaphore(%run_scoped3A_111 : memref<!tpu.dma_semaphore, #tpu.memory_space<semaphore_mem>>) src(%dma_wait3A_134 : memref<120x128xf32, #tpu.memory_space<vmem>>) dst(%dma_wait3A_130 : memref<120x128xf32, #tpu.memory_space<vmem_shared>>)
      tpu.yield
    }) : () -> ()
    %barrier3A = arith.constant 0 : index
    tpu.barrier barrier_id(%barrier3A)
    %mul3A_29 = arith.constant 80 : i32
    %mul3A_30 = arith.muli %add3A, %mul3A_29 : i32
    %add3A_31 = arith.constant 0 : i32
    %add3A_32 = arith.addi %mul3A_30, %add3A_31 : i32
    "tpu.region"() ({
      %run_scoped3A_111 = tpu.sem_alloc : memref<!tpu.dma_semaphore, #tpu.memory_space<semaphore_mem>>
      %dma_start3A_112 = arith.constant 0 : i32
      %dma_start3A_113 = tpu.memref_slice %arg3[%add3A_32, %dma_start3A_112] : memref<2560x128xi32, #tpu.memory_space<hbm>> -> memref<40x128xi32, #tpu.memory_space<hbm>>
      %dma_start3A_114 = arith.constant 0 : i32
      %dma_start3A_115 = tpu.memref_slice %arg3[%add3A_32, %dma_start3A_114] : memref<2560x128xi32, #tpu.memory_space<hbm>> -> memref<40x128xi32, #tpu.memory_space<hbm>>
      tpu.enqueue_dma source(%dma_start3A_115 : memref<40x128xi32, #tpu.memory_space<hbm>>) target(%arg7 : memref<40x128xi32, #tpu.memory_space<vmem>>) target_semaphore(%run_scoped3A_111 : memref<!tpu.dma_semaphore, #tpu.memory_space<semaphore_mem>>)
      %dma_wait3A = arith.constant 0 : i32
      %dma_wait3A_116 = tpu.memref_slice %arg3[%add3A_32, %dma_wait3A] : memref<2560x128xi32, #tpu.memory_space<hbm>> -> memref<40x128xi32, #tpu.memory_space<hbm>>
      %dma_wait3A_117 = arith.constant 0 : i32
      %dma_wait3A_118 = tpu.memref_slice %arg3[%add3A_32, %dma_wait3A_117] : memref<2560x128xi32, #tpu.memory_space<hbm>> -> memref<40x128xi32, #tpu.memory_space<hbm>>
      tpu.wait_dma2 semaphore(%run_scoped3A_111 : memref<!tpu.dma_semaphore, #tpu.memory_space<semaphore_mem>>) src(%dma_wait3A_118 : memref<40x128xi32, #tpu.memory_space<hbm>>) dst(%arg7 : memref<40x128xi32, #tpu.memory_space<vmem>>)
      tpu.yield
    }) : () -> ()
    "tpu.region"() ({
      %run_scoped3A_111 = tpu.sem_alloc : memref<!tpu.dma_semaphore, #tpu.memory_space<semaphore_mem>>
      %dma_start3A_112 = arith.constant 0 : i32
      %dma_start3A_113 = tpu.memref_slice %arg4[%add3A_32, %dma_start3A_112] : memref<2560x128xi32, #tpu.memory_space<hbm>> -> memref<40x128xi32, #tpu.memory_space<hbm>>
      %dma_start3A_114 = arith.constant 0 : i32
      %dma_start3A_115 = tpu.memref_slice %arg4[%add3A_32, %dma_start3A_114] : memref<2560x128xi32, #tpu.memory_space<hbm>> -> memref<40x128xi32, #tpu.memory_space<hbm>>
      tpu.enqueue_dma source(%dma_start3A_115 : memref<40x128xi32, #tpu.memory_space<hbm>>) target(%arg8 : memref<40x128xi32, #tpu.memory_space<vmem>>) target_semaphore(%run_scoped3A_111 : memref<!tpu.dma_semaphore, #tpu.memory_space<semaphore_mem>>)
      %dma_wait3A = arith.constant 0 : i32
      %dma_wait3A_116 = tpu.memref_slice %arg4[%add3A_32, %dma_wait3A] : memref<2560x128xi32, #tpu.memory_space<hbm>> -> memref<40x128xi32, #tpu.memory_space<hbm>>
      %dma_wait3A_117 = arith.constant 0 : i32
      %dma_wait3A_118 = tpu.memref_slice %arg4[%add3A_32, %dma_wait3A_117] : memref<2560x128xi32, #tpu.memory_space<hbm>> -> memref<40x128xi32, #tpu.memory_space<hbm>>
      tpu.wait_dma2 semaphore(%run_scoped3A_111 : memref<!tpu.dma_semaphore, #tpu.memory_space<semaphore_mem>>) src(%dma_wait3A_118 : memref<40x128xi32, #tpu.memory_space<hbm>>) dst(%arg8 : memref<40x128xi32, #tpu.memory_space<vmem>>)
      tpu.yield
    }) : () -> ()
    %dma_start3A = arith.constant 0 : i32
    %dma_start3A_33 = arith.constant 0 : i32
    %dma_start3A_34 = arith.constant 0 : i32
    %dma_start3A_35 = arith.constant 0 : i32
    %dma_start3A_36 = arith.constant 0 : i32
    %dma_start3A_37 = tpu.memref_slice %arg9[%dma_start3A_33, %dma_start3A_35, %dma_start3A_36] : memref<2x128x128xf32, #tpu.memory_space<vmem>> -> memref<1x128x128xf32, #tpu.memory_space<vmem>>
    %dma_start3A_38 = tpu.memref_squeeze %dma_start3A_37 : memref<1x128x128xf32, #tpu.memory_space<vmem>> -> memref<128x128xf32, #tpu.memory_space<vmem>>
    %dma_start3A_39 = arith.constant 0 : i32
    %dma_start3A_40 = tpu.memref_slice %arg7[%dma_start3A, %dma_start3A_39] : memref<40x128xi32, #tpu.memory_space<vmem>> -> memref<1x128xi32, #tpu.memory_space<vmem>>
    %dma_start3A_41 = tpu.memref_squeeze %dma_start3A_40 : memref<1x128xi32, #tpu.memory_space<vmem>> -> memref<128xi32, #tpu.memory_space<vmem>>
    %dma_start3A_42 = arith.constant 0 : i32
    %dma_start3A_43 = arith.constant 0 : i32
    %dma_start3A_44 = tpu.memref_slice %arg2[%dma_start3A_42, %dma_start3A_43] : memref<10112x128xf32, #tpu.memory_space<hbm>> -> memref<10112x128xf32, #tpu.memory_space<hbm>>
    %dma_start3A_45 = tpu.memref_slice %arg10[%dma_start3A_34] : memref<2x!tpu.dma_semaphore, #tpu.memory_space<semaphore_mem>> -> memref<1x!tpu.dma_semaphore, #tpu.memory_space<semaphore_mem>>
    %dma_start3A_46 = tpu.memref_squeeze %dma_start3A_45 : memref<1x!tpu.dma_semaphore, #tpu.memory_space<semaphore_mem>> -> memref<!tpu.dma_semaphore, #tpu.memory_space<semaphore_mem>>
    tpu.enqueue_indirect_dma source(%dma_start3A_44 : memref<10112x128xf32, #tpu.memory_space<hbm>>) target(%dma_start3A_38 : memref<128x128xf32, #tpu.memory_space<vmem>>) offsets(%dma_start3A_41 : memref<128xi32, #tpu.memory_space<vmem>>) semaphore(%dma_start3A_46 : memref<!tpu.dma_semaphore, #tpu.memory_space<semaphore_mem>>)
    %dma_start3A_47 = arith.constant 1 : i32
    %dma_start3A_48 = arith.constant 1 : i32
    %dma_start3A_49 = arith.constant 1 : i32
    %dma_start3A_50 = arith.constant 0 : i32
    %dma_start3A_51 = arith.constant 0 : i32
    %dma_start3A_52 = tpu.memref_slice %arg9[%dma_start3A_48, %dma_start3A_50, %dma_start3A_51] : memref<2x128x128xf32, #tpu.memory_space<vmem>> -> memref<1x128x128xf32, #tpu.memory_space<vmem>>
    %dma_start3A_53 = tpu.memref_squeeze %dma_start3A_52 : memref<1x128x128xf32, #tpu.memory_space<vmem>> -> memref<128x128xf32, #tpu.memory_space<vmem>>
    %dma_start3A_54 = arith.constant 0 : i32
    %dma_start3A_55 = tpu.memref_slice %arg7[%dma_start3A_47, %dma_start3A_54] : memref<40x128xi32, #tpu.memory_space<vmem>> -> memref<1x128xi32, #tpu.memory_space<vmem>>
    %dma_start3A_56 = tpu.memref_squeeze %dma_start3A_55 : memref<1x128xi32, #tpu.memory_space<vmem>> -> memref<128xi32, #tpu.memory_space<vmem>>
    %dma_start3A_57 = arith.constant 0 : i32
    %dma_start3A_58 = arith.constant 0 : i32
    %dma_start3A_59 = tpu.memref_slice %arg2[%dma_start3A_57, %dma_start3A_58] : memref<10112x128xf32, #tpu.memory_space<hbm>> -> memref<10112x128xf32, #tpu.memory_space<hbm>>
    %dma_start3A_60 = tpu.memref_slice %arg10[%dma_start3A_49] : memref<2x!tpu.dma_semaphore, #tpu.memory_space<semaphore_mem>> -> memref<1x!tpu.dma_semaphore, #tpu.memory_space<semaphore_mem>>
    %dma_start3A_61 = tpu.memref_squeeze %dma_start3A_60 : memref<1x!tpu.dma_semaphore, #tpu.memory_space<semaphore_mem>> -> memref<!tpu.dma_semaphore, #tpu.memory_space<semaphore_mem>>
    tpu.enqueue_indirect_dma source(%dma_start3A_59 : memref<10112x128xf32, #tpu.memory_space<hbm>>) target(%dma_start3A_53 : memref<128x128xf32, #tpu.memory_space<vmem>>) offsets(%dma_start3A_56 : memref<128xi32, #tpu.memory_space<vmem>>) semaphore(%dma_start3A_61 : memref<!tpu.dma_semaphore, #tpu.memory_space<semaphore_mem>>)
    %scan3A_62 = arith.constant 0 : i32
    %scan3A_63 = arith.constant 20 : i32
    %scan3A_64 = arith.addi %scan3A_62, %scan3A_63 : i32
    %scan3A_65 = arith.constant 1 : i32
    scf.for %scan3A_111 = %scan3A_62 to %scan3A_64 step %scan3A_65  : i32 {
      %mul3A_112 = arith.constant 2 : i32
      %mul3A_113 = arith.muli %scan3A_111, %mul3A_112 : i32
      %add3A_114 = arith.constant 0 : i32
      %add3A_115 = arith.addi %add3A_114, %mul3A_113 : i32
      %add3A_116 = arith.constant 0 : i32
      %add3A_117 = arith.addi %add3A_115, %add3A_116 : i32
      %dma_wait3A = arith.constant 0 : i32
      %dma_wait3A_118 = arith.constant 0 : i32
      %dma_wait3A_119 = arith.constant 0 : i32
      %dma_wait3A_120 = arith.constant 0 : i32
      %dma_wait3A_121 = tpu.memref_slice %arg9[%dma_wait3A, %dma_wait3A_119, %dma_wait3A_120] : memref<2x128x128xf32, #tpu.memory_space<vmem>> -> memref<1x128x128xf32, #tpu.memory_space<vmem>>
      %dma_wait3A_122 = tpu.memref_squeeze %dma_wait3A_121 : memref<1x128x128xf32, #tpu.memory_space<vmem>> -> memref<128x128xf32, #tpu.memory_space<vmem>>
      %dma_wait3A_123 = arith.constant 0 : i32
      %dma_wait3A_124 = tpu.memref_slice %arg7[%add3A_117, %dma_wait3A_123] : memref<40x128xi32, #tpu.memory_space<vmem>> -> memref<1x128xi32, #tpu.memory_space<vmem>>
      %dma_wait3A_125 = tpu.memref_squeeze %dma_wait3A_124 : memref<1x128xi32, #tpu.memory_space<vmem>> -> memref<128xi32, #tpu.memory_space<vmem>>
      %dma_wait3A_126 = arith.constant 0 : i32
      %dma_wait3A_127 = arith.constant 0 : i32
      %dma_wait3A_128 = tpu.memref_slice %arg2[%dma_wait3A_126, %dma_wait3A_127] : memref<10112x128xf32, #tpu.memory_space<hbm>> -> memref<10112x128xf32, #tpu.memory_space<hbm>>
      %dma_wait3A_129 = tpu.memref_slice %arg10[%dma_wait3A_118] : memref<2x!tpu.dma_semaphore, #tpu.memory_space<semaphore_mem>> -> memref<1x!tpu.dma_semaphore, #tpu.memory_space<semaphore_mem>>
      %dma_wait3A_130 = tpu.memref_squeeze %dma_wait3A_129 : memref<1x!tpu.dma_semaphore, #tpu.memory_space<semaphore_mem>> -> memref<!tpu.dma_semaphore, #tpu.memory_space<semaphore_mem>>
      tpu.wait_indirect_dma semaphore(%dma_wait3A_130 : memref<!tpu.dma_semaphore, #tpu.memory_space<semaphore_mem>>) src(%dma_wait3A_128 : memref<10112x128xf32, #tpu.memory_space<hbm>>) dst(%dma_wait3A_122 : memref<128x128xf32, #tpu.memory_space<vmem>>)
      %dma_start3A_131 = arith.constant 0 : i32
      %dma_start3A_132 = arith.constant 0 : i32
      %dma_start3A_133 = arith.constant 0 : i32
      %dma_start3A_134 = arith.constant 0 : i32
      %dma_start3A_135 = tpu.memref_slice %arg9[%dma_start3A_131, %dma_start3A_133, %dma_start3A_134] : memref<2x128x128xf32, #tpu.memory_space<vmem>> -> memref<1x128x128xf32, #tpu.memory_space<vmem>>
      %dma_start3A_136 = tpu.memref_squeeze %dma_start3A_135 : memref<1x128x128xf32, #tpu.memory_space<vmem>> -> memref<128x128xf32, #tpu.memory_space<vmem>>
      %dma_start3A_137 = arith.constant 0 : i32
      %dma_start3A_138 = tpu.memref_slice %arg8[%add3A_117, %dma_start3A_137] : memref<40x128xi32, #tpu.memory_space<vmem>> -> memref<1x128xi32, #tpu.memory_space<vmem>>
      %dma_start3A_139 = tpu.memref_squeeze %dma_start3A_138 : memref<1x128xi32, #tpu.memory_space<vmem>> -> memref<128xi32, #tpu.memory_space<vmem>>
      %dma_start3A_140 = arith.constant 0 : i32
      %dma_start3A_141 = arith.constant 0 : i32
      %dma_start3A_142 = tpu.memref_slice %arg6[%dma_start3A_140, %dma_start3A_141] : memref<10112x128xf32, #tpu.memory_space<vmem_shared>> -> memref<10112x128xf32, #tpu.memory_space<vmem_shared>>
      %dma_start3A_143 = tpu.memref_slice %arg11[%dma_start3A_132] : memref<2x!tpu.dma_semaphore, #tpu.memory_space<semaphore_mem>> -> memref<1x!tpu.dma_semaphore, #tpu.memory_space<semaphore_mem>>
      %dma_start3A_144 = tpu.memref_squeeze %dma_start3A_143 : memref<1x!tpu.dma_semaphore, #tpu.memory_space<semaphore_mem>> -> memref<!tpu.dma_semaphore, #tpu.memory_space<semaphore_mem>>
      tpu.enqueue_indirect_dma source(%dma_start3A_136 : memref<128x128xf32, #tpu.memory_space<vmem>>) target(%dma_start3A_142 : memref<10112x128xf32, #tpu.memory_space<vmem_shared>>) offsets(%dma_start3A_139 : memref<128xi32, #tpu.memory_space<vmem>>) semaphore(%dma_start3A_144 : memref<!tpu.dma_semaphore, #tpu.memory_space<semaphore_mem>>) {add = true}
      %dma_wait3A_145 = arith.constant 0 : i32
      %dma_wait3A_146 = arith.constant 0 : i32
      %dma_wait3A_147 = arith.constant 0 : i32
      %dma_wait3A_148 = arith.constant 0 : i32
      %dma_wait3A_149 = tpu.memref_slice %arg9[%dma_wait3A_145, %dma_wait3A_147, %dma_wait3A_148] : memref<2x128x128xf32, #tpu.memory_space<vmem>> -> memref<1x128x128xf32, #tpu.memory_space<vmem>>
      %dma_wait3A_150 = tpu.memref_squeeze %dma_wait3A_149 : memref<1x128x128xf32, #tpu.memory_space<vmem>> -> memref<128x128xf32, #tpu.memory_space<vmem>>
      %dma_wait3A_151 = arith.constant 0 : i32
      %dma_wait3A_152 = tpu.memref_slice %arg8[%add3A_117, %dma_wait3A_151] : memref<40x128xi32, #tpu.memory_space<vmem>> -> memref<1x128xi32, #tpu.memory_space<vmem>>
      %dma_wait3A_153 = tpu.memref_squeeze %dma_wait3A_152 : memref<1x128xi32, #tpu.memory_space<vmem>> -> memref<128xi32, #tpu.memory_space<vmem>>
      %dma_wait3A_154 = arith.constant 0 : i32
      %dma_wait3A_155 = arith.constant 0 : i32
      %dma_wait3A_156 = tpu.memref_slice %arg6[%dma_wait3A_154, %dma_wait3A_155] : memref<10112x128xf32, #tpu.memory_space<vmem_shared>> -> memref<10112x128xf32, #tpu.memory_space<vmem_shared>>
      %dma_wait3A_157 = tpu.memref_slice %arg11[%dma_wait3A_146] : memref<2x!tpu.dma_semaphore, #tpu.memory_space<semaphore_mem>> -> memref<1x!tpu.dma_semaphore, #tpu.memory_space<semaphore_mem>>
      %dma_wait3A_158 = tpu.memref_squeeze %dma_wait3A_157 : memref<1x!tpu.dma_semaphore, #tpu.memory_space<semaphore_mem>> -> memref<!tpu.dma_semaphore, #tpu.memory_space<semaphore_mem>>
      tpu.wait_indirect_dma semaphore(%dma_wait3A_158 : memref<!tpu.dma_semaphore, #tpu.memory_space<semaphore_mem>>) src(%dma_wait3A_150 : memref<128x128xf32, #tpu.memory_space<vmem>>) dst(%dma_wait3A_156 : memref<10112x128xf32, #tpu.memory_space<vmem_shared>>)
      %add3A_159 = arith.constant 2 : i32
      %add3A_160 = arith.addi %add3A_117, %add3A_159 : i32
      %lt3A = arith.constant 40 : i32
      %lt3A_161 = arith.cmpi slt, %add3A_160, %lt3A : i32
      %convert_element_type3A = arith.extui %lt3A_161 : i1 to i32
      %cond3A = arith.constant 0 : i32
      %cond3A_162 = arith.cmpi ne, %convert_element_type3A, %cond3A : i32
      scf.if %cond3A_162 {
        %add3A_214 = arith.constant 2 : i32
        %add3A_215 = arith.addi %add3A_117, %add3A_214 : i32
        %dma_start3A_216 = arith.constant 0 : i32
        %dma_start3A_217 = arith.constant 0 : i32
        %dma_start3A_218 = arith.constant 0 : i32
        %dma_start3A_219 = arith.constant 0 : i32
        %dma_start3A_220 = tpu.memref_slice %arg9[%dma_start3A_216, %dma_start3A_218, %dma_start3A_219] : memref<2x128x128xf32, #tpu.memory_space<vmem>> -> memref<1x128x128xf32, #tpu.memory_space<vmem>>
        %dma_start3A_221 = tpu.memref_squeeze %dma_start3A_220 : memref<1x128x128xf32, #tpu.memory_space<vmem>> -> memref<128x128xf32, #tpu.memory_space<vmem>>
        %dma_start3A_222 = arith.constant 0 : i32
        %dma_start3A_223 = tpu.memref_slice %arg7[%add3A_215, %dma_start3A_222] : memref<40x128xi32, #tpu.memory_space<vmem>> -> memref<1x128xi32, #tpu.memory_space<vmem>>
        %dma_start3A_224 = tpu.memref_squeeze %dma_start3A_223 : memref<1x128xi32, #tpu.memory_space<vmem>> -> memref<128xi32, #tpu.memory_space<vmem>>
        %dma_start3A_225 = arith.constant 0 : i32
        %dma_start3A_226 = arith.constant 0 : i32
        %dma_start3A_227 = tpu.memref_slice %arg2[%dma_start3A_225, %dma_start3A_226] : memref<10112x128xf32, #tpu.memory_space<hbm>> -> memref<10112x128xf32, #tpu.memory_space<hbm>>
        %dma_start3A_228 = tpu.memref_slice %arg10[%dma_start3A_217] : memref<2x!tpu.dma_semaphore, #tpu.memory_space<semaphore_mem>> -> memref<1x!tpu.dma_semaphore, #tpu.memory_space<semaphore_mem>>
        %dma_start3A_229 = tpu.memref_squeeze %dma_start3A_228 : memref<1x!tpu.dma_semaphore, #tpu.memory_space<semaphore_mem>> -> memref<!tpu.dma_semaphore, #tpu.memory_space<semaphore_mem>>
        tpu.enqueue_indirect_dma source(%dma_start3A_227 : memref<10112x128xf32, #tpu.memory_space<hbm>>) target(%dma_start3A_221 : memref<128x128xf32, #tpu.memory_space<vmem>>) offsets(%dma_start3A_224 : memref<128xi32, #tpu.memory_space<vmem>>) semaphore(%dma_start3A_229 : memref<!tpu.dma_semaphore, #tpu.memory_space<semaphore_mem>>)
      } else {
      }
      %add3A_163 = arith.constant 1 : i32
      %add3A_164 = arith.addi %add3A_115, %add3A_163 : i32
      %dma_wait3A_165 = arith.constant 1 : i32
      %dma_wait3A_166 = arith.constant 1 : i32
      %dma_wait3A_167 = arith.constant 0 : i32
      %dma_wait3A_168 = arith.constant 0 : i32
      %dma_wait3A_169 = tpu.memref_slice %arg9[%dma_wait3A_165, %dma_wait3A_167, %dma_wait3A_168] : memref<2x128x128xf32, #tpu.memory_space<vmem>> -> memref<1x128x128xf32, #tpu.memory_space<vmem>>
      %dma_wait3A_170 = tpu.memref_squeeze %dma_wait3A_169 : memref<1x128x128xf32, #tpu.memory_space<vmem>> -> memref<128x128xf32, #tpu.memory_space<vmem>>
      %dma_wait3A_171 = arith.constant 0 : i32
      %dma_wait3A_172 = tpu.memref_slice %arg7[%add3A_164, %dma_wait3A_171] : memref<40x128xi32, #tpu.memory_space<vmem>> -> memref<1x128xi32, #tpu.memory_space<vmem>>
      %dma_wait3A_173 = tpu.memref_squeeze %dma_wait3A_172 : memref<1x128xi32, #tpu.memory_space<vmem>> -> memref<128xi32, #tpu.memory_space<vmem>>
      %dma_wait3A_174 = arith.constant 0 : i32
      %dma_wait3A_175 = arith.constant 0 : i32
      %dma_wait3A_176 = tpu.memref_slice %arg2[%dma_wait3A_174, %dma_wait3A_175] : memref<10112x128xf32, #tpu.memory_space<hbm>> -> memref<10112x128xf32, #tpu.memory_space<hbm>>
      %dma_wait3A_177 = tpu.memref_slice %arg10[%dma_wait3A_166] : memref<2x!tpu.dma_semaphore, #tpu.memory_space<semaphore_mem>> -> memref<1x!tpu.dma_semaphore, #tpu.memory_space<semaphore_mem>>
      %dma_wait3A_178 = tpu.memref_squeeze %dma_wait3A_177 : memref<1x!tpu.dma_semaphore, #tpu.memory_space<semaphore_mem>> -> memref<!tpu.dma_semaphore, #tpu.memory_space<semaphore_mem>>
      tpu.wait_indirect_dma semaphore(%dma_wait3A_178 : memref<!tpu.dma_semaphore, #tpu.memory_space<semaphore_mem>>) src(%dma_wait3A_176 : memref<10112x128xf32, #tpu.memory_space<hbm>>) dst(%dma_wait3A_170 : memref<128x128xf32, #tpu.memory_space<vmem>>)
      %dma_start3A_179 = arith.constant 1 : i32
      %dma_start3A_180 = arith.constant 1 : i32
      %dma_start3A_181 = arith.constant 0 : i32
      %dma_start3A_182 = arith.constant 0 : i32
      %dma_start3A_183 = tpu.memref_slice %arg9[%dma_start3A_179, %dma_start3A_181, %dma_start3A_182] : memref<2x128x128xf32, #tpu.memory_space<vmem>> -> memref<1x128x128xf32, #tpu.memory_space<vmem>>
      %dma_start3A_184 = tpu.memref_squeeze %dma_start3A_183 : memref<1x128x128xf32, #tpu.memory_space<vmem>> -> memref<128x128xf32, #tpu.memory_space<vmem>>
      %dma_start3A_185 = arith.constant 0 : i32
      %dma_start3A_186 = tpu.memref_slice %arg8[%add3A_164, %dma_start3A_185] : memref<40x128xi32, #tpu.memory_space<vmem>> -> memref<1x128xi32, #tpu.memory_space<vmem>>
      %dma_start3A_187 = tpu.memref_squeeze %dma_start3A_186 : memref<1x128xi32, #tpu.memory_space<vmem>> -> memref<128xi32, #tpu.memory_space<vmem>>
      %dma_start3A_188 = arith.constant 0 : i32
      %dma_start3A_189 = arith.constant 0 : i32
      %dma_start3A_190 = tpu.memref_slice %arg6[%dma_start3A_188, %dma_start3A_189] : memref<10112x128xf32, #tpu.memory_space<vmem_shared>> -> memref<10112x128xf32, #tpu.memory_space<vmem_shared>>
      %dma_start3A_191 = tpu.memref_slice %arg11[%dma_start3A_180] : memref<2x!tpu.dma_semaphore, #tpu.memory_space<semaphore_mem>> -> memref<1x!tpu.dma_semaphore, #tpu.memory_space<semaphore_mem>>
      %dma_start3A_192 = tpu.memref_squeeze %dma_start3A_191 : memref<1x!tpu.dma_semaphore, #tpu.memory_space<semaphore_mem>> -> memref<!tpu.dma_semaphore, #tpu.memory_space<semaphore_mem>>
      tpu.enqueue_indirect_dma source(%dma_start3A_184 : memref<128x128xf32, #tpu.memory_space<vmem>>) target(%dma_start3A_190 : memref<10112x128xf32, #tpu.memory_space<vmem_shared>>) offsets(%dma_start3A_187 : memref<128xi32, #tpu.memory_space<vmem>>) semaphore(%dma_start3A_192 : memref<!tpu.dma_semaphore, #tpu.memory_space<semaphore_mem>>) {add = true}
      %dma_wait3A_193 = arith.constant 1 : i32
      %dma_wait3A_194 = arith.constant 1 : i32
      %dma_wait3A_195 = arith.constant 0 : i32
      %dma_wait3A_196 = arith.constant 0 : i32
      %dma_wait3A_197 = tpu.memref_slice %arg9[%dma_wait3A_193, %dma_wait3A_195, %dma_wait3A_196] : memref<2x128x128xf32, #tpu.memory_space<vmem>> -> memref<1x128x128xf32, #tpu.memory_space<vmem>>
      %dma_wait3A_198 = tpu.memref_squeeze %dma_wait3A_197 : memref<1x128x128xf32, #tpu.memory_space<vmem>> -> memref<128x128xf32, #tpu.memory_space<vmem>>
      %dma_wait3A_199 = arith.constant 0 : i32
      %dma_wait3A_200 = tpu.memref_slice %arg8[%add3A_164, %dma_wait3A_199] : memref<40x128xi32, #tpu.memory_space<vmem>> -> memref<1x128xi32, #tpu.memory_space<vmem>>
      %dma_wait3A_201 = tpu.memref_squeeze %dma_wait3A_200 : memref<1x128xi32, #tpu.memory_space<vmem>> -> memref<128xi32, #tpu.memory_space<vmem>>
      %dma_wait3A_202 = arith.constant 0 : i32
      %dma_wait3A_203 = arith.constant 0 : i32
      %dma_wait3A_204 = tpu.memref_slice %arg6[%dma_wait3A_202, %dma_wait3A_203] : memref<10112x128xf32, #tpu.memory_space<vmem_shared>> -> memref<10112x128xf32, #tpu.memory_space<vmem_shared>>
      %dma_wait3A_205 = tpu.memref_slice %arg11[%dma_wait3A_194] : memref<2x!tpu.dma_semaphore, #tpu.memory_space<semaphore_mem>> -> memref<1x!tpu.dma_semaphore, #tpu.memory_space<semaphore_mem>>
      %dma_wait3A_206 = tpu.memref_squeeze %dma_wait3A_205 : memref<1x!tpu.dma_semaphore, #tpu.memory_space<semaphore_mem>> -> memref<!tpu.dma_semaphore, #tpu.memory_space<semaphore_mem>>
      tpu.wait_indirect_dma semaphore(%dma_wait3A_206 : memref<!tpu.dma_semaphore, #tpu.memory_space<semaphore_mem>>) src(%dma_wait3A_198 : memref<128x128xf32, #tpu.memory_space<vmem>>) dst(%dma_wait3A_204 : memref<10112x128xf32, #tpu.memory_space<vmem_shared>>)
      %add3A_207 = arith.constant 2 : i32
      %add3A_208 = arith.addi %add3A_164, %add3A_207 : i32
      %lt3A_209 = arith.constant 40 : i32
      %lt3A_210 = arith.cmpi slt, %add3A_208, %lt3A_209 : i32
      %convert_element_type3A_211 = arith.extui %lt3A_210 : i1 to i32
      %cond3A_212 = arith.constant 0 : i32
      %cond3A_213 = arith.cmpi ne, %convert_element_type3A_211, %cond3A_212 : i32
      scf.if %cond3A_213 {
        %add3A_214 = arith.constant 2 : i32
        %add3A_215 = arith.addi %add3A_164, %add3A_214 : i32
        %dma_start3A_216 = arith.constant 1 : i32
        %dma_start3A_217 = arith.constant 1 : i32
        %dma_start3A_218 = arith.constant 0 : i32
        %dma_start3A_219 = arith.constant 0 : i32
        %dma_start3A_220 = tpu.memref_slice %arg9[%dma_start3A_216, %dma_start3A_218, %dma_start3A_219] : memref<2x128x128xf32, #tpu.memory_space<vmem>> -> memref<1x128x128xf32, #tpu.memory_space<vmem>>
        %dma_start3A_221 = tpu.memref_squeeze %dma_start3A_220 : memref<1x128x128xf32, #tpu.memory_space<vmem>> -> memref<128x128xf32, #tpu.memory_space<vmem>>
        %dma_start3A_222 = arith.constant 0 : i32
        %dma_start3A_223 = tpu.memref_slice %arg7[%add3A_215, %dma_start3A_222] : memref<40x128xi32, #tpu.memory_space<vmem>> -> memref<1x128xi32, #tpu.memory_space<vmem>>
        %dma_start3A_224 = tpu.memref_squeeze %dma_start3A_223 : memref<1x128xi32, #tpu.memory_space<vmem>> -> memref<128xi32, #tpu.memory_space<vmem>>
        %dma_start3A_225 = arith.constant 0 : i32
        %dma_start3A_226 = arith.constant 0 : i32
        %dma_start3A_227 = tpu.memref_slice %arg2[%dma_start3A_225, %dma_start3A_226] : memref<10112x128xf32, #tpu.memory_space<hbm>> -> memref<10112x128xf32, #tpu.memory_space<hbm>>
        %dma_start3A_228 = tpu.memref_slice %arg10[%dma_start3A_217] : memref<2x!tpu.dma_semaphore, #tpu.memory_space<semaphore_mem>> -> memref<1x!tpu.dma_semaphore, #tpu.memory_space<semaphore_mem>>
        %dma_start3A_229 = tpu.memref_squeeze %dma_start3A_228 : memref<1x!tpu.dma_semaphore, #tpu.memory_space<semaphore_mem>> -> memref<!tpu.dma_semaphore, #tpu.memory_space<semaphore_mem>>
        tpu.enqueue_indirect_dma source(%dma_start3A_227 : memref<10112x128xf32, #tpu.memory_space<hbm>>) target(%dma_start3A_221 : memref<128x128xf32, #tpu.memory_space<vmem>>) offsets(%dma_start3A_224 : memref<128xi32, #tpu.memory_space<vmem>>) semaphore(%dma_start3A_229 : memref<!tpu.dma_semaphore, #tpu.memory_space<semaphore_mem>>)
      } else {
      }
    }
    %scan3A_66 = arith.constant 20 : i32
    %mul3A_67 = arith.constant 80 : i32
    %mul3A_68 = arith.muli %add3A, %mul3A_67 : i32
    %add3A_69 = arith.constant 40 : i32
    %add3A_70 = arith.addi %mul3A_68, %add3A_69 : i32
    "tpu.region"() ({
      %run_scoped3A_111 = tpu.sem_alloc : memref<!tpu.dma_semaphore, #tpu.memory_space<semaphore_mem>>
      %dma_start3A_112 = arith.constant 0 : i32
      %dma_start3A_113 = tpu.memref_slice %arg3[%add3A_70, %dma_start3A_112] : memref<2560x128xi32, #tpu.memory_space<hbm>> -> memref<40x128xi32, #tpu.memory_space<hbm>>
      %dma_start3A_114 = arith.constant 0 : i32
      %dma_start3A_115 = tpu.memref_slice %arg3[%add3A_70, %dma_start3A_114] : memref<2560x128xi32, #tpu.memory_space<hbm>> -> memref<40x128xi32, #tpu.memory_space<hbm>>
      tpu.enqueue_dma source(%dma_start3A_115 : memref<40x128xi32, #tpu.memory_space<hbm>>) target(%arg7 : memref<40x128xi32, #tpu.memory_space<vmem>>) target_semaphore(%run_scoped3A_111 : memref<!tpu.dma_semaphore, #tpu.memory_space<semaphore_mem>>)
      %dma_wait3A = arith.constant 0 : i32
      %dma_wait3A_116 = tpu.memref_slice %arg3[%add3A_70, %dma_wait3A] : memref<2560x128xi32, #tpu.memory_space<hbm>> -> memref<40x128xi32, #tpu.memory_space<hbm>>
      %dma_wait3A_117 = arith.constant 0 : i32
      %dma_wait3A_118 = tpu.memref_slice %arg3[%add3A_70, %dma_wait3A_117] : memref<2560x128xi32, #tpu.memory_space<hbm>> -> memref<40x128xi32, #tpu.memory_space<hbm>>
      tpu.wait_dma2 semaphore(%run_scoped3A_111 : memref<!tpu.dma_semaphore, #tpu.memory_space<semaphore_mem>>) src(%dma_wait3A_118 : memref<40x128xi32, #tpu.memory_space<hbm>>) dst(%arg7 : memref<40x128xi32, #tpu.memory_space<vmem>>)
      tpu.yield
    }) : () -> ()
    "tpu.region"() ({
      %run_scoped3A_111 = tpu.sem_alloc : memref<!tpu.dma_semaphore, #tpu.memory_space<semaphore_mem>>
      %dma_start3A_112 = arith.constant 0 : i32
      %dma_start3A_113 = tpu.memref_slice %arg4[%add3A_70, %dma_start3A_112] : memref<2560x128xi32, #tpu.memory_space<hbm>> -> memref<40x128xi32, #tpu.memory_space<hbm>>
      %dma_start3A_114 = arith.constant 0 : i32
      %dma_start3A_115 = tpu.memref_slice %arg4[%add3A_70, %dma_start3A_114] : memref<2560x128xi32, #tpu.memory_space<hbm>> -> memref<40x128xi32, #tpu.memory_space<hbm>>
      tpu.enqueue_dma source(%dma_start3A_115 : memref<40x128xi32, #tpu.memory_space<hbm>>) target(%arg8 : memref<40x128xi32, #tpu.memory_space<vmem>>) target_semaphore(%run_scoped3A_111 : memref<!tpu.dma_semaphore, #tpu.memory_space<semaphore_mem>>)
      %dma_wait3A = arith.constant 0 : i32
      %dma_wait3A_116 = tpu.memref_slice %arg4[%add3A_70, %dma_wait3A] : memref<2560x128xi32, #tpu.memory_space<hbm>> -> memref<40x128xi32, #tpu.memory_space<hbm>>
      %dma_wait3A_117 = arith.constant 0 : i32
      %dma_wait3A_118 = tpu.memref_slice %arg4[%add3A_70, %dma_wait3A_117] : memref<2560x128xi32, #tpu.memory_space<hbm>> -> memref<40x128xi32, #tpu.memory_space<hbm>>
      tpu.wait_dma2 semaphore(%run_scoped3A_111 : memref<!tpu.dma_semaphore, #tpu.memory_space<semaphore_mem>>) src(%dma_wait3A_118 : memref<40x128xi32, #tpu.memory_space<hbm>>) dst(%arg8 : memref<40x128xi32, #tpu.memory_space<vmem>>)
      tpu.yield
    }) : () -> ()
    %dma_start3A_71 = arith.constant 0 : i32
    %dma_start3A_72 = arith.constant 0 : i32
    %dma_start3A_73 = arith.constant 0 : i32
    %dma_start3A_74 = arith.constant 0 : i32
    %dma_start3A_75 = arith.constant 0 : i32
    %dma_start3A_76 = tpu.memref_slice %arg9[%dma_start3A_72, %dma_start3A_74, %dma_start3A_75] : memref<2x128x128xf32, #tpu.memory_space<vmem>> -> memref<1x128x128xf32, #tpu.memory_space<vmem>>
    %dma_start3A_77 = tpu.memref_squeeze %dma_start3A_76 : memref<1x128x128xf32, #tpu.memory_space<vmem>> -> memref<128x128xf32, #tpu.memory_space<vmem>>
    %dma_start3A_78 = arith.constant 0 : i32
    %dma_start3A_79 = tpu.memref_slice %arg7[%dma_start3A_71, %dma_start3A_78] : memref<40x128xi32, #tpu.memory_space<vmem>> -> memref<1x128xi32, #tpu.memory_space<vmem>>
    %dma_start3A_80 = tpu.memref_squeeze %dma_start3A_79 : memref<1x128xi32, #tpu.memory_space<vmem>> -> memref<128xi32, #tpu.memory_space<vmem>>
    %dma_start3A_81 = arith.constant 0 : i32
    %dma_start3A_82 = arith.constant 0 : i32
    %dma_start3A_83 = tpu.memref_slice %arg2[%dma_start3A_81, %dma_start3A_82] : memref<10112x128xf32, #tpu.memory_space<hbm>> -> memref<10112x128xf32, #tpu.memory_space<hbm>>
    %dma_start3A_84 = tpu.memref_slice %arg10[%dma_start3A_73] : memref<2x!tpu.dma_semaphore, #tpu.memory_space<semaphore_mem>> -> memref<1x!tpu.dma_semaphore, #tpu.memory_space<semaphore_mem>>
    %dma_start3A_85 = tpu.memref_squeeze %dma_start3A_84 : memref<1x!tpu.dma_semaphore, #tpu.memory_space<semaphore_mem>> -> memref<!tpu.dma_semaphore, #tpu.memory_space<semaphore_mem>>
    tpu.enqueue_indirect_dma source(%dma_start3A_83 : memref<10112x128xf32, #tpu.memory_space<hbm>>) target(%dma_start3A_77 : memref<128x128xf32, #tpu.memory_space<vmem>>) offsets(%dma_start3A_80 : memref<128xi32, #tpu.memory_space<vmem>>) semaphore(%dma_start3A_85 : memref<!tpu.dma_semaphore, #tpu.memory_space<semaphore_mem>>)
    %dma_start3A_86 = arith.constant 1 : i32
    %dma_start3A_87 = arith.constant 1 : i32
    %dma_start3A_88 = arith.constant 1 : i32
    %dma_start3A_89 = arith.constant 0 : i32
    %dma_start3A_90 = arith.constant 0 : i32
    %dma_start3A_91 = tpu.memref_slice %arg9[%dma_start3A_87, %dma_start3A_89, %dma_start3A_90] : memref<2x128x128xf32, #tpu.memory_space<vmem>> -> memref<1x128x128xf32, #tpu.memory_space<vmem>>
    %dma_start3A_92 = tpu.memref_squeeze %dma_start3A_91 : memref<1x128x128xf32, #tpu.memory_space<vmem>> -> memref<128x128xf32, #tpu.memory_space<vmem>>
    %dma_start3A_93 = arith.constant 0 : i32
    %dma_start3A_94 = tpu.memref_slice %arg7[%dma_start3A_86, %dma_start3A_93] : memref<40x128xi32, #tpu.memory_space<vmem>> -> memref<1x128xi32, #tpu.memory_space<vmem>>
    %dma_start3A_95 = tpu.memref_squeeze %dma_start3A_94 : memref<1x128xi32, #tpu.memory_space<vmem>> -> memref<128xi32, #tpu.memory_space<vmem>>
    %dma_start3A_96 = arith.constant 0 : i32
    %dma_start3A_97 = arith.constant 0 : i32
    %dma_start3A_98 = tpu.memref_slice %arg2[%dma_start3A_96, %dma_start3A_97] : memref<10112x128xf32, #tpu.memory_space<hbm>> -> memref<10112x128xf32, #tpu.memory_space<hbm>>
    %dma_start3A_99 = tpu.memref_slice %arg10[%dma_start3A_88] : memref<2x!tpu.dma_semaphore, #tpu.memory_space<semaphore_mem>> -> memref<1x!tpu.dma_semaphore, #tpu.memory_space<semaphore_mem>>
    %dma_start3A_100 = tpu.memref_squeeze %dma_start3A_99 : memref<1x!tpu.dma_semaphore, #tpu.memory_space<semaphore_mem>> -> memref<!tpu.dma_semaphore, #tpu.memory_space<semaphore_mem>>
    tpu.enqueue_indirect_dma source(%dma_start3A_98 : memref<10112x128xf32, #tpu.memory_space<hbm>>) target(%dma_start3A_92 : memref<128x128xf32, #tpu.memory_space<vmem>>) offsets(%dma_start3A_95 : memref<128xi32, #tpu.memory_space<vmem>>) semaphore(%dma_start3A_100 : memref<!tpu.dma_semaphore, #tpu.memory_space<semaphore_mem>>)
    %scan3A_101 = arith.constant 0 : i32
    %scan3A_102 = arith.constant 20 : i32
    %scan3A_103 = arith.addi %scan3A_101, %scan3A_102 : i32
    %scan3A_104 = arith.constant 1 : i32
    scf.for %scan3A_111 = %scan3A_101 to %scan3A_103 step %scan3A_104  : i32 {
      %mul3A_112 = arith.constant 2 : i32
      %mul3A_113 = arith.muli %scan3A_111, %mul3A_112 : i32
      %add3A_114 = arith.constant 0 : i32
      %add3A_115 = arith.addi %add3A_114, %mul3A_113 : i32
      %add3A_116 = arith.constant 0 : i32
      %add3A_117 = arith.addi %add3A_115, %add3A_116 : i32
      %dma_wait3A = arith.constant 0 : i32
      %dma_wait3A_118 = arith.constant 0 : i32
      %dma_wait3A_119 = arith.constant 0 : i32
      %dma_wait3A_120 = arith.constant 0 : i32
      %dma_wait3A_121 = tpu.memref_slice %arg9[%dma_wait3A, %dma_wait3A_119, %dma_wait3A_120] : memref<2x128x128xf32, #tpu.memory_space<vmem>> -> memref<1x128x128xf32, #tpu.memory_space<vmem>>
      %dma_wait3A_122 = tpu.memref_squeeze %dma_wait3A_121 : memref<1x128x128xf32, #tpu.memory_space<vmem>> -> memref<128x128xf32, #tpu.memory_space<vmem>>
      %dma_wait3A_123 = arith.constant 0 : i32
      %dma_wait3A_124 = tpu.memref_slice %arg7[%add3A_117, %dma_wait3A_123] : memref<40x128xi32, #tpu.memory_space<vmem>> -> memref<1x128xi32, #tpu.memory_space<vmem>>
      %dma_wait3A_125 = tpu.memref_squeeze %dma_wait3A_124 : memref<1x128xi32, #tpu.memory_space<vmem>> -> memref<128xi32, #tpu.memory_space<vmem>>
      %dma_wait3A_126 = arith.constant 0 : i32
      %dma_wait3A_127 = arith.constant 0 : i32
      %dma_wait3A_128 = tpu.memref_slice %arg2[%dma_wait3A_126, %dma_wait3A_127] : memref<10112x128xf32, #tpu.memory_space<hbm>> -> memref<10112x128xf32, #tpu.memory_space<hbm>>
      %dma_wait3A_129 = tpu.memref_slice %arg10[%dma_wait3A_118] : memref<2x!tpu.dma_semaphore, #tpu.memory_space<semaphore_mem>> -> memref<1x!tpu.dma_semaphore, #tpu.memory_space<semaphore_mem>>
      %dma_wait3A_130 = tpu.memref_squeeze %dma_wait3A_129 : memref<1x!tpu.dma_semaphore, #tpu.memory_space<semaphore_mem>> -> memref<!tpu.dma_semaphore, #tpu.memory_space<semaphore_mem>>
      tpu.wait_indirect_dma semaphore(%dma_wait3A_130 : memref<!tpu.dma_semaphore, #tpu.memory_space<semaphore_mem>>) src(%dma_wait3A_128 : memref<10112x128xf32, #tpu.memory_space<hbm>>) dst(%dma_wait3A_122 : memref<128x128xf32, #tpu.memory_space<vmem>>)
      %dma_start3A_131 = arith.constant 0 : i32
      %dma_start3A_132 = arith.constant 0 : i32
      %dma_start3A_133 = arith.constant 0 : i32
      %dma_start3A_134 = arith.constant 0 : i32
      %dma_start3A_135 = tpu.memref_slice %arg9[%dma_start3A_131, %dma_start3A_133, %dma_start3A_134] : memref<2x128x128xf32, #tpu.memory_space<vmem>> -> memref<1x128x128xf32, #tpu.memory_space<vmem>>
      %dma_start3A_136 = tpu.memref_squeeze %dma_start3A_135 : memref<1x128x128xf32, #tpu.memory_space<vmem>> -> memref<128x128xf32, #tpu.memory_space<vmem>>
      %dma_start3A_137 = arith.constant 0 : i32
      %dma_start3A_138 = tpu.memref_slice %arg8[%add3A_117, %dma_start3A_137] : memref<40x128xi32, #tpu.memory_space<vmem>> -> memref<1x128xi32, #tpu.memory_space<vmem>>
      %dma_start3A_139 = tpu.memref_squeeze %dma_start3A_138 : memref<1x128xi32, #tpu.memory_space<vmem>> -> memref<128xi32, #tpu.memory_space<vmem>>
      %dma_start3A_140 = arith.constant 0 : i32
      %dma_start3A_141 = arith.constant 0 : i32
      %dma_start3A_142 = tpu.memref_slice %arg6[%dma_start3A_140, %dma_start3A_141] : memref<10112x128xf32, #tpu.memory_space<vmem_shared>> -> memref<10112x128xf32, #tpu.memory_space<vmem_shared>>
      %dma_start3A_143 = tpu.memref_slice %arg11[%dma_start3A_132] : memref<2x!tpu.dma_semaphore, #tpu.memory_space<semaphore_mem>> -> memref<1x!tpu.dma_semaphore, #tpu.memory_space<semaphore_mem>>
      %dma_start3A_144 = tpu.memref_squeeze %dma_start3A_143 : memref<1x!tpu.dma_semaphore, #tpu.memory_space<semaphore_mem>> -> memref<!tpu.dma_semaphore, #tpu.memory_space<semaphore_mem>>
      tpu.enqueue_indirect_dma source(%dma_start3A_136 : memref<128x128xf32, #tpu.memory_space<vmem>>) target(%dma_start3A_142 : memref<10112x128xf32, #tpu.memory_space<vmem_shared>>) offsets(%dma_start3A_139 : memref<128xi32, #tpu.memory_space<vmem>>) semaphore(%dma_start3A_144 : memref<!tpu.dma_semaphore, #tpu.memory_space<semaphore_mem>>) {add = true}
      %dma_wait3A_145 = arith.constant 0 : i32
      %dma_wait3A_146 = arith.constant 0 : i32
      %dma_wait3A_147 = arith.constant 0 : i32
      %dma_wait3A_148 = arith.constant 0 : i32
      %dma_wait3A_149 = tpu.memref_slice %arg9[%dma_wait3A_145, %dma_wait3A_147, %dma_wait3A_148] : memref<2x128x128xf32, #tpu.memory_space<vmem>> -> memref<1x128x128xf32, #tpu.memory_space<vmem>>
      %dma_wait3A_150 = tpu.memref_squeeze %dma_wait3A_149 : memref<1x128x128xf32, #tpu.memory_space<vmem>> -> memref<128x128xf32, #tpu.memory_space<vmem>>
      %dma_wait3A_151 = arith.constant 0 : i32
      %dma_wait3A_152 = tpu.memref_slice %arg8[%add3A_117, %dma_wait3A_151] : memref<40x128xi32, #tpu.memory_space<vmem>> -> memref<1x128xi32, #tpu.memory_space<vmem>>
      %dma_wait3A_153 = tpu.memref_squeeze %dma_wait3A_152 : memref<1x128xi32, #tpu.memory_space<vmem>> -> memref<128xi32, #tpu.memory_space<vmem>>
      %dma_wait3A_154 = arith.constant 0 : i32
      %dma_wait3A_155 = arith.constant 0 : i32
      %dma_wait3A_156 = tpu.memref_slice %arg6[%dma_wait3A_154, %dma_wait3A_155] : memref<10112x128xf32, #tpu.memory_space<vmem_shared>> -> memref<10112x128xf32, #tpu.memory_space<vmem_shared>>
      %dma_wait3A_157 = tpu.memref_slice %arg11[%dma_wait3A_146] : memref<2x!tpu.dma_semaphore, #tpu.memory_space<semaphore_mem>> -> memref<1x!tpu.dma_semaphore, #tpu.memory_space<semaphore_mem>>
      %dma_wait3A_158 = tpu.memref_squeeze %dma_wait3A_157 : memref<1x!tpu.dma_semaphore, #tpu.memory_space<semaphore_mem>> -> memref<!tpu.dma_semaphore, #tpu.memory_space<semaphore_mem>>
      tpu.wait_indirect_dma semaphore(%dma_wait3A_158 : memref<!tpu.dma_semaphore, #tpu.memory_space<semaphore_mem>>) src(%dma_wait3A_150 : memref<128x128xf32, #tpu.memory_space<vmem>>) dst(%dma_wait3A_156 : memref<10112x128xf32, #tpu.memory_space<vmem_shared>>)
      %add3A_159 = arith.constant 2 : i32
      %add3A_160 = arith.addi %add3A_117, %add3A_159 : i32
      %lt3A = arith.constant 40 : i32
      %lt3A_161 = arith.cmpi slt, %add3A_160, %lt3A : i32
      %convert_element_type3A = arith.extui %lt3A_161 : i1 to i32
      %cond3A = arith.constant 0 : i32
      %cond3A_162 = arith.cmpi ne, %convert_element_type3A, %cond3A : i32
      scf.if %cond3A_162 {
        %add3A_214 = arith.constant 2 : i32
        %add3A_215 = arith.addi %add3A_117, %add3A_214 : i32
        %dma_start3A_216 = arith.constant 0 : i32
        %dma_start3A_217 = arith.constant 0 : i32
        %dma_start3A_218 = arith.constant 0 : i32
        %dma_start3A_219 = arith.constant 0 : i32
        %dma_start3A_220 = tpu.memref_slice %arg9[%dma_start3A_216, %dma_start3A_218, %dma_start3A_219] : memref<2x128x128xf32, #tpu.memory_space<vmem>> -> memref<1x128x128xf32, #tpu.memory_space<vmem>>
        %dma_start3A_221 = tpu.memref_squeeze %dma_start3A_220 : memref<1x128x128xf32, #tpu.memory_space<vmem>> -> memref<128x128xf32, #tpu.memory_space<vmem>>
        %dma_start3A_222 = arith.constant 0 : i32
        %dma_start3A_223 = tpu.memref_slice %arg7[%add3A_215, %dma_start3A_222] : memref<40x128xi32, #tpu.memory_space<vmem>> -> memref<1x128xi32, #tpu.memory_space<vmem>>
        %dma_start3A_224 = tpu.memref_squeeze %dma_start3A_223 : memref<1x128xi32, #tpu.memory_space<vmem>> -> memref<128xi32, #tpu.memory_space<vmem>>
        %dma_start3A_225 = arith.constant 0 : i32
        %dma_start3A_226 = arith.constant 0 : i32
        %dma_start3A_227 = tpu.memref_slice %arg2[%dma_start3A_225, %dma_start3A_226] : memref<10112x128xf32, #tpu.memory_space<hbm>> -> memref<10112x128xf32, #tpu.memory_space<hbm>>
        %dma_start3A_228 = tpu.memref_slice %arg10[%dma_start3A_217] : memref<2x!tpu.dma_semaphore, #tpu.memory_space<semaphore_mem>> -> memref<1x!tpu.dma_semaphore, #tpu.memory_space<semaphore_mem>>
        %dma_start3A_229 = tpu.memref_squeeze %dma_start3A_228 : memref<1x!tpu.dma_semaphore, #tpu.memory_space<semaphore_mem>> -> memref<!tpu.dma_semaphore, #tpu.memory_space<semaphore_mem>>
        tpu.enqueue_indirect_dma source(%dma_start3A_227 : memref<10112x128xf32, #tpu.memory_space<hbm>>) target(%dma_start3A_221 : memref<128x128xf32, #tpu.memory_space<vmem>>) offsets(%dma_start3A_224 : memref<128xi32, #tpu.memory_space<vmem>>) semaphore(%dma_start3A_229 : memref<!tpu.dma_semaphore, #tpu.memory_space<semaphore_mem>>)
      } else {
      }
      %add3A_163 = arith.constant 1 : i32
      %add3A_164 = arith.addi %add3A_115, %add3A_163 : i32
      %dma_wait3A_165 = arith.constant 1 : i32
      %dma_wait3A_166 = arith.constant 1 : i32
      %dma_wait3A_167 = arith.constant 0 : i32
      %dma_wait3A_168 = arith.constant 0 : i32
      %dma_wait3A_169 = tpu.memref_slice %arg9[%dma_wait3A_165, %dma_wait3A_167, %dma_wait3A_168] : memref<2x128x128xf32, #tpu.memory_space<vmem>> -> memref<1x128x128xf32, #tpu.memory_space<vmem>>
      %dma_wait3A_170 = tpu.memref_squeeze %dma_wait3A_169 : memref<1x128x128xf32, #tpu.memory_space<vmem>> -> memref<128x128xf32, #tpu.memory_space<vmem>>
      %dma_wait3A_171 = arith.constant 0 : i32
      %dma_wait3A_172 = tpu.memref_slice %arg7[%add3A_164, %dma_wait3A_171] : memref<40x128xi32, #tpu.memory_space<vmem>> -> memref<1x128xi32, #tpu.memory_space<vmem>>
      %dma_wait3A_173 = tpu.memref_squeeze %dma_wait3A_172 : memref<1x128xi32, #tpu.memory_space<vmem>> -> memref<128xi32, #tpu.memory_space<vmem>>
      %dma_wait3A_174 = arith.constant 0 : i32
      %dma_wait3A_175 = arith.constant 0 : i32
      %dma_wait3A_176 = tpu.memref_slice %arg2[%dma_wait3A_174, %dma_wait3A_175] : memref<10112x128xf32, #tpu.memory_space<hbm>> -> memref<10112x128xf32, #tpu.memory_space<hbm>>
      %dma_wait3A_177 = tpu.memref_slice %arg10[%dma_wait3A_166] : memref<2x!tpu.dma_semaphore, #tpu.memory_space<semaphore_mem>> -> memref<1x!tpu.dma_semaphore, #tpu.memory_space<semaphore_mem>>
      %dma_wait3A_178 = tpu.memref_squeeze %dma_wait3A_177 : memref<1x!tpu.dma_semaphore, #tpu.memory_space<semaphore_mem>> -> memref<!tpu.dma_semaphore, #tpu.memory_space<semaphore_mem>>
      tpu.wait_indirect_dma semaphore(%dma_wait3A_178 : memref<!tpu.dma_semaphore, #tpu.memory_space<semaphore_mem>>) src(%dma_wait3A_176 : memref<10112x128xf32, #tpu.memory_space<hbm>>) dst(%dma_wait3A_170 : memref<128x128xf32, #tpu.memory_space<vmem>>)
      %dma_start3A_179 = arith.constant 1 : i32
      %dma_start3A_180 = arith.constant 1 : i32
      %dma_start3A_181 = arith.constant 0 : i32
      %dma_start3A_182 = arith.constant 0 : i32
      %dma_start3A_183 = tpu.memref_slice %arg9[%dma_start3A_179, %dma_start3A_181, %dma_start3A_182] : memref<2x128x128xf32, #tpu.memory_space<vmem>> -> memref<1x128x128xf32, #tpu.memory_space<vmem>>
      %dma_start3A_184 = tpu.memref_squeeze %dma_start3A_183 : memref<1x128x128xf32, #tpu.memory_space<vmem>> -> memref<128x128xf32, #tpu.memory_space<vmem>>
      %dma_start3A_185 = arith.constant 0 : i32
      %dma_start3A_186 = tpu.memref_slice %arg8[%add3A_164, %dma_start3A_185] : memref<40x128xi32, #tpu.memory_space<vmem>> -> memref<1x128xi32, #tpu.memory_space<vmem>>
      %dma_start3A_187 = tpu.memref_squeeze %dma_start3A_186 : memref<1x128xi32, #tpu.memory_space<vmem>> -> memref<128xi32, #tpu.memory_space<vmem>>
      %dma_start3A_188 = arith.constant 0 : i32
      %dma_start3A_189 = arith.constant 0 : i32
      %dma_start3A_190 = tpu.memref_slice %arg6[%dma_start3A_188, %dma_start3A_189] : memref<10112x128xf32, #tpu.memory_space<vmem_shared>> -> memref<10112x128xf32, #tpu.memory_space<vmem_shared>>
      %dma_start3A_191 = tpu.memref_slice %arg11[%dma_start3A_180] : memref<2x!tpu.dma_semaphore, #tpu.memory_space<semaphore_mem>> -> memref<1x!tpu.dma_semaphore, #tpu.memory_space<semaphore_mem>>
      %dma_start3A_192 = tpu.memref_squeeze %dma_start3A_191 : memref<1x!tpu.dma_semaphore, #tpu.memory_space<semaphore_mem>> -> memref<!tpu.dma_semaphore, #tpu.memory_space<semaphore_mem>>
      tpu.enqueue_indirect_dma source(%dma_start3A_184 : memref<128x128xf32, #tpu.memory_space<vmem>>) target(%dma_start3A_190 : memref<10112x128xf32, #tpu.memory_space<vmem_shared>>) offsets(%dma_start3A_187 : memref<128xi32, #tpu.memory_space<vmem>>) semaphore(%dma_start3A_192 : memref<!tpu.dma_semaphore, #tpu.memory_space<semaphore_mem>>) {add = true}
      %dma_wait3A_193 = arith.constant 1 : i32
      %dma_wait3A_194 = arith.constant 1 : i32
      %dma_wait3A_195 = arith.constant 0 : i32
      %dma_wait3A_196 = arith.constant 0 : i32
      %dma_wait3A_197 = tpu.memref_slice %arg9[%dma_wait3A_193, %dma_wait3A_195, %dma_wait3A_196] : memref<2x128x128xf32, #tpu.memory_space<vmem>> -> memref<1x128x128xf32, #tpu.memory_space<vmem>>
      %dma_wait3A_198 = tpu.memref_squeeze %dma_wait3A_197 : memref<1x128x128xf32, #tpu.memory_space<vmem>> -> memref<128x128xf32, #tpu.memory_space<vmem>>
      %dma_wait3A_199 = arith.constant 0 : i32
      %dma_wait3A_200 = tpu.memref_slice %arg8[%add3A_164, %dma_wait3A_199] : memref<40x128xi32, #tpu.memory_space<vmem>> -> memref<1x128xi32, #tpu.memory_space<vmem>>
      %dma_wait3A_201 = tpu.memref_squeeze %dma_wait3A_200 : memref<1x128xi32, #tpu.memory_space<vmem>> -> memref<128xi32, #tpu.memory_space<vmem>>
      %dma_wait3A_202 = arith.constant 0 : i32
      %dma_wait3A_203 = arith.constant 0 : i32
      %dma_wait3A_204 = tpu.memref_slice %arg6[%dma_wait3A_202, %dma_wait3A_203] : memref<10112x128xf32, #tpu.memory_space<vmem_shared>> -> memref<10112x128xf32, #tpu.memory_space<vmem_shared>>
      %dma_wait3A_205 = tpu.memref_slice %arg11[%dma_wait3A_194] : memref<2x!tpu.dma_semaphore, #tpu.memory_space<semaphore_mem>> -> memref<1x!tpu.dma_semaphore, #tpu.memory_space<semaphore_mem>>
      %dma_wait3A_206 = tpu.memref_squeeze %dma_wait3A_205 : memref<1x!tpu.dma_semaphore, #tpu.memory_space<semaphore_mem>> -> memref<!tpu.dma_semaphore, #tpu.memory_space<semaphore_mem>>
      tpu.wait_indirect_dma semaphore(%dma_wait3A_206 : memref<!tpu.dma_semaphore, #tpu.memory_space<semaphore_mem>>) src(%dma_wait3A_198 : memref<128x128xf32, #tpu.memory_space<vmem>>) dst(%dma_wait3A_204 : memref<10112x128xf32, #tpu.memory_space<vmem_shared>>)
      %add3A_207 = arith.constant 2 : i32
      %add3A_208 = arith.addi %add3A_164, %add3A_207 : i32
      %lt3A_209 = arith.constant 40 : i32
      %lt3A_210 = arith.cmpi slt, %add3A_208, %lt3A_209 : i32
      %convert_element_type3A_211 = arith.extui %lt3A_210 : i1 to i32
      %cond3A_212 = arith.constant 0 : i32
      %cond3A_213 = arith.cmpi ne, %convert_element_type3A_211, %cond3A_212 : i32
      scf.if %cond3A_213 {
        %add3A_214 = arith.constant 2 : i32
        %add3A_215 = arith.addi %add3A_164, %add3A_214 : i32
        %dma_start3A_216 = arith.constant 1 : i32
        %dma_start3A_217 = arith.constant 1 : i32
        %dma_start3A_218 = arith.constant 0 : i32
        %dma_start3A_219 = arith.constant 0 : i32
        %dma_start3A_220 = tpu.memref_slice %arg9[%dma_start3A_216, %dma_start3A_218, %dma_start3A_219] : memref<2x128x128xf32, #tpu.memory_space<vmem>> -> memref<1x128x128xf32, #tpu.memory_space<vmem>>
        %dma_start3A_221 = tpu.memref_squeeze %dma_start3A_220 : memref<1x128x128xf32, #tpu.memory_space<vmem>> -> memref<128x128xf32, #tpu.memory_space<vmem>>
        %dma_start3A_222 = arith.constant 0 : i32
        %dma_start3A_223 = tpu.memref_slice %arg7[%add3A_215, %dma_start3A_222] : memref<40x128xi32, #tpu.memory_space<vmem>> -> memref<1x128xi32, #tpu.memory_space<vmem>>
        %dma_start3A_224 = tpu.memref_squeeze %dma_start3A_223 : memref<1x128xi32, #tpu.memory_space<vmem>> -> memref<128xi32, #tpu.memory_space<vmem>>
        %dma_start3A_225 = arith.constant 0 : i32
        %dma_start3A_226 = arith.constant 0 : i32
        %dma_start3A_227 = tpu.memref_slice %arg2[%dma_start3A_225, %dma_start3A_226] : memref<10112x128xf32, #tpu.memory_space<hbm>> -> memref<10112x128xf32, #tpu.memory_space<hbm>>
        %dma_start3A_228 = tpu.memref_slice %arg10[%dma_start3A_217] : memref<2x!tpu.dma_semaphore, #tpu.memory_space<semaphore_mem>> -> memref<1x!tpu.dma_semaphore, #tpu.memory_space<semaphore_mem>>
        %dma_start3A_229 = tpu.memref_squeeze %dma_start3A_228 : memref<1x!tpu.dma_semaphore, #tpu.memory_space<semaphore_mem>> -> memref<!tpu.dma_semaphore, #tpu.memory_space<semaphore_mem>>
        tpu.enqueue_indirect_dma source(%dma_start3A_227 : memref<10112x128xf32, #tpu.memory_space<hbm>>) target(%dma_start3A_221 : memref<128x128xf32, #tpu.memory_space<vmem>>) offsets(%dma_start3A_224 : memref<128xi32, #tpu.memory_space<vmem>>) semaphore(%dma_start3A_229 : memref<!tpu.dma_semaphore, #tpu.memory_space<semaphore_mem>>)
      } else {
      }
    }
    %scan3A_105 = arith.constant 20 : i32
    %barrier3A_106 = arith.constant 0 : index
    tpu.barrier barrier_id(%barrier3A_106)
    %mul3A_107 = arith.constant 632 : i32
    %mul3A_108 = arith.muli %arg1, %mul3A_107 : i32
    %mul3A_109 = arith.constant 632 : i32
    %mul3A_110 = arith.muli %arg1, %mul3A_109 : i32
    "tpu.region"() ({
      %run_scoped3A_111 = tpu.sem_alloc : memref<!tpu.dma_semaphore, #tpu.memory_space<semaphore_mem>>
      %dma_start3A_112 = arith.constant 0 : i32
      %dma_start3A_113 = tpu.memref_slice %arg5[%arg0, %mul3A_110, %dma_start3A_112] : memref<2x10112x128xf32, #tpu.memory_space<hbm>> -> memref<1x632x128xf32, #tpu.memory_space<hbm>>
      %dma_start3A_114 = tpu.memref_squeeze %dma_start3A_113 : memref<1x632x128xf32, #tpu.memory_space<hbm>> -> memref<632x128xf32, #tpu.memory_space<hbm>>
      %dma_start3A_115 = arith.constant 0 : i32
      %dma_start3A_116 = tpu.memref_slice %arg6[%mul3A_108, %dma_start3A_115] : memref<10112x128xf32, #tpu.memory_space<vmem_shared>> -> memref<632x128xf32, #tpu.memory_space<vmem_shared>>
      tpu.enqueue_dma source(%dma_start3A_116 : memref<632x128xf32, #tpu.memory_space<vmem_shared>>) target(%dma_start3A_114 : memref<632x128xf32, #tpu.memory_space<hbm>>) target_semaphore(%run_scoped3A_111 : memref<!tpu.dma_semaphore, #tpu.memory_space<semaphore_mem>>)
      %dma_wait3A = arith.constant 0 : i32
      %dma_wait3A_117 = tpu.memref_slice %arg5[%arg0, %mul3A_110, %dma_wait3A] : memref<2x10112x128xf32, #tpu.memory_space<hbm>> -> memref<1x632x128xf32, #tpu.memory_space<hbm>>
      %dma_wait3A_118 = tpu.memref_squeeze %dma_wait3A_117 : memref<1x632x128xf32, #tpu.memory_space<hbm>> -> memref<632x128xf32, #tpu.memory_space<hbm>>
      %dma_wait3A_119 = arith.constant 0 : i32
      %dma_wait3A_120 = tpu.memref_slice %arg6[%mul3A_108, %dma_wait3A_119] : memref<10112x128xf32, #tpu.memory_space<vmem_shared>> -> memref<632x128xf32, #tpu.memory_space<vmem_shared>>
      tpu.wait_dma2 semaphore(%run_scoped3A_111 : memref<!tpu.dma_semaphore, #tpu.memory_space<semaphore_mem>>) src(%dma_wait3A_120 : memref<632x128xf32, #tpu.memory_space<vmem_shared>>) dst(%dma_wait3A_118 : memref<632x128xf32, #tpu.memory_space<hbm>>)
      tpu.yield
    }) : () -> ()
    return
  }
}

#map = affine_map<(d0, d1) -> (0, 0)>
#map1 = affine_map<(d0, d1) -> (0, 0, 0)>
module attributes {stable_mosaic.version = 14 : i64} {
  func.func @k(%arg0: i32, %arg1: i32, %arg2: memref<10112x128xf32, #tpu.memory_space<hbm>>, %arg3: memref<2560x128xi32, #tpu.memory_space<hbm>>, %arg4: memref<2560x128xi32, #tpu.memory_space<hbm>>, %arg5: memref<2x10112x128xf32, #tpu.memory_space<hbm>>, %arg6: memref<10112x128xf32, #tpu.memory_space<vmem_shared>>, %arg7: memref<40x128xi32, #tpu.memory_space<vmem>>, %arg8: memref<40x128xi32, #tpu.memory_space<vmem>>, %arg9: memref<2x128x128xf32, #tpu.memory_space<vmem>>, %arg10: memref<2x!tpu.dma_semaphore, #tpu.memory_space<semaphore_mem>>, %arg11: memref<2x!tpu.dma_semaphore, #tpu.memory_space<semaphore_mem>>) attributes {dimension_semantics = [#tpu.dimension_semantics<core_parallel>, #tpu.dimension_semantics<subcore_parallel>], iteration_bounds = array<i64: 2, 16>, scalar_prefetch = 0 : i64, scratch_operands = 6 : i64, tpu.core_type = #tpu.core_type<sc_vector_subcore>, window_params = [{transform_indices = #map}, {transform_indices = #map}, {transform_indices = #map}, {transform_indices = #map1}]} {
    %mul3A = arith.constant 16 : i32
    %mul3A_0 = arith.muli %arg0, %mul3A : i32
    %add3A = arith.addi %mul3A_0, %arg1 : i32
    %scan3A = arith.constant 0 : i32
    %scan3A_1 = arith.constant 128 : i32
    %scan3A_2 = arith.addi %scan3A, %scan3A_1 : i32
    %scan3A_3 = arith.constant 1 : i32
    scf.for %scan3A_111 = %scan3A to %scan3A_2 step %scan3A_3  : i32 {
      %mul3A_112 = arith.constant 1 : i32
      %mul3A_113 = arith.muli %scan3A_111, %mul3A_112 : i32
      %add3A_114 = arith.constant 0 : i32
      %add3A_115 = arith.addi %add3A_114, %mul3A_113 : i32
      %broadcast_in_dim3A = arith.constant 0.000000e+00 : f32
      %broadcast_in_dim3A_116 = vector.broadcast %broadcast_in_dim3A : f32 to vector<16xf32>
      %swap3A = arith.constant 0 : i32
      %swap3A_117 = arith.index_cast %swap3A : i32 to index
      %swap3A_118 = arith.index_cast %add3A_115 : i32 to index
      %swap3A_119 = arith.constant 0 : index
      %swap3A_120 = tpu.vector_load %arg9[%swap3A_117, %swap3A_118, %swap3A_119] {strides = array<i32>} : memref<2x128x128xf32, #tpu.memory_space<vmem>>, vector<1x1x16xf32>,
      %swap3A_121 = vector.shape_cast %swap3A_120 : vector<1x1x16xf32> to vector<16xf32>
      %swap3A_122 = vector.shape_cast %broadcast_in_dim3A_116 : vector<16xf32> to vector<1x1x16xf32>
      tpu.vector_store %arg9[%swap3A_117, %swap3A_118, %swap3A_119], %swap3A_122 {strides = array<i32>} : memref<2x128x128xf32, #tpu.memory_space<vmem>>, vector<1x1x16xf32>,
      %broadcast_in_dim3A_123 = arith.constant 0.000000e+00 : f32
      %broadcast_in_dim3A_124 = vector.broadcast %broadcast_in_dim3A_123 : f32 to vector<16xf32>
      %swap3A_125 = arith.constant 0 : i32
      %swap3A_126 = arith.index_cast %swap3A_125 : i32 to index
      %swap3A_127 = arith.index_cast %add3A_115 : i32 to index
      %swap3A_128 = arith.constant 16 : index
      %swap3A_129 = tpu.vector_load %arg9[%swap3A_126, %swap3A_127, %swap3A_128] {strides = array<i32>} : memref<2x128x128xf32, #tpu.memory_space<vmem>>, vector<1x1x16xf32>,
      %swap3A_130 = vector.shape_cast %swap3A_129 : vector<1x1x16xf32> to vector<16xf32>
      %swap3A_131 = vector.shape_cast %broadcast_in_dim3A_124 : vector<16xf32> to vector<1x1x16xf32>
      tpu.vector_store %arg9[%swap3A_126, %swap3A_127, %swap3A_128], %swap3A_131 {strides = array<i32>} : memref<2x128x128xf32, #tpu.memory_space<vmem>>, vector<1x1x16xf32>,
      %broadcast_in_dim3A_132 = arith.constant 0.000000e+00 : f32
      %broadcast_in_dim3A_133 = vector.broadcast %broadcast_in_dim3A_132 : f32 to vector<16xf32>
      %swap3A_134 = arith.constant 0 : i32
      %swap3A_135 = arith.index_cast %swap3A_134 : i32 to index
      %swap3A_136 = arith.index_cast %add3A_115 : i32 to index
      %swap3A_137 = arith.constant 32 : index
      %swap3A_138 = tpu.vector_load %arg9[%swap3A_135, %swap3A_136, %swap3A_137] {strides = array<i32>} : memref<2x128x128xf32, #tpu.memory_space<vmem>>, vector<1x1x16xf32>,
      %swap3A_139 = vector.shape_cast %swap3A_138 : vector<1x1x16xf32> to vector<16xf32>
      %swap3A_140 = vector.shape_cast %broadcast_in_dim3A_133 : vector<16xf32> to vector<1x1x16xf32>
      tpu.vector_store %arg9[%swap3A_135, %swap3A_136, %swap3A_137], %swap3A_140 {strides = array<i32>} : memref<2x128x128xf32, #tpu.memory_space<vmem>>, vector<1x1x16xf32>,
      %broadcast_in_dim3A_141 = arith.constant 0.000000e+00 : f32
      %broadcast_in_dim3A_142 = vector.broadcast %broadcast_in_dim3A_141 : f32 to vector<16xf32>
      %swap3A_143 = arith.constant 0 : i32
      %swap3A_144 = arith.index_cast %swap3A_143 : i32 to index
      %swap3A_145 = arith.index_cast %add3A_115 : i32 to index
      %swap3A_146 = arith.constant 48 : index
      %swap3A_147 = tpu.vector_load %arg9[%swap3A_144, %swap3A_145, %swap3A_146] {strides = array<i32>} : memref<2x128x128xf32, #tpu.memory_space<vmem>>, vector<1x1x16xf32>,
      %swap3A_148 = vector.shape_cast %swap3A_147 : vector<1x1x16xf32> to vector<16xf32>
      %swap3A_149 = vector.shape_cast %broadcast_in_dim3A_142 : vector<16xf32> to vector<1x1x16xf32>
      tpu.vector_store %arg9[%swap3A_144, %swap3A_145, %swap3A_146], %swap3A_149 {strides = array<i32>} : memref<2x128x128xf32, #tpu.memory_space<vmem>>, vector<1x1x16xf32>,
      %broadcast_in_dim3A_150 = arith.constant 0.000000e+00 : f32
      %broadcast_in_dim3A_151 = vector.broadcast %broadcast_in_dim3A_150 : f32 to vector<16xf32>
      %swap3A_152 = arith.constant 0 : i32
      %swap3A_153 = arith.index_cast %swap3A_152 : i32 to index
      %swap3A_154 = arith.index_cast %add3A_115 : i32 to index
      %swap3A_155 = arith.constant 64 : index
      %swap3A_156 = tpu.vector_load %arg9[%swap3A_153, %swap3A_154, %swap3A_155] {strides = array<i32>} : memref<2x128x128xf32, #tpu.memory_space<vmem>>, vector<1x1x16xf32>,
      %swap3A_157 = vector.shape_cast %swap3A_156 : vector<1x1x16xf32> to vector<16xf32>
      %swap3A_158 = vector.shape_cast %broadcast_in_dim3A_151 : vector<16xf32> to vector<1x1x16xf32>
      tpu.vector_store %arg9[%swap3A_153, %swap3A_154, %swap3A_155], %swap3A_158 {strides = array<i32>} : memref<2x128x128xf32, #tpu.memory_space<vmem>>, vector<1x1x16xf32>,
      %broadcast_in_dim3A_159 = arith.constant 0.000000e+00 : f32
      %broadcast_in_dim3A_160 = vector.broadcast %broadcast_in_dim3A_159 : f32 to vector<16xf32>
      %swap3A_161 = arith.constant 0 : i32
      %swap3A_162 = arith.index_cast %swap3A_161 : i32 to index
      %swap3A_163 = arith.index_cast %add3A_115 : i32 to index
      %swap3A_164 = arith.constant 80 : index
      %swap3A_165 = tpu.vector_load %arg9[%swap3A_162, %swap3A_163, %swap3A_164] {strides = array<i32>} : memref<2x128x128xf32, #tpu.memory_space<vmem>>, vector<1x1x16xf32>,
      %swap3A_166 = vector.shape_cast %swap3A_165 : vector<1x1x16xf32> to vector<16xf32>
      %swap3A_167 = vector.shape_cast %broadcast_in_dim3A_160 : vector<16xf32> to vector<1x1x16xf32>
      tpu.vector_store %arg9[%swap3A_162, %swap3A_163, %swap3A_164], %swap3A_167 {strides = array<i32>} : memref<2x128x128xf32, #tpu.memory_space<vmem>>, vector<1x1x16xf32>,
      %broadcast_in_dim3A_168 = arith.constant 0.000000e+00 : f32
      %broadcast_in_dim3A_169 = vector.broadcast %broadcast_in_dim3A_168 : f32 to vector<16xf32>
      %swap3A_170 = arith.constant 0 : i32
      %swap3A_171 = arith.index_cast %swap3A_170 : i32 to index
      %swap3A_172 = arith.index_cast %add3A_115 : i32 to index
      %swap3A_173 = arith.constant 96 : index
      %swap3A_174 = tpu.vector_load %arg9[%swap3A_171, %swap3A_172, %swap3A_173] {strides = array<i32>} : memref<2x128x128xf32, #tpu.memory_space<vmem>>, vector<1x1x16xf32>,
      %swap3A_175 = vector.shape_cast %swap3A_174 : vector<1x1x16xf32> to vector<16xf32>
      %swap3A_176 = vector.shape_cast %broadcast_in_dim3A_169 : vector<16xf32> to vector<1x1x16xf32>
      tpu.vector_store %arg9[%swap3A_171, %swap3A_172, %swap3A_173], %swap3A_176 {strides = array<i32>} : memref<2x128x128xf32, #tpu.memory_space<vmem>>, vector<1x1x16xf32>,
      %broadcast_in_dim3A_177 = arith.constant 0.000000e+00 : f32
      %broadcast_in_dim3A_178 = vector.broadcast %broadcast_in_dim3A_177 : f32 to vector<16xf32>
      %swap3A_179 = arith.constant 0 : i32
      %swap3A_180 = arith.index_cast %swap3A_179 : i32 to index
      %swap3A_181 = arith.index_cast %add3A_115 : i32 to index
      %swap3A_182 = arith.constant 112 : index
      %swap3A_183 = tpu.vector_load %arg9[%swap3A_180, %swap3A_181, %swap3A_182] {strides = array<i32>} : memref<2x128x128xf32, #tpu.memory_space<vmem>>, vector<1x1x16xf32>,
      %swap3A_184 = vector.shape_cast %swap3A_183 : vector<1x1x16xf32> to vector<16xf32>
      %swap3A_185 = vector.shape_cast %broadcast_in_dim3A_178 : vector<16xf32> to vector<1x1x16xf32>
      tpu.vector_store %arg9[%swap3A_180, %swap3A_181, %swap3A_182], %swap3A_185 {strides = array<i32>} : memref<2x128x128xf32, #tpu.memory_space<vmem>>, vector<1x1x16xf32>,
    }
    %scan3A_4 = arith.constant 128 : i32
    %mul3A_5 = arith.constant 632 : i32
    %mul3A_6 = arith.muli %arg1, %mul3A_5 : i32
    %add3A_7 = arith.constant 0 : i32
    %add3A_8 = arith.addi %mul3A_6, %add3A_7 : i32
    %run_scoped3A = arith.constant 0 : i32
    "tpu.region"() ({
      %run_scoped3A_111 = tpu.sem_alloc : memref<!tpu.dma_semaphore, #tpu.memory_space<semaphore_mem>>
      %dma_start3A_112 = arith.constant 0 : i32
      %dma_start3A_113 = arith.constant 0 : i32
      %dma_start3A_114 = tpu.memref_slice %arg9[%run_scoped3A, %dma_start3A_112, %dma_start3A_113] : memref<2x128x128xf32, #tpu.memory_space<vmem>> -> memref<1x128x128xf32, #tpu.memory_space<vmem>>
      %dma_start3A_115 = tpu.memref_squeeze %dma_start3A_114 : memref<1x128x128xf32, #tpu.memory_space<vmem>> -> memref<128x128xf32, #tpu.memory_space<vmem>>
      %dma_start3A_116 = arith.constant 0 : i32
      %dma_start3A_117 = tpu.memref_slice %arg6[%add3A_8, %dma_start3A_116] : memref<10112x128xf32, #tpu.memory_space<vmem_shared>> -> memref<128x128xf32, #tpu.memory_space<vmem_shared>>
      %dma_start3A_118 = arith.constant 0 : i32
      %dma_start3A_119 = tpu.memref_slice %arg6[%add3A_8, %dma_start3A_118] : memref<10112x128xf32, #tpu.memory_space<vmem_shared>> -> memref<128x128xf32, #tpu.memory_space<vmem_shared>>
      %dma_start3A_120 = arith.constant 0 : i32
      %dma_start3A_121 = arith.constant 0 : i32
      %dma_start3A_122 = tpu.memref_slice %arg9[%run_scoped3A, %dma_start3A_120, %dma_start3A_121] : memref<2x128x128xf32, #tpu.memory_space<vmem>> -> memref<1x128x128xf32, #tpu.memory_space<vmem>>
      %dma_start3A_123 = tpu.memref_squeeze %dma_start3A_122 : memref<1x128x128xf32, #tpu.memory_space<vmem>> -> memref<128x128xf32, #tpu.memory_space<vmem>>
      tpu.enqueue_dma source(%dma_start3A_123 : memref<128x128xf32, #tpu.memory_space<vmem>>) target(%dma_start3A_119 : memref<128x128xf32, #tpu.memory_space<vmem_shared>>) target_semaphore(%run_scoped3A_111 : memref<!tpu.dma_semaphore, #tpu.memory_space<semaphore_mem>>)
      %dma_wait3A = arith.constant 0 : i32
      %dma_wait3A_124 = arith.constant 0 : i32
      %dma_wait3A_125 = tpu.memref_slice %arg9[%run_scoped3A, %dma_wait3A, %dma_wait3A_124] : memref<2x128x128xf32, #tpu.memory_space<vmem>> -> memref<1x128x128xf32, #tpu.memory_space<vmem>>
      %dma_wait3A_126 = tpu.memref_squeeze %dma_wait3A_125 : memref<1x128x128xf32, #tpu.memory_space<vmem>> -> memref<128x128xf32, #tpu.memory_space<vmem>>
      %dma_wait3A_127 = arith.constant 0 : i32
      %dma_wait3A_128 = tpu.memref_slice %arg6[%add3A_8, %dma_wait3A_127] : memref<10112x128xf32, #tpu.memory_space<vmem_shared>> -> memref<128x128xf32, #tpu.memory_space<vmem_shared>>
      %dma_wait3A_129 = arith.constant 0 : i32
      %dma_wait3A_130 = tpu.memref_slice %arg6[%add3A_8, %dma_wait3A_129] : memref<10112x128xf32, #tpu.memory_space<vmem_shared>> -> memref<128x128xf32, #tpu.memory_space<vmem_shared>>
      %dma_wait3A_131 = arith.constant 0 : i32
      %dma_wait3A_132 = arith.constant 0 : i32
      %dma_wait3A_133 = tpu.memref_slice %arg9[%run_scoped3A, %dma_wait3A_131, %dma_wait3A_132] : memref<2x128x128xf32, #tpu.memory_space<vmem>> -> memref<1x128x128xf32, #tpu.memory_space<vmem>>
      %dma_wait3A_134 = tpu.memref_squeeze %dma_wait3A_133 : memref<1x128x128xf32, #tpu.memory_space<vmem>> -> memref<128x128xf32, #tpu.memory_space<vmem>>
      tpu.wait_dma2 semaphore(%run_scoped3A_111 : memref<!tpu.dma_semaphore, #tpu.memory_space<semaphore_mem>>) src(%dma_wait3A_134 : memref<128x128xf32, #tpu.memory_space<vmem>>) dst(%dma_wait3A_130 : memref<128x128xf32, #tpu.memory_space<vmem_shared>>)
      tpu.yield
    }) : () -> ()
    %mul3A_9 = arith.constant 632 : i32
    %mul3A_10 = arith.muli %arg1, %mul3A_9 : i32
    %add3A_11 = arith.constant 128 : i32
    %add3A_12 = arith.addi %mul3A_10, %add3A_11 : i32
    %run_scoped3A_13 = arith.constant 0 : i32
    "tpu.region"() ({
      %run_scoped3A_111 = tpu.sem_alloc : memref<!tpu.dma_semaphore, #tpu.memory_space<semaphore_mem>>
      %dma_start3A_112 = arith.constant 0 : i32
      %dma_start3A_113 = arith.constant 0 : i32
      %dma_start3A_114 = tpu.memref_slice %arg9[%run_scoped3A_13, %dma_start3A_112, %dma_start3A_113] : memref<2x128x128xf32, #tpu.memory_space<vmem>> -> memref<1x128x128xf32, #tpu.memory_space<vmem>>
      %dma_start3A_115 = tpu.memref_squeeze %dma_start3A_114 : memref<1x128x128xf32, #tpu.memory_space<vmem>> -> memref<128x128xf32, #tpu.memory_space<vmem>>
      %dma_start3A_116 = arith.constant 0 : i32
      %dma_start3A_117 = tpu.memref_slice %arg6[%add3A_12, %dma_start3A_116] : memref<10112x128xf32, #tpu.memory_space<vmem_shared>> -> memref<128x128xf32, #tpu.memory_space<vmem_shared>>
      %dma_start3A_118 = arith.constant 0 : i32
      %dma_start3A_119 = tpu.memref_slice %arg6[%add3A_12, %dma_start3A_118] : memref<10112x128xf32, #tpu.memory_space<vmem_shared>> -> memref<128x128xf32, #tpu.memory_space<vmem_shared>>
      %dma_start3A_120 = arith.constant 0 : i32
      %dma_start3A_121 = arith.constant 0 : i32
      %dma_start3A_122 = tpu.memref_slice %arg9[%run_scoped3A_13, %dma_start3A_120, %dma_start3A_121] : memref<2x128x128xf32, #tpu.memory_space<vmem>> -> memref<1x128x128xf32, #tpu.memory_space<vmem>>
      %dma_start3A_123 = tpu.memref_squeeze %dma_start3A_122 : memref<1x128x128xf32, #tpu.memory_space<vmem>> -> memref<128x128xf32, #tpu.memory_space<vmem>>
      tpu.enqueue_dma source(%dma_start3A_123 : memref<128x128xf32, #tpu.memory_space<vmem>>) target(%dma_start3A_119 : memref<128x128xf32, #tpu.memory_space<vmem_shared>>) target_semaphore(%run_scoped3A_111 : memref<!tpu.dma_semaphore, #tpu.memory_space<semaphore_mem>>)
      %dma_wait3A = arith.constant 0 : i32
      %dma_wait3A_124 = arith.constant 0 : i32
      %dma_wait3A_125 = tpu.memref_slice %arg9[%run_scoped3A_13, %dma_wait3A, %dma_wait3A_124] : memref<2x128x128xf32, #tpu.memory_space<vmem>> -> memref<1x128x128xf32, #tpu.memory_space<vmem>>
      %dma_wait3A_126 = tpu.memref_squeeze %dma_wait3A_125 : memref<1x128x128xf32, #tpu.memory_space<vmem>> -> memref<128x128xf32, #tpu.memory_space<vmem>>
      %dma_wait3A_127 = arith.constant 0 : i32
      %dma_wait3A_128 = tpu.memref_slice %arg6[%add3A_12, %dma_wait3A_127] : memref<10112x128xf32, #tpu.memory_space<vmem_shared>> -> memref<128x128xf32, #tpu.memory_space<vmem_shared>>
      %dma_wait3A_129 = arith.constant 0 : i32
      %dma_wait3A_130 = tpu.memref_slice %arg6[%add3A_12, %dma_wait3A_129] : memref<10112x128xf32, #tpu.memory_space<vmem_shared>> -> memref<128x128xf32, #tpu.memory_space<vmem_shared>>
      %dma_wait3A_131 = arith.constant 0 : i32
      %dma_wait3A_132 = arith.constant 0 : i32
      %dma_wait3A_133 = tpu.memref_slice %arg9[%run_scoped3A_13, %dma_wait3A_131, %dma_wait3A_132] : memref<2x128x128xf32, #tpu.memory_space<vmem>> -> memref<1x128x128xf32, #tpu.memory_space<vmem>>
      %dma_wait3A_134 = tpu.memref_squeeze %dma_wait3A_133 : memref<1x128x128xf32, #tpu.memory_space<vmem>> -> memref<128x128xf32, #tpu.memory_space<vmem>>
      tpu.wait_dma2 semaphore(%run_scoped3A_111 : memref<!tpu.dma_semaphore, #tpu.memory_space<semaphore_mem>>) src(%dma_wait3A_134 : memref<128x128xf32, #tpu.memory_space<vmem>>) dst(%dma_wait3A_130 : memref<128x128xf32, #tpu.memory_space<vmem_shared>>)
      tpu.yield
    }) : () -> ()
    %mul3A_14 = arith.constant 632 : i32
    %mul3A_15 = arith.muli %arg1, %mul3A_14 : i32
    %add3A_16 = arith.constant 256 : i32
    %add3A_17 = arith.addi %mul3A_15, %add3A_16 : i32
    %run_scoped3A_18 = arith.constant 0 : i32
    "tpu.region"() ({
      %run_scoped3A_111 = tpu.sem_alloc : memref<!tpu.dma_semaphore, #tpu.memory_space<semaphore_mem>>
      %dma_start3A_112 = arith.constant 0 : i32
      %dma_start3A_113 = arith.constant 0 : i32
      %dma_start3A_114 = tpu.memref_slice %arg9[%run_scoped3A_18, %dma_start3A_112, %dma_start3A_113] : memref<2x128x128xf32, #tpu.memory_space<vmem>> -> memref<1x128x128xf32, #tpu.memory_space<vmem>>
      %dma_start3A_115 = tpu.memref_squeeze %dma_start3A_114 : memref<1x128x128xf32, #tpu.memory_space<vmem>> -> memref<128x128xf32, #tpu.memory_space<vmem>>
      %dma_start3A_116 = arith.constant 0 : i32
      %dma_start3A_117 = tpu.memref_slice %arg6[%add3A_17, %dma_start3A_116] : memref<10112x128xf32, #tpu.memory_space<vmem_shared>> -> memref<128x128xf32, #tpu.memory_space<vmem_shared>>
      %dma_start3A_118 = arith.constant 0 : i32
      %dma_start3A_119 = tpu.memref_slice %arg6[%add3A_17, %dma_start3A_118] : memref<10112x128xf32, #tpu.memory_space<vmem_shared>> -> memref<128x128xf32, #tpu.memory_space<vmem_shared>>
      %dma_start3A_120 = arith.constant 0 : i32
      %dma_start3A_121 = arith.constant 0 : i32
      %dma_start3A_122 = tpu.memref_slice %arg9[%run_scoped3A_18, %dma_start3A_120, %dma_start3A_121] : memref<2x128x128xf32, #tpu.memory_space<vmem>> -> memref<1x128x128xf32, #tpu.memory_space<vmem>>
      %dma_start3A_123 = tpu.memref_squeeze %dma_start3A_122 : memref<1x128x128xf32, #tpu.memory_space<vmem>> -> memref<128x128xf32, #tpu.memory_space<vmem>>
      tpu.enqueue_dma source(%dma_start3A_123 : memref<128x128xf32, #tpu.memory_space<vmem>>) target(%dma_start3A_119 : memref<128x128xf32, #tpu.memory_space<vmem_shared>>) target_semaphore(%run_scoped3A_111 : memref<!tpu.dma_semaphore, #tpu.memory_space<semaphore_mem>>)
      %dma_wait3A = arith.constant 0 : i32
      %dma_wait3A_124 = arith.constant 0 : i32
      %dma_wait3A_125 = tpu.memref_slice %arg9[%run_scoped3A_18, %dma_wait3A, %dma_wait3A_124] : memref<2x128x128xf32, #tpu.memory_space<vmem>> -> memref<1x128x128xf32, #tpu.memory_space<vmem>>
      %dma_wait3A_126 = tpu.memref_squeeze %dma_wait3A_125 : memref<1x128x128xf32, #tpu.memory_space<vmem>> -> memref<128x128xf32, #tpu.memory_space<vmem>>
      %dma_wait3A_127 = arith.constant 0 : i32
      %dma_wait3A_128 = tpu.memref_slice %arg6[%add3A_17, %dma_wait3A_127] : memref<10112x128xf32, #tpu.memory_space<vmem_shared>> -> memref<128x128xf32, #tpu.memory_space<vmem_shared>>
      %dma_wait3A_129 = arith.constant 0 : i32
      %dma_wait3A_130 = tpu.memref_slice %arg6[%add3A_17, %dma_wait3A_129] : memref<10112x128xf32, #tpu.memory_space<vmem_shared>> -> memref<128x128xf32, #tpu.memory_space<vmem_shared>>
      %dma_wait3A_131 = arith.constant 0 : i32
      %dma_wait3A_132 = arith.constant 0 : i32
      %dma_wait3A_133 = tpu.memref_slice %arg9[%run_scoped3A_18, %dma_wait3A_131, %dma_wait3A_132] : memref<2x128x128xf32, #tpu.memory_space<vmem>> -> memref<1x128x128xf32, #tpu.memory_space<vmem>>
      %dma_wait3A_134 = tpu.memref_squeeze %dma_wait3A_133 : memref<1x128x128xf32, #tpu.memory_space<vmem>> -> memref<128x128xf32, #tpu.memory_space<vmem>>
      tpu.wait_dma2 semaphore(%run_scoped3A_111 : memref<!tpu.dma_semaphore, #tpu.memory_space<semaphore_mem>>) src(%dma_wait3A_134 : memref<128x128xf32, #tpu.memory_space<vmem>>) dst(%dma_wait3A_130 : memref<128x128xf32, #tpu.memory_space<vmem_shared>>)
      tpu.yield
    }) : () -> ()
    %mul3A_19 = arith.constant 632 : i32
    %mul3A_20 = arith.muli %arg1, %mul3A_19 : i32
    %add3A_21 = arith.constant 384 : i32
    %add3A_22 = arith.addi %mul3A_20, %add3A_21 : i32
    %run_scoped3A_23 = arith.constant 0 : i32
    "tpu.region"() ({
      %run_scoped3A_111 = tpu.sem_alloc : memref<!tpu.dma_semaphore, #tpu.memory_space<semaphore_mem>>
      %dma_start3A_112 = arith.constant 0 : i32
      %dma_start3A_113 = arith.constant 0 : i32
      %dma_start3A_114 = tpu.memref_slice %arg9[%run_scoped3A_23, %dma_start3A_112, %dma_start3A_113] : memref<2x128x128xf32, #tpu.memory_space<vmem>> -> memref<1x128x128xf32, #tpu.memory_space<vmem>>
      %dma_start3A_115 = tpu.memref_squeeze %dma_start3A_114 : memref<1x128x128xf32, #tpu.memory_space<vmem>> -> memref<128x128xf32, #tpu.memory_space<vmem>>
      %dma_start3A_116 = arith.constant 0 : i32
      %dma_start3A_117 = tpu.memref_slice %arg6[%add3A_22, %dma_start3A_116] : memref<10112x128xf32, #tpu.memory_space<vmem_shared>> -> memref<128x128xf32, #tpu.memory_space<vmem_shared>>
      %dma_start3A_118 = arith.constant 0 : i32
      %dma_start3A_119 = tpu.memref_slice %arg6[%add3A_22, %dma_start3A_118] : memref<10112x128xf32, #tpu.memory_space<vmem_shared>> -> memref<128x128xf32, #tpu.memory_space<vmem_shared>>
      %dma_start3A_120 = arith.constant 0 : i32
      %dma_start3A_121 = arith.constant 0 : i32
      %dma_start3A_122 = tpu.memref_slice %arg9[%run_scoped3A_23, %dma_start3A_120, %dma_start3A_121] : memref<2x128x128xf32, #tpu.memory_space<vmem>> -> memref<1x128x128xf32, #tpu.memory_space<vmem>>
      %dma_start3A_123 = tpu.memref_squeeze %dma_start3A_122 : memref<1x128x128xf32, #tpu.memory_space<vmem>> -> memref<128x128xf32, #tpu.memory_space<vmem>>
      tpu.enqueue_dma source(%dma_start3A_123 : memref<128x128xf32, #tpu.memory_space<vmem>>) target(%dma_start3A_119 : memref<128x128xf32, #tpu.memory_space<vmem_shared>>) target_semaphore(%run_scoped3A_111 : memref<!tpu.dma_semaphore, #tpu.memory_space<semaphore_mem>>)
      %dma_wait3A = arith.constant 0 : i32
      %dma_wait3A_124 = arith.constant 0 : i32
      %dma_wait3A_125 = tpu.memref_slice %arg9[%run_scoped3A_23, %dma_wait3A, %dma_wait3A_124] : memref<2x128x128xf32, #tpu.memory_space<vmem>> -> memref<1x128x128xf32, #tpu.memory_space<vmem>>
      %dma_wait3A_126 = tpu.memref_squeeze %dma_wait3A_125 : memref<1x128x128xf32, #tpu.memory_space<vmem>> -> memref<128x128xf32, #tpu.memory_space<vmem>>
      %dma_wait3A_127 = arith.constant 0 : i32
      %dma_wait3A_128 = tpu.memref_slice %arg6[%add3A_22, %dma_wait3A_127] : memref<10112x128xf32, #tpu.memory_space<vmem_shared>> -> memref<128x128xf32, #tpu.memory_space<vmem_shared>>
      %dma_wait3A_129 = arith.constant 0 : i32
      %dma_wait3A_130 = tpu.memref_slice %arg6[%add3A_22, %dma_wait3A_129] : memref<10112x128xf32, #tpu.memory_space<vmem_shared>> -> memref<128x128xf32, #tpu.memory_space<vmem_shared>>
      %dma_wait3A_131 = arith.constant 0 : i32
      %dma_wait3A_132 = arith.constant 0 : i32
      %dma_wait3A_133 = tpu.memref_slice %arg9[%run_scoped3A_23, %dma_wait3A_131, %dma_wait3A_132] : memref<2x128x128xf32, #tpu.memory_space<vmem>> -> memref<1x128x128xf32, #tpu.memory_space<vmem>>
      %dma_wait3A_134 = tpu.memref_squeeze %dma_wait3A_133 : memref<1x128x128xf32, #tpu.memory_space<vmem>> -> memref<128x128xf32, #tpu.memory_space<vmem>>
      tpu.wait_dma2 semaphore(%run_scoped3A_111 : memref<!tpu.dma_semaphore, #tpu.memory_space<semaphore_mem>>) src(%dma_wait3A_134 : memref<128x128xf32, #tpu.memory_space<vmem>>) dst(%dma_wait3A_130 : memref<128x128xf32, #tpu.memory_space<vmem_shared>>)
      tpu.yield
    }) : () -> ()
    %mul3A_24 = arith.constant 632 : i32
    %mul3A_25 = arith.muli %arg1, %mul3A_24 : i32
    %add3A_26 = arith.constant 512 : i32
    %add3A_27 = arith.addi %mul3A_25, %add3A_26 : i32
    %run_scoped3A_28 = arith.constant 0 : i32
    "tpu.region"() ({
      %run_scoped3A_111 = tpu.sem_alloc : memref<!tpu.dma_semaphore, #tpu.memory_space<semaphore_mem>>
      %dma_start3A_112 = arith.constant 0 : i32
      %dma_start3A_113 = arith.constant 0 : i32
      %dma_start3A_114 = tpu.memref_slice %arg9[%run_scoped3A_28, %dma_start3A_112, %dma_start3A_113] : memref<2x128x128xf32, #tpu.memory_space<vmem>> -> memref<1x120x128xf32, #tpu.memory_space<vmem>>
      %dma_start3A_115 = tpu.memref_squeeze %dma_start3A_114 : memref<1x120x128xf32, #tpu.memory_space<vmem>> -> memref<120x128xf32, #tpu.memory_space<vmem>>
      %dma_start3A_116 = arith.constant 0 : i32
      %dma_start3A_117 = tpu.memref_slice %arg6[%add3A_27, %dma_start3A_116] : memref<10112x128xf32, #tpu.memory_space<vmem_shared>> -> memref<120x128xf32, #tpu.memory_space<vmem_shared>>
      %dma_start3A_118 = arith.constant 0 : i32
      %dma_start3A_119 = tpu.memref_slice %arg6[%add3A_27, %dma_start3A_118] : memref<10112x128xf32, #tpu.memory_space<vmem_shared>> -> memref<120x128xf32, #tpu.memory_space<vmem_shared>>
      %dma_start3A_120 = arith.constant 0 : i32
      %dma_start3A_121 = arith.constant 0 : i32
      %dma_start3A_122 = tpu.memref_slice %arg9[%run_scoped3A_28, %dma_start3A_120, %dma_start3A_121] : memref<2x128x128xf32, #tpu.memory_space<vmem>> -> memref<1x120x128xf32, #tpu.memory_space<vmem>>
      %dma_start3A_123 = tpu.memref_squeeze %dma_start3A_122 : memref<1x120x128xf32, #tpu.memory_space<vmem>> -> memref<120x128xf32, #tpu.memory_space<vmem>>
      tpu.enqueue_dma source(%dma_start3A_123 : memref<120x128xf32, #tpu.memory_space<vmem>>) target(%dma_start3A_119 : memref<120x128xf32, #tpu.memory_space<vmem_shared>>) target_semaphore(%run_scoped3A_111 : memref<!tpu.dma_semaphore, #tpu.memory_space<semaphore_mem>>)
      %dma_wait3A = arith.constant 0 : i32
      %dma_wait3A_124 = arith.constant 0 : i32
      %dma_wait3A_125 = tpu.memref_slice %arg9[%run_scoped3A_28, %dma_wait3A, %dma_wait3A_124] : memref<2x128x128xf32, #tpu.memory_space<vmem>> -> memref<1x120x128xf32, #tpu.memory_space<vmem>>
      %dma_wait3A_126 = tpu.memref_squeeze %dma_wait3A_125 : memref<1x120x128xf32, #tpu.memory_space<vmem>> -> memref<120x128xf32, #tpu.memory_space<vmem>>
      %dma_wait3A_127 = arith.constant 0 : i32
      %dma_wait3A_128 = tpu.memref_slice %arg6[%add3A_27, %dma_wait3A_127] : memref<10112x128xf32, #tpu.memory_space<vmem_shared>> -> memref<120x128xf32, #tpu.memory_space<vmem_shared>>
      %dma_wait3A_129 = arith.constant 0 : i32
      %dma_wait3A_130 = tpu.memref_slice %arg6[%add3A_27, %dma_wait3A_129] : memref<10112x128xf32, #tpu.memory_space<vmem_shared>> -> memref<120x128xf32, #tpu.memory_space<vmem_shared>>
      %dma_wait3A_131 = arith.constant 0 : i32
      %dma_wait3A_132 = arith.constant 0 : i32
      %dma_wait3A_133 = tpu.memref_slice %arg9[%run_scoped3A_28, %dma_wait3A_131, %dma_wait3A_132] : memref<2x128x128xf32, #tpu.memory_space<vmem>> -> memref<1x120x128xf32, #tpu.memory_space<vmem>>
      %dma_wait3A_134 = tpu.memref_squeeze %dma_wait3A_133 : memref<1x120x128xf32, #tpu.memory_space<vmem>> -> memref<120x128xf32, #tpu.memory_space<vmem>>
      tpu.wait_dma2 semaphore(%run_scoped3A_111 : memref<!tpu.dma_semaphore, #tpu.memory_space<semaphore_mem>>) src(%dma_wait3A_134 : memref<120x128xf32, #tpu.memory_space<vmem>>) dst(%dma_wait3A_130 : memref<120x128xf32, #tpu.memory_space<vmem_shared>>)
      tpu.yield
    }) : () -> ()
    %barrier3A = arith.constant 0 : index
    tpu.barrier barrier_id(%barrier3A)
    %mul3A_29 = arith.constant 80 : i32
    %mul3A_30 = arith.muli %add3A, %mul3A_29 : i32
    %add3A_31 = arith.constant 0 : i32
    %add3A_32 = arith.addi %mul3A_30, %add3A_31 : i32
    "tpu.region"() ({
      %run_scoped3A_111 = tpu.sem_alloc : memref<!tpu.dma_semaphore, #tpu.memory_space<semaphore_mem>>
      %dma_start3A_112 = arith.constant 0 : i32
      %dma_start3A_113 = tpu.memref_slice %arg3[%add3A_32, %dma_start3A_112] : memref<2560x128xi32, #tpu.memory_space<hbm>> -> memref<40x128xi32, #tpu.memory_space<hbm>>
      %dma_start3A_114 = arith.constant 0 : i32
      %dma_start3A_115 = tpu.memref_slice %arg3[%add3A_32, %dma_start3A_114] : memref<2560x128xi32, #tpu.memory_space<hbm>> -> memref<40x128xi32, #tpu.memory_space<hbm>>
      tpu.enqueue_dma source(%dma_start3A_115 : memref<40x128xi32, #tpu.memory_space<hbm>>) target(%arg7 : memref<40x128xi32, #tpu.memory_space<vmem>>) target_semaphore(%run_scoped3A_111 : memref<!tpu.dma_semaphore, #tpu.memory_space<semaphore_mem>>)
      %dma_wait3A = arith.constant 0 : i32
      %dma_wait3A_116 = tpu.memref_slice %arg3[%add3A_32, %dma_wait3A] : memref<2560x128xi32, #tpu.memory_space<hbm>> -> memref<40x128xi32, #tpu.memory_space<hbm>>
      %dma_wait3A_117 = arith.constant 0 : i32
      %dma_wait3A_118 = tpu.memref_slice %arg3[%add3A_32, %dma_wait3A_117] : memref<2560x128xi32, #tpu.memory_space<hbm>> -> memref<40x128xi32, #tpu.memory_space<hbm>>
      tpu.wait_dma2 semaphore(%run_scoped3A_111 : memref<!tpu.dma_semaphore, #tpu.memory_space<semaphore_mem>>) src(%dma_wait3A_118 : memref<40x128xi32, #tpu.memory_space<hbm>>) dst(%arg7 : memref<40x128xi32, #tpu.memory_space<vmem>>)
      tpu.yield
    }) : () -> ()
    "tpu.region"() ({
      %run_scoped3A_111 = tpu.sem_alloc : memref<!tpu.dma_semaphore, #tpu.memory_space<semaphore_mem>>
      %dma_start3A_112 = arith.constant 0 : i32
      %dma_start3A_113 = tpu.memref_slice %arg4[%add3A_32, %dma_start3A_112] : memref<2560x128xi32, #tpu.memory_space<hbm>> -> memref<40x128xi32, #tpu.memory_space<hbm>>
      %dma_start3A_114 = arith.constant 0 : i32
      %dma_start3A_115 = tpu.memref_slice %arg4[%add3A_32, %dma_start3A_114] : memref<2560x128xi32, #tpu.memory_space<hbm>> -> memref<40x128xi32, #tpu.memory_space<hbm>>
      tpu.enqueue_dma source(%dma_start3A_115 : memref<40x128xi32, #tpu.memory_space<hbm>>) target(%arg8 : memref<40x128xi32, #tpu.memory_space<vmem>>) target_semaphore(%run_scoped3A_111 : memref<!tpu.dma_semaphore, #tpu.memory_space<semaphore_mem>>)
      %dma_wait3A = arith.constant 0 : i32
      %dma_wait3A_116 = tpu.memref_slice %arg4[%add3A_32, %dma_wait3A] : memref<2560x128xi32, #tpu.memory_space<hbm>> -> memref<40x128xi32, #tpu.memory_space<hbm>>
      %dma_wait3A_117 = arith.constant 0 : i32
      %dma_wait3A_118 = tpu.memref_slice %arg4[%add3A_32, %dma_wait3A_117] : memref<2560x128xi32, #tpu.memory_space<hbm>> -> memref<40x128xi32, #tpu.memory_space<hbm>>
      tpu.wait_dma2 semaphore(%run_scoped3A_111 : memref<!tpu.dma_semaphore, #tpu.memory_space<semaphore_mem>>) src(%dma_wait3A_118 : memref<40x128xi32, #tpu.memory_space<hbm>>) dst(%arg8 : memref<40x128xi32, #tpu.memory_space<vmem>>)
      tpu.yield
    }) : () -> ()
    %dma_start3A = arith.constant 0 : i32
    %dma_start3A_33 = arith.constant 0 : i32
    %dma_start3A_34 = arith.constant 0 : i32
    %dma_start3A_35 = arith.constant 0 : i32
    %dma_start3A_36 = arith.constant 0 : i32
    %dma_start3A_37 = tpu.memref_slice %arg9[%dma_start3A_33, %dma_start3A_35, %dma_start3A_36] : memref<2x128x128xf32, #tpu.memory_space<vmem>> -> memref<1x128x128xf32, #tpu.memory_space<vmem>>
    %dma_start3A_38 = tpu.memref_squeeze %dma_start3A_37 : memref<1x128x128xf32, #tpu.memory_space<vmem>> -> memref<128x128xf32, #tpu.memory_space<vmem>>
    %dma_start3A_39 = arith.constant 0 : i32
    %dma_start3A_40 = tpu.memref_slice %arg7[%dma_start3A, %dma_start3A_39] : memref<40x128xi32, #tpu.memory_space<vmem>> -> memref<1x128xi32, #tpu.memory_space<vmem>>
    %dma_start3A_41 = tpu.memref_squeeze %dma_start3A_40 : memref<1x128xi32, #tpu.memory_space<vmem>> -> memref<128xi32, #tpu.memory_space<vmem>>
    %dma_start3A_42 = arith.constant 0 : i32
    %dma_start3A_43 = arith.constant 0 : i32
    %dma_start3A_44 = tpu.memref_slice %arg2[%dma_start3A_42, %dma_start3A_43] : memref<10112x128xf32, #tpu.memory_space<hbm>> -> memref<10112x128xf32, #tpu.memory_space<hbm>>
    %dma_start3A_45 = tpu.memref_slice %arg10[%dma_start3A_34] : memref<2x!tpu.dma_semaphore, #tpu.memory_space<semaphore_mem>> -> memref<1x!tpu.dma_semaphore, #tpu.memory_space<semaphore_mem>>
    %dma_start3A_46 = tpu.memref_squeeze %dma_start3A_45 : memref<1x!tpu.dma_semaphore, #tpu.memory_space<semaphore_mem>> -> memref<!tpu.dma_semaphore, #tpu.memory_space<semaphore_mem>>
    tpu.enqueue_indirect_dma source(%dma_start3A_44 : memref<10112x128xf32, #tpu.memory_space<hbm>>) target(%dma_start3A_38 : memref<128x128xf32, #tpu.memory_space<vmem>>) offsets(%dma_start3A_41 : memref<128xi32, #tpu.memory_space<vmem>>) semaphore(%dma_start3A_46 : memref<!tpu.dma_semaphore, #tpu.memory_space<semaphore_mem>>)
    %dma_start3A_47 = arith.constant 1 : i32
    %dma_start3A_48 = arith.constant 1 : i32
    %dma_start3A_49 = arith.constant 1 : i32
    %dma_start3A_50 = arith.constant 0 : i32
    %dma_start3A_51 = arith.constant 0 : i32
    %dma_start3A_52 = tpu.memref_slice %arg9[%dma_start3A_48, %dma_start3A_50, %dma_start3A_51] : memref<2x128x128xf32, #tpu.memory_space<vmem>> -> memref<1x128x128xf32, #tpu.memory_space<vmem>>
    %dma_start3A_53 = tpu.memref_squeeze %dma_start3A_52 : memref<1x128x128xf32, #tpu.memory_space<vmem>> -> memref<128x128xf32, #tpu.memory_space<vmem>>
    %dma_start3A_54 = arith.constant 0 : i32
    %dma_start3A_55 = tpu.memref_slice %arg7[%dma_start3A_47, %dma_start3A_54] : memref<40x128xi32, #tpu.memory_space<vmem>> -> memref<1x128xi32, #tpu.memory_space<vmem>>
    %dma_start3A_56 = tpu.memref_squeeze %dma_start3A_55 : memref<1x128xi32, #tpu.memory_space<vmem>> -> memref<128xi32, #tpu.memory_space<vmem>>
    %dma_start3A_57 = arith.constant 0 : i32
    %dma_start3A_58 = arith.constant 0 : i32
    %dma_start3A_59 = tpu.memref_slice %arg2[%dma_start3A_57, %dma_start3A_58] : memref<10112x128xf32, #tpu.memory_space<hbm>> -> memref<10112x128xf32, #tpu.memory_space<hbm>>
    %dma_start3A_60 = tpu.memref_slice %arg10[%dma_start3A_49] : memref<2x!tpu.dma_semaphore, #tpu.memory_space<semaphore_mem>> -> memref<1x!tpu.dma_semaphore, #tpu.memory_space<semaphore_mem>>
    %dma_start3A_61 = tpu.memref_squeeze %dma_start3A_60 : memref<1x!tpu.dma_semaphore, #tpu.memory_space<semaphore_mem>> -> memref<!tpu.dma_semaphore, #tpu.memory_space<semaphore_mem>>
    tpu.enqueue_indirect_dma source(%dma_start3A_59 : memref<10112x128xf32, #tpu.memory_space<hbm>>) target(%dma_start3A_53 : memref<128x128xf32, #tpu.memory_space<vmem>>) offsets(%dma_start3A_56 : memref<128xi32, #tpu.memory_space<vmem>>) semaphore(%dma_start3A_61 : memref<!tpu.dma_semaphore, #tpu.memory_space<semaphore_mem>>)
    %scan3A_62 = arith.constant 0 : i32
    %scan3A_63 = arith.constant 20 : i32
    %scan3A_64 = arith.addi %scan3A_62, %scan3A_63 : i32
    %scan3A_65 = arith.constant 1 : i32
    scf.for %scan3A_111 = %scan3A_62 to %scan3A_64 step %scan3A_65  : i32 {
      %mul3A_112 = arith.constant 2 : i32
      %mul3A_113 = arith.muli %scan3A_111, %mul3A_112 : i32
      %add3A_114 = arith.constant 0 : i32
      %add3A_115 = arith.addi %add3A_114, %mul3A_113 : i32
      %add3A_116 = arith.constant 0 : i32
      %add3A_117 = arith.addi %add3A_115, %add3A_116 : i32
      %dma_wait3A = arith.constant 0 : i32
      %dma_wait3A_118 = arith.constant 0 : i32
      %dma_wait3A_119 = arith.constant 0 : i32
      %dma_wait3A_120 = arith.constant 0 : i32
      %dma_wait3A_121 = tpu.memref_slice %arg9[%dma_wait3A, %dma_wait3A_119, %dma_wait3A_120] : memref<2x128x128xf32, #tpu.memory_space<vmem>> -> memref<1x128x128xf32, #tpu.memory_space<vmem>>
      %dma_wait3A_122 = tpu.memref_squeeze %dma_wait3A_121 : memref<1x128x128xf32, #tpu.memory_space<vmem>> -> memref<128x128xf32, #tpu.memory_space<vmem>>
      %dma_wait3A_123 = arith.constant 0 : i32
      %dma_wait3A_124 = tpu.memref_slice %arg7[%add3A_117, %dma_wait3A_123] : memref<40x128xi32, #tpu.memory_space<vmem>> -> memref<1x128xi32, #tpu.memory_space<vmem>>
      %dma_wait3A_125 = tpu.memref_squeeze %dma_wait3A_124 : memref<1x128xi32, #tpu.memory_space<vmem>> -> memref<128xi32, #tpu.memory_space<vmem>>
      %dma_wait3A_126 = arith.constant 0 : i32
      %dma_wait3A_127 = arith.constant 0 : i32
      %dma_wait3A_128 = tpu.memref_slice %arg2[%dma_wait3A_126, %dma_wait3A_127] : memref<10112x128xf32, #tpu.memory_space<hbm>> -> memref<10112x128xf32, #tpu.memory_space<hbm>>
      %dma_wait3A_129 = tpu.memref_slice %arg10[%dma_wait3A_118] : memref<2x!tpu.dma_semaphore, #tpu.memory_space<semaphore_mem>> -> memref<1x!tpu.dma_semaphore, #tpu.memory_space<semaphore_mem>>
      %dma_wait3A_130 = tpu.memref_squeeze %dma_wait3A_129 : memref<1x!tpu.dma_semaphore, #tpu.memory_space<semaphore_mem>> -> memref<!tpu.dma_semaphore, #tpu.memory_space<semaphore_mem>>
      tpu.wait_indirect_dma semaphore(%dma_wait3A_130 : memref<!tpu.dma_semaphore, #tpu.memory_space<semaphore_mem>>) src(%dma_wait3A_128 : memref<10112x128xf32, #tpu.memory_space<hbm>>) dst(%dma_wait3A_122 : memref<128x128xf32, #tpu.memory_space<vmem>>)
      %dma_start3A_131 = arith.constant 0 : i32
      %dma_start3A_132 = arith.constant 0 : i32
      %dma_start3A_133 = arith.constant 0 : i32
      %dma_start3A_134 = arith.constant 0 : i32
      %dma_start3A_135 = tpu.memref_slice %arg9[%dma_start3A_131, %dma_start3A_133, %dma_start3A_134] : memref<2x128x128xf32, #tpu.memory_space<vmem>> -> memref<1x128x128xf32, #tpu.memory_space<vmem>>
      %dma_start3A_136 = tpu.memref_squeeze %dma_start3A_135 : memref<1x128x128xf32, #tpu.memory_space<vmem>> -> memref<128x128xf32, #tpu.memory_space<vmem>>
      %dma_start3A_137 = arith.constant 0 : i32
      %dma_start3A_138 = tpu.memref_slice %arg8[%add3A_117, %dma_start3A_137] : memref<40x128xi32, #tpu.memory_space<vmem>> -> memref<1x128xi32, #tpu.memory_space<vmem>>
      %dma_start3A_139 = tpu.memref_squeeze %dma_start3A_138 : memref<1x128xi32, #tpu.memory_space<vmem>> -> memref<128xi32, #tpu.memory_space<vmem>>
      %dma_start3A_140 = arith.constant 0 : i32
      %dma_start3A_141 = arith.constant 0 : i32
      %dma_start3A_142 = tpu.memref_slice %arg6[%dma_start3A_140, %dma_start3A_141] : memref<10112x128xf32, #tpu.memory_space<vmem_shared>> -> memref<10112x128xf32, #tpu.memory_space<vmem_shared>>
      %dma_start3A_143 = tpu.memref_slice %arg11[%dma_start3A_132] : memref<2x!tpu.dma_semaphore, #tpu.memory_space<semaphore_mem>> -> memref<1x!tpu.dma_semaphore, #tpu.memory_space<semaphore_mem>>
      %dma_start3A_144 = tpu.memref_squeeze %dma_start3A_143 : memref<1x!tpu.dma_semaphore, #tpu.memory_space<semaphore_mem>> -> memref<!tpu.dma_semaphore, #tpu.memory_space<semaphore_mem>>
      tpu.enqueue_indirect_dma source(%dma_start3A_136 : memref<128x128xf32, #tpu.memory_space<vmem>>) target(%dma_start3A_142 : memref<10112x128xf32, #tpu.memory_space<vmem_shared>>) offsets(%dma_start3A_139 : memref<128xi32, #tpu.memory_space<vmem>>) semaphore(%dma_start3A_144 : memref<!tpu.dma_semaphore, #tpu.memory_space<semaphore_mem>>) {add = true}
      %dma_wait3A_145 = arith.constant 0 : i32
      %dma_wait3A_146 = arith.constant 0 : i32
      %dma_wait3A_147 = arith.constant 0 : i32
      %dma_wait3A_148 = arith.constant 0 : i32
      %dma_wait3A_149 = tpu.memref_slice %arg9[%dma_wait3A_145, %dma_wait3A_147, %dma_wait3A_148] : memref<2x128x128xf32, #tpu.memory_space<vmem>> -> memref<1x128x128xf32, #tpu.memory_space<vmem>>
      %dma_wait3A_150 = tpu.memref_squeeze %dma_wait3A_149 : memref<1x128x128xf32, #tpu.memory_space<vmem>> -> memref<128x128xf32, #tpu.memory_space<vmem>>
      %dma_wait3A_151 = arith.constant 0 : i32
      %dma_wait3A_152 = tpu.memref_slice %arg8[%add3A_117, %dma_wait3A_151] : memref<40x128xi32, #tpu.memory_space<vmem>> -> memref<1x128xi32, #tpu.memory_space<vmem>>
      %dma_wait3A_153 = tpu.memref_squeeze %dma_wait3A_152 : memref<1x128xi32, #tpu.memory_space<vmem>> -> memref<128xi32, #tpu.memory_space<vmem>>
      %dma_wait3A_154 = arith.constant 0 : i32
      %dma_wait3A_155 = arith.constant 0 : i32
      %dma_wait3A_156 = tpu.memref_slice %arg6[%dma_wait3A_154, %dma_wait3A_155] : memref<10112x128xf32, #tpu.memory_space<vmem_shared>> -> memref<10112x128xf32, #tpu.memory_space<vmem_shared>>
      %dma_wait3A_157 = tpu.memref_slice %arg11[%dma_wait3A_146] : memref<2x!tpu.dma_semaphore, #tpu.memory_space<semaphore_mem>> -> memref<1x!tpu.dma_semaphore, #tpu.memory_space<semaphore_mem>>
      %dma_wait3A_158 = tpu.memref_squeeze %dma_wait3A_157 : memref<1x!tpu.dma_semaphore, #tpu.memory_space<semaphore_mem>> -> memref<!tpu.dma_semaphore, #tpu.memory_space<semaphore_mem>>
      tpu.wait_indirect_dma semaphore(%dma_wait3A_158 : memref<!tpu.dma_semaphore, #tpu.memory_space<semaphore_mem>>) src(%dma_wait3A_150 : memref<128x128xf32, #tpu.memory_space<vmem>>) dst(%dma_wait3A_156 : memref<10112x128xf32, #tpu.memory_space<vmem_shared>>)
      %add3A_159 = arith.constant 2 : i32
      %add3A_160 = arith.addi %add3A_117, %add3A_159 : i32
      %lt3A = arith.constant 40 : i32
      %lt3A_161 = arith.cmpi slt, %add3A_160, %lt3A : i32
      %convert_element_type3A = arith.extui %lt3A_161 : i1 to i32
      %cond3A = arith.constant 0 : i32
      %cond3A_162 = arith.cmpi ne, %convert_element_type3A, %cond3A : i32
      scf.if %cond3A_162 {
        %add3A_214 = arith.constant 2 : i32
        %add3A_215 = arith.addi %add3A_117, %add3A_214 : i32
        %dma_start3A_216 = arith.constant 0 : i32
        %dma_start3A_217 = arith.constant 0 : i32
        %dma_start3A_218 = arith.constant 0 : i32
        %dma_start3A_219 = arith.constant 0 : i32
        %dma_start3A_220 = tpu.memref_slice %arg9[%dma_start3A_216, %dma_start3A_218, %dma_start3A_219] : memref<2x128x128xf32, #tpu.memory_space<vmem>> -> memref<1x128x128xf32, #tpu.memory_space<vmem>>
        %dma_start3A_221 = tpu.memref_squeeze %dma_start3A_220 : memref<1x128x128xf32, #tpu.memory_space<vmem>> -> memref<128x128xf32, #tpu.memory_space<vmem>>
        %dma_start3A_222 = arith.constant 0 : i32
        %dma_start3A_223 = tpu.memref_slice %arg7[%add3A_215, %dma_start3A_222] : memref<40x128xi32, #tpu.memory_space<vmem>> -> memref<1x128xi32, #tpu.memory_space<vmem>>
        %dma_start3A_224 = tpu.memref_squeeze %dma_start3A_223 : memref<1x128xi32, #tpu.memory_space<vmem>> -> memref<128xi32, #tpu.memory_space<vmem>>
        %dma_start3A_225 = arith.constant 0 : i32
        %dma_start3A_226 = arith.constant 0 : i32
        %dma_start3A_227 = tpu.memref_slice %arg2[%dma_start3A_225, %dma_start3A_226] : memref<10112x128xf32, #tpu.memory_space<hbm>> -> memref<10112x128xf32, #tpu.memory_space<hbm>>
        %dma_start3A_228 = tpu.memref_slice %arg10[%dma_start3A_217] : memref<2x!tpu.dma_semaphore, #tpu.memory_space<semaphore_mem>> -> memref<1x!tpu.dma_semaphore, #tpu.memory_space<semaphore_mem>>
        %dma_start3A_229 = tpu.memref_squeeze %dma_start3A_228 : memref<1x!tpu.dma_semaphore, #tpu.memory_space<semaphore_mem>> -> memref<!tpu.dma_semaphore, #tpu.memory_space<semaphore_mem>>
        tpu.enqueue_indirect_dma source(%dma_start3A_227 : memref<10112x128xf32, #tpu.memory_space<hbm>>) target(%dma_start3A_221 : memref<128x128xf32, #tpu.memory_space<vmem>>) offsets(%dma_start3A_224 : memref<128xi32, #tpu.memory_space<vmem>>) semaphore(%dma_start3A_229 : memref<!tpu.dma_semaphore, #tpu.memory_space<semaphore_mem>>)
      } else {
      }
      %add3A_163 = arith.constant 1 : i32
      %add3A_164 = arith.addi %add3A_115, %add3A_163 : i32
      %dma_wait3A_165 = arith.constant 1 : i32
      %dma_wait3A_166 = arith.constant 1 : i32
      %dma_wait3A_167 = arith.constant 0 : i32
      %dma_wait3A_168 = arith.constant 0 : i32
      %dma_wait3A_169 = tpu.memref_slice %arg9[%dma_wait3A_165, %dma_wait3A_167, %dma_wait3A_168] : memref<2x128x128xf32, #tpu.memory_space<vmem>> -> memref<1x128x128xf32, #tpu.memory_space<vmem>>
      %dma_wait3A_170 = tpu.memref_squeeze %dma_wait3A_169 : memref<1x128x128xf32, #tpu.memory_space<vmem>> -> memref<128x128xf32, #tpu.memory_space<vmem>>
      %dma_wait3A_171 = arith.constant 0 : i32
      %dma_wait3A_172 = tpu.memref_slice %arg7[%add3A_164, %dma_wait3A_171] : memref<40x128xi32, #tpu.memory_space<vmem>> -> memref<1x128xi32, #tpu.memory_space<vmem>>
      %dma_wait3A_173 = tpu.memref_squeeze %dma_wait3A_172 : memref<1x128xi32, #tpu.memory_space<vmem>> -> memref<128xi32, #tpu.memory_space<vmem>>
      %dma_wait3A_174 = arith.constant 0 : i32
      %dma_wait3A_175 = arith.constant 0 : i32
      %dma_wait3A_176 = tpu.memref_slice %arg2[%dma_wait3A_174, %dma_wait3A_175] : memref<10112x128xf32, #tpu.memory_space<hbm>> -> memref<10112x128xf32, #tpu.memory_space<hbm>>
      %dma_wait3A_177 = tpu.memref_slice %arg10[%dma_wait3A_166] : memref<2x!tpu.dma_semaphore, #tpu.memory_space<semaphore_mem>> -> memref<1x!tpu.dma_semaphore, #tpu.memory_space<semaphore_mem>>
      %dma_wait3A_178 = tpu.memref_squeeze %dma_wait3A_177 : memref<1x!tpu.dma_semaphore, #tpu.memory_space<semaphore_mem>> -> memref<!tpu.dma_semaphore, #tpu.memory_space<semaphore_mem>>
      tpu.wait_indirect_dma semaphore(%dma_wait3A_178 : memref<!tpu.dma_semaphore, #tpu.memory_space<semaphore_mem>>) src(%dma_wait3A_176 : memref<10112x128xf32, #tpu.memory_space<hbm>>) dst(%dma_wait3A_170 : memref<128x128xf32, #tpu.memory_space<vmem>>)
      %dma_start3A_179 = arith.constant 1 : i32
      %dma_start3A_180 = arith.constant 1 : i32
      %dma_start3A_181 = arith.constant 0 : i32
      %dma_start3A_182 = arith.constant 0 : i32
      %dma_start3A_183 = tpu.memref_slice %arg9[%dma_start3A_179, %dma_start3A_181, %dma_start3A_182] : memref<2x128x128xf32, #tpu.memory_space<vmem>> -> memref<1x128x128xf32, #tpu.memory_space<vmem>>
      %dma_start3A_184 = tpu.memref_squeeze %dma_start3A_183 : memref<1x128x128xf32, #tpu.memory_space<vmem>> -> memref<128x128xf32, #tpu.memory_space<vmem>>
      %dma_start3A_185 = arith.constant 0 : i32
      %dma_start3A_186 = tpu.memref_slice %arg8[%add3A_164, %dma_start3A_185] : memref<40x128xi32, #tpu.memory_space<vmem>> -> memref<1x128xi32, #tpu.memory_space<vmem>>
      %dma_start3A_187 = tpu.memref_squeeze %dma_start3A_186 : memref<1x128xi32, #tpu.memory_space<vmem>> -> memref<128xi32, #tpu.memory_space<vmem>>
      %dma_start3A_188 = arith.constant 0 : i32
      %dma_start3A_189 = arith.constant 0 : i32
      %dma_start3A_190 = tpu.memref_slice %arg6[%dma_start3A_188, %dma_start3A_189] : memref<10112x128xf32, #tpu.memory_space<vmem_shared>> -> memref<10112x128xf32, #tpu.memory_space<vmem_shared>>
      %dma_start3A_191 = tpu.memref_slice %arg11[%dma_start3A_180] : memref<2x!tpu.dma_semaphore, #tpu.memory_space<semaphore_mem>> -> memref<1x!tpu.dma_semaphore, #tpu.memory_space<semaphore_mem>>
      %dma_start3A_192 = tpu.memref_squeeze %dma_start3A_191 : memref<1x!tpu.dma_semaphore, #tpu.memory_space<semaphore_mem>> -> memref<!tpu.dma_semaphore, #tpu.memory_space<semaphore_mem>>
      tpu.enqueue_indirect_dma source(%dma_start3A_184 : memref<128x128xf32, #tpu.memory_space<vmem>>) target(%dma_start3A_190 : memref<10112x128xf32, #tpu.memory_space<vmem_shared>>) offsets(%dma_start3A_187 : memref<128xi32, #tpu.memory_space<vmem>>) semaphore(%dma_start3A_192 : memref<!tpu.dma_semaphore, #tpu.memory_space<semaphore_mem>>) {add = true}
      %dma_wait3A_193 = arith.constant 1 : i32
      %dma_wait3A_194 = arith.constant 1 : i32
      %dma_wait3A_195 = arith.constant 0 : i32
      %dma_wait3A_196 = arith.constant 0 : i32
      %dma_wait3A_197 = tpu.memref_slice %arg9[%dma_wait3A_193, %dma_wait3A_195, %dma_wait3A_196] : memref<2x128x128xf32, #tpu.memory_space<vmem>> -> memref<1x128x128xf32, #tpu.memory_space<vmem>>
      %dma_wait3A_198 = tpu.memref_squeeze %dma_wait3A_197 : memref<1x128x128xf32, #tpu.memory_space<vmem>> -> memref<128x128xf32, #tpu.memory_space<vmem>>
      %dma_wait3A_199 = arith.constant 0 : i32
      %dma_wait3A_200 = tpu.memref_slice %arg8[%add3A_164, %dma_wait3A_199] : memref<40x128xi32, #tpu.memory_space<vmem>> -> memref<1x128xi32, #tpu.memory_space<vmem>>
      %dma_wait3A_201 = tpu.memref_squeeze %dma_wait3A_200 : memref<1x128xi32, #tpu.memory_space<vmem>> -> memref<128xi32, #tpu.memory_space<vmem>>
      %dma_wait3A_202 = arith.constant 0 : i32
      %dma_wait3A_203 = arith.constant 0 : i32
      %dma_wait3A_204 = tpu.memref_slice %arg6[%dma_wait3A_202, %dma_wait3A_203] : memref<10112x128xf32, #tpu.memory_space<vmem_shared>> -> memref<10112x128xf32, #tpu.memory_space<vmem_shared>>
      %dma_wait3A_205 = tpu.memref_slice %arg11[%dma_wait3A_194] : memref<2x!tpu.dma_semaphore, #tpu.memory_space<semaphore_mem>> -> memref<1x!tpu.dma_semaphore, #tpu.memory_space<semaphore_mem>>
      %dma_wait3A_206 = tpu.memref_squeeze %dma_wait3A_205 : memref<1x!tpu.dma_semaphore, #tpu.memory_space<semaphore_mem>> -> memref<!tpu.dma_semaphore, #tpu.memory_space<semaphore_mem>>
      tpu.wait_indirect_dma semaphore(%dma_wait3A_206 : memref<!tpu.dma_semaphore, #tpu.memory_space<semaphore_mem>>) src(%dma_wait3A_198 : memref<128x128xf32, #tpu.memory_space<vmem>>) dst(%dma_wait3A_204 : memref<10112x128xf32, #tpu.memory_space<vmem_shared>>)
      %add3A_207 = arith.constant 2 : i32
      %add3A_208 = arith.addi %add3A_164, %add3A_207 : i32
      %lt3A_209 = arith.constant 40 : i32
      %lt3A_210 = arith.cmpi slt, %add3A_208, %lt3A_209 : i32
      %convert_element_type3A_211 = arith.extui %lt3A_210 : i1 to i32
      %cond3A_212 = arith.constant 0 : i32
      %cond3A_213 = arith.cmpi ne, %convert_element_type3A_211, %cond3A_212 : i32
      scf.if %cond3A_213 {
        %add3A_214 = arith.constant 2 : i32
        %add3A_215 = arith.addi %add3A_164, %add3A_214 : i32
        %dma_start3A_216 = arith.constant 1 : i32
        %dma_start3A_217 = arith.constant 1 : i32
        %dma_start3A_218 = arith.constant 0 : i32
        %dma_start3A_219 = arith.constant 0 : i32
        %dma_start3A_220 = tpu.memref_slice %arg9[%dma_start3A_216, %dma_start3A_218, %dma_start3A_219] : memref<2x128x128xf32, #tpu.memory_space<vmem>> -> memref<1x128x128xf32, #tpu.memory_space<vmem>>
        %dma_start3A_221 = tpu.memref_squeeze %dma_start3A_220 : memref<1x128x128xf32, #tpu.memory_space<vmem>> -> memref<128x128xf32, #tpu.memory_space<vmem>>
        %dma_start3A_222 = arith.constant 0 : i32
        %dma_start3A_223 = tpu.memref_slice %arg7[%add3A_215, %dma_start3A_222] : memref<40x128xi32, #tpu.memory_space<vmem>> -> memref<1x128xi32, #tpu.memory_space<vmem>>
        %dma_start3A_224 = tpu.memref_squeeze %dma_start3A_223 : memref<1x128xi32, #tpu.memory_space<vmem>> -> memref<128xi32, #tpu.memory_space<vmem>>
        %dma_start3A_225 = arith.constant 0 : i32
        %dma_start3A_226 = arith.constant 0 : i32
        %dma_start3A_227 = tpu.memref_slice %arg2[%dma_start3A_225, %dma_start3A_226] : memref<10112x128xf32, #tpu.memory_space<hbm>> -> memref<10112x128xf32, #tpu.memory_space<hbm>>
        %dma_start3A_228 = tpu.memref_slice %arg10[%dma_start3A_217] : memref<2x!tpu.dma_semaphore, #tpu.memory_space<semaphore_mem>> -> memref<1x!tpu.dma_semaphore, #tpu.memory_space<semaphore_mem>>
        %dma_start3A_229 = tpu.memref_squeeze %dma_start3A_228 : memref<1x!tpu.dma_semaphore, #tpu.memory_space<semaphore_mem>> -> memref<!tpu.dma_semaphore, #tpu.memory_space<semaphore_mem>>
        tpu.enqueue_indirect_dma source(%dma_start3A_227 : memref<10112x128xf32, #tpu.memory_space<hbm>>) target(%dma_start3A_221 : memref<128x128xf32, #tpu.memory_space<vmem>>) offsets(%dma_start3A_224 : memref<128xi32, #tpu.memory_space<vmem>>) semaphore(%dma_start3A_229 : memref<!tpu.dma_semaphore, #tpu.memory_space<semaphore_mem>>)
      } else {
      }
    }
    %scan3A_66 = arith.constant 20 : i32
    %mul3A_67 = arith.constant 80 : i32
    %mul3A_68 = arith.muli %add3A, %mul3A_67 : i32
    %add3A_69 = arith.constant 40 : i32
    %add3A_70 = arith.addi %mul3A_68, %add3A_69 : i32
    "tpu.region"() ({
      %run_scoped3A_111 = tpu.sem_alloc : memref<!tpu.dma_semaphore, #tpu.memory_space<semaphore_mem>>
      %dma_start3A_112 = arith.constant 0 : i32
      %dma_start3A_113 = tpu.memref_slice %arg3[%add3A_70, %dma_start3A_112] : memref<2560x128xi32, #tpu.memory_space<hbm>> -> memref<40x128xi32, #tpu.memory_space<hbm>>
      %dma_start3A_114 = arith.constant 0 : i32
      %dma_start3A_115 = tpu.memref_slice %arg3[%add3A_70, %dma_start3A_114] : memref<2560x128xi32, #tpu.memory_space<hbm>> -> memref<40x128xi32, #tpu.memory_space<hbm>>
      tpu.enqueue_dma source(%dma_start3A_115 : memref<40x128xi32, #tpu.memory_space<hbm>>) target(%arg7 : memref<40x128xi32, #tpu.memory_space<vmem>>) target_semaphore(%run_scoped3A_111 : memref<!tpu.dma_semaphore, #tpu.memory_space<semaphore_mem>>)
      %dma_wait3A = arith.constant 0 : i32
      %dma_wait3A_116 = tpu.memref_slice %arg3[%add3A_70, %dma_wait3A] : memref<2560x128xi32, #tpu.memory_space<hbm>> -> memref<40x128xi32, #tpu.memory_space<hbm>>
      %dma_wait3A_117 = arith.constant 0 : i32
      %dma_wait3A_118 = tpu.memref_slice %arg3[%add3A_70, %dma_wait3A_117] : memref<2560x128xi32, #tpu.memory_space<hbm>> -> memref<40x128xi32, #tpu.memory_space<hbm>>
      tpu.wait_dma2 semaphore(%run_scoped3A_111 : memref<!tpu.dma_semaphore, #tpu.memory_space<semaphore_mem>>) src(%dma_wait3A_118 : memref<40x128xi32, #tpu.memory_space<hbm>>) dst(%arg7 : memref<40x128xi32, #tpu.memory_space<vmem>>)
      tpu.yield
    }) : () -> ()
    "tpu.region"() ({
      %run_scoped3A_111 = tpu.sem_alloc : memref<!tpu.dma_semaphore, #tpu.memory_space<semaphore_mem>>
      %dma_start3A_112 = arith.constant 0 : i32
      %dma_start3A_113 = tpu.memref_slice %arg4[%add3A_70, %dma_start3A_112] : memref<2560x128xi32, #tpu.memory_space<hbm>> -> memref<40x128xi32, #tpu.memory_space<hbm>>
      %dma_start3A_114 = arith.constant 0 : i32
      %dma_start3A_115 = tpu.memref_slice %arg4[%add3A_70, %dma_start3A_114] : memref<2560x128xi32, #tpu.memory_space<hbm>> -> memref<40x128xi32, #tpu.memory_space<hbm>>
      tpu.enqueue_dma source(%dma_start3A_115 : memref<40x128xi32, #tpu.memory_space<hbm>>) target(%arg8 : memref<40x128xi32, #tpu.memory_space<vmem>>) target_semaphore(%run_scoped3A_111 : memref<!tpu.dma_semaphore, #tpu.memory_space<semaphore_mem>>)
      %dma_wait3A = arith.constant 0 : i32
      %dma_wait3A_116 = tpu.memref_slice %arg4[%add3A_70, %dma_wait3A] : memref<2560x128xi32, #tpu.memory_space<hbm>> -> memref<40x128xi32, #tpu.memory_space<hbm>>
      %dma_wait3A_117 = arith.constant 0 : i32
      %dma_wait3A_118 = tpu.memref_slice %arg4[%add3A_70, %dma_wait3A_117] : memref<2560x128xi32, #tpu.memory_space<hbm>> -> memref<40x128xi32, #tpu.memory_space<hbm>>
      tpu.wait_dma2 semaphore(%run_scoped3A_111 : memref<!tpu.dma_semaphore, #tpu.memory_space<semaphore_mem>>) src(%dma_wait3A_118 : memref<40x128xi32, #tpu.memory_space<hbm>>) dst(%arg8 : memref<40x128xi32, #tpu.memory_space<vmem>>)
      tpu.yield
    }) : () -> ()
    %dma_start3A_71 = arith.constant 0 : i32
    %dma_start3A_72 = arith.constant 0 : i32
    %dma_start3A_73 = arith.constant 0 : i32
    %dma_start3A_74 = arith.constant 0 : i32
    %dma_start3A_75 = arith.constant 0 : i32
    %dma_start3A_76 = tpu.memref_slice %arg9[%dma_start3A_72, %dma_start3A_74, %dma_start3A_75] : memref<2x128x128xf32, #tpu.memory_space<vmem>> -> memref<1x128x128xf32, #tpu.memory_space<vmem>>
    %dma_start3A_77 = tpu.memref_squeeze %dma_start3A_76 : memref<1x128x128xf32, #tpu.memory_space<vmem>> -> memref<128x128xf32, #tpu.memory_space<vmem>>
    %dma_start3A_78 = arith.constant 0 : i32
    %dma_start3A_79 = tpu.memref_slice %arg7[%dma_start3A_71, %dma_start3A_78] : memref<40x128xi32, #tpu.memory_space<vmem>> -> memref<1x128xi32, #tpu.memory_space<vmem>>
    %dma_start3A_80 = tpu.memref_squeeze %dma_start3A_79 : memref<1x128xi32, #tpu.memory_space<vmem>> -> memref<128xi32, #tpu.memory_space<vmem>>
    %dma_start3A_81 = arith.constant 0 : i32
    %dma_start3A_82 = arith.constant 0 : i32
    %dma_start3A_83 = tpu.memref_slice %arg2[%dma_start3A_81, %dma_start3A_82] : memref<10112x128xf32, #tpu.memory_space<hbm>> -> memref<10112x128xf32, #tpu.memory_space<hbm>>
    %dma_start3A_84 = tpu.memref_slice %arg10[%dma_start3A_73] : memref<2x!tpu.dma_semaphore, #tpu.memory_space<semaphore_mem>> -> memref<1x!tpu.dma_semaphore, #tpu.memory_space<semaphore_mem>>
    %dma_start3A_85 = tpu.memref_squeeze %dma_start3A_84 : memref<1x!tpu.dma_semaphore, #tpu.memory_space<semaphore_mem>> -> memref<!tpu.dma_semaphore, #tpu.memory_space<semaphore_mem>>
    tpu.enqueue_indirect_dma source(%dma_start3A_83 : memref<10112x128xf32, #tpu.memory_space<hbm>>) target(%dma_start3A_77 : memref<128x128xf32, #tpu.memory_space<vmem>>) offsets(%dma_start3A_80 : memref<128xi32, #tpu.memory_space<vmem>>) semaphore(%dma_start3A_85 : memref<!tpu.dma_semaphore, #tpu.memory_space<semaphore_mem>>)
    %dma_start3A_86 = arith.constant 1 : i32
    %dma_start3A_87 = arith.constant 1 : i32
    %dma_start3A_88 = arith.constant 1 : i32
    %dma_start3A_89 = arith.constant 0 : i32
    %dma_start3A_90 = arith.constant 0 : i32
    %dma_start3A_91 = tpu.memref_slice %arg9[%dma_start3A_87, %dma_start3A_89, %dma_start3A_90] : memref<2x128x128xf32, #tpu.memory_space<vmem>> -> memref<1x128x128xf32, #tpu.memory_space<vmem>>
    %dma_start3A_92 = tpu.memref_squeeze %dma_start3A_91 : memref<1x128x128xf32, #tpu.memory_space<vmem>> -> memref<128x128xf32, #tpu.memory_space<vmem>>
    %dma_start3A_93 = arith.constant 0 : i32
    %dma_start3A_94 = tpu.memref_slice %arg7[%dma_start3A_86, %dma_start3A_93] : memref<40x128xi32, #tpu.memory_space<vmem>> -> memref<1x128xi32, #tpu.memory_space<vmem>>
    %dma_start3A_95 = tpu.memref_squeeze %dma_start3A_94 : memref<1x128xi32, #tpu.memory_space<vmem>> -> memref<128xi32, #tpu.memory_space<vmem>>
    %dma_start3A_96 = arith.constant 0 : i32
    %dma_start3A_97 = arith.constant 0 : i32
    %dma_start3A_98 = tpu.memref_slice %arg2[%dma_start3A_96, %dma_start3A_97] : memref<10112x128xf32, #tpu.memory_space<hbm>> -> memref<10112x128xf32, #tpu.memory_space<hbm>>
    %dma_start3A_99 = tpu.memref_slice %arg10[%dma_start3A_88] : memref<2x!tpu.dma_semaphore, #tpu.memory_space<semaphore_mem>> -> memref<1x!tpu.dma_semaphore, #tpu.memory_space<semaphore_mem>>
    %dma_start3A_100 = tpu.memref_squeeze %dma_start3A_99 : memref<1x!tpu.dma_semaphore, #tpu.memory_space<semaphore_mem>> -> memref<!tpu.dma_semaphore, #tpu.memory_space<semaphore_mem>>
    tpu.enqueue_indirect_dma source(%dma_start3A_98 : memref<10112x128xf32, #tpu.memory_space<hbm>>) target(%dma_start3A_92 : memref<128x128xf32, #tpu.memory_space<vmem>>) offsets(%dma_start3A_95 : memref<128xi32, #tpu.memory_space<vmem>>) semaphore(%dma_start3A_100 : memref<!tpu.dma_semaphore, #tpu.memory_space<semaphore_mem>>)
    %scan3A_101 = arith.constant 0 : i32
    %scan3A_102 = arith.constant 20 : i32
    %scan3A_103 = arith.addi %scan3A_101, %scan3A_102 : i32
    %scan3A_104 = arith.constant 1 : i32
    scf.for %scan3A_111 = %scan3A_101 to %scan3A_103 step %scan3A_104  : i32 {
      %mul3A_112 = arith.constant 2 : i32
      %mul3A_113 = arith.muli %scan3A_111, %mul3A_112 : i32
      %add3A_114 = arith.constant 0 : i32
      %add3A_115 = arith.addi %add3A_114, %mul3A_113 : i32
      %add3A_116 = arith.constant 0 : i32
      %add3A_117 = arith.addi %add3A_115, %add3A_116 : i32
      %dma_wait3A = arith.constant 0 : i32
      %dma_wait3A_118 = arith.constant 0 : i32
      %dma_wait3A_119 = arith.constant 0 : i32
      %dma_wait3A_120 = arith.constant 0 : i32
      %dma_wait3A_121 = tpu.memref_slice %arg9[%dma_wait3A, %dma_wait3A_119, %dma_wait3A_120] : memref<2x128x128xf32, #tpu.memory_space<vmem>> -> memref<1x128x128xf32, #tpu.memory_space<vmem>>
      %dma_wait3A_122 = tpu.memref_squeeze %dma_wait3A_121 : memref<1x128x128xf32, #tpu.memory_space<vmem>> -> memref<128x128xf32, #tpu.memory_space<vmem>>
      %dma_wait3A_123 = arith.constant 0 : i32
      %dma_wait3A_124 = tpu.memref_slice %arg7[%add3A_117, %dma_wait3A_123] : memref<40x128xi32, #tpu.memory_space<vmem>> -> memref<1x128xi32, #tpu.memory_space<vmem>>
      %dma_wait3A_125 = tpu.memref_squeeze %dma_wait3A_124 : memref<1x128xi32, #tpu.memory_space<vmem>> -> memref<128xi32, #tpu.memory_space<vmem>>
      %dma_wait3A_126 = arith.constant 0 : i32
      %dma_wait3A_127 = arith.constant 0 : i32
      %dma_wait3A_128 = tpu.memref_slice %arg2[%dma_wait3A_126, %dma_wait3A_127] : memref<10112x128xf32, #tpu.memory_space<hbm>> -> memref<10112x128xf32, #tpu.memory_space<hbm>>
      %dma_wait3A_129 = tpu.memref_slice %arg10[%dma_wait3A_118] : memref<2x!tpu.dma_semaphore, #tpu.memory_space<semaphore_mem>> -> memref<1x!tpu.dma_semaphore, #tpu.memory_space<semaphore_mem>>
      %dma_wait3A_130 = tpu.memref_squeeze %dma_wait3A_129 : memref<1x!tpu.dma_semaphore, #tpu.memory_space<semaphore_mem>> -> memref<!tpu.dma_semaphore, #tpu.memory_space<semaphore_mem>>
      tpu.wait_indirect_dma semaphore(%dma_wait3A_130 : memref<!tpu.dma_semaphore, #tpu.memory_space<semaphore_mem>>) src(%dma_wait3A_128 : memref<10112x128xf32, #tpu.memory_space<hbm>>) dst(%dma_wait3A_122 : memref<128x128xf32, #tpu.memory_space<vmem>>)
      %dma_start3A_131 = arith.constant 0 : i32
      %dma_start3A_132 = arith.constant 0 : i32
      %dma_start3A_133 = arith.constant 0 : i32
      %dma_start3A_134 = arith.constant 0 : i32
      %dma_start3A_135 = tpu.memref_slice %arg9[%dma_start3A_131, %dma_start3A_133, %dma_start3A_134] : memref<2x128x128xf32, #tpu.memory_space<vmem>> -> memref<1x128x128xf32, #tpu.memory_space<vmem>>
      %dma_start3A_136 = tpu.memref_squeeze %dma_start3A_135 : memref<1x128x128xf32, #tpu.memory_space<vmem>> -> memref<128x128xf32, #tpu.memory_space<vmem>>
      %dma_start3A_137 = arith.constant 0 : i32
      %dma_start3A_138 = tpu.memref_slice %arg8[%add3A_117, %dma_start3A_137] : memref<40x128xi32, #tpu.memory_space<vmem>> -> memref<1x128xi32, #tpu.memory_space<vmem>>
      %dma_start3A_139 = tpu.memref_squeeze %dma_start3A_138 : memref<1x128xi32, #tpu.memory_space<vmem>> -> memref<128xi32, #tpu.memory_space<vmem>>
      %dma_start3A_140 = arith.constant 0 : i32
      %dma_start3A_141 = arith.constant 0 : i32
      %dma_start3A_142 = tpu.memref_slice %arg6[%dma_start3A_140, %dma_start3A_141] : memref<10112x128xf32, #tpu.memory_space<vmem_shared>> -> memref<10112x128xf32, #tpu.memory_space<vmem_shared>>
      %dma_start3A_143 = tpu.memref_slice %arg11[%dma_start3A_132] : memref<2x!tpu.dma_semaphore, #tpu.memory_space<semaphore_mem>> -> memref<1x!tpu.dma_semaphore, #tpu.memory_space<semaphore_mem>>
      %dma_start3A_144 = tpu.memref_squeeze %dma_start3A_143 : memref<1x!tpu.dma_semaphore, #tpu.memory_space<semaphore_mem>> -> memref<!tpu.dma_semaphore, #tpu.memory_space<semaphore_mem>>
      tpu.enqueue_indirect_dma source(%dma_start3A_136 : memref<128x128xf32, #tpu.memory_space<vmem>>) target(%dma_start3A_142 : memref<10112x128xf32, #tpu.memory_space<vmem_shared>>) offsets(%dma_start3A_139 : memref<128xi32, #tpu.memory_space<vmem>>) semaphore(%dma_start3A_144 : memref<!tpu.dma_semaphore, #tpu.memory_space<semaphore_mem>>) {add = true}
      %dma_wait3A_145 = arith.constant 0 : i32
      %dma_wait3A_146 = arith.constant 0 : i32
      %dma_wait3A_147 = arith.constant 0 : i32
      %dma_wait3A_148 = arith.constant 0 : i32
      %dma_wait3A_149 = tpu.memref_slice %arg9[%dma_wait3A_145, %dma_wait3A_147, %dma_wait3A_148] : memref<2x128x128xf32, #tpu.memory_space<vmem>> -> memref<1x128x128xf32, #tpu.memory_space<vmem>>
      %dma_wait3A_150 = tpu.memref_squeeze %dma_wait3A_149 : memref<1x128x128xf32, #tpu.memory_space<vmem>> -> memref<128x128xf32, #tpu.memory_space<vmem>>
      %dma_wait3A_151 = arith.constant 0 : i32
      %dma_wait3A_152 = tpu.memref_slice %arg8[%add3A_117, %dma_wait3A_151] : memref<40x128xi32, #tpu.memory_space<vmem>> -> memref<1x128xi32, #tpu.memory_space<vmem>>
      %dma_wait3A_153 = tpu.memref_squeeze %dma_wait3A_152 : memref<1x128xi32, #tpu.memory_space<vmem>> -> memref<128xi32, #tpu.memory_space<vmem>>
      %dma_wait3A_154 = arith.constant 0 : i32
      %dma_wait3A_155 = arith.constant 0 : i32
      %dma_wait3A_156 = tpu.memref_slice %arg6[%dma_wait3A_154, %dma_wait3A_155] : memref<10112x128xf32, #tpu.memory_space<vmem_shared>> -> memref<10112x128xf32, #tpu.memory_space<vmem_shared>>
      %dma_wait3A_157 = tpu.memref_slice %arg11[%dma_wait3A_146] : memref<2x!tpu.dma_semaphore, #tpu.memory_space<semaphore_mem>> -> memref<1x!tpu.dma_semaphore, #tpu.memory_space<semaphore_mem>>
      %dma_wait3A_158 = tpu.memref_squeeze %dma_wait3A_157 : memref<1x!tpu.dma_semaphore, #tpu.memory_space<semaphore_mem>> -> memref<!tpu.dma_semaphore, #tpu.memory_space<semaphore_mem>>
      tpu.wait_indirect_dma semaphore(%dma_wait3A_158 : memref<!tpu.dma_semaphore, #tpu.memory_space<semaphore_mem>>) src(%dma_wait3A_150 : memref<128x128xf32, #tpu.memory_space<vmem>>) dst(%dma_wait3A_156 : memref<10112x128xf32, #tpu.memory_space<vmem_shared>>)
      %add3A_159 = arith.constant 2 : i32
      %add3A_160 = arith.addi %add3A_117, %add3A_159 : i32
      %lt3A = arith.constant 40 : i32
      %lt3A_161 = arith.cmpi slt, %add3A_160, %lt3A : i32
      %convert_element_type3A = arith.extui %lt3A_161 : i1 to i32
      %cond3A = arith.constant 0 : i32
      %cond3A_162 = arith.cmpi ne, %convert_element_type3A, %cond3A : i32
      scf.if %cond3A_162 {
        %add3A_214 = arith.constant 2 : i32
        %add3A_215 = arith.addi %add3A_117, %add3A_214 : i32
        %dma_start3A_216 = arith.constant 0 : i32
        %dma_start3A_217 = arith.constant 0 : i32
        %dma_start3A_218 = arith.constant 0 : i32
        %dma_start3A_219 = arith.constant 0 : i32
        %dma_start3A_220 = tpu.memref_slice %arg9[%dma_start3A_216, %dma_start3A_218, %dma_start3A_219] : memref<2x128x128xf32, #tpu.memory_space<vmem>> -> memref<1x128x128xf32, #tpu.memory_space<vmem>>
        %dma_start3A_221 = tpu.memref_squeeze %dma_start3A_220 : memref<1x128x128xf32, #tpu.memory_space<vmem>> -> memref<128x128xf32, #tpu.memory_space<vmem>>
        %dma_start3A_222 = arith.constant 0 : i32
        %dma_start3A_223 = tpu.memref_slice %arg7[%add3A_215, %dma_start3A_222] : memref<40x128xi32, #tpu.memory_space<vmem>> -> memref<1x128xi32, #tpu.memory_space<vmem>>
        %dma_start3A_224 = tpu.memref_squeeze %dma_start3A_223 : memref<1x128xi32, #tpu.memory_space<vmem>> -> memref<128xi32, #tpu.memory_space<vmem>>
        %dma_start3A_225 = arith.constant 0 : i32
        %dma_start3A_226 = arith.constant 0 : i32
        %dma_start3A_227 = tpu.memref_slice %arg2[%dma_start3A_225, %dma_start3A_226] : memref<10112x128xf32, #tpu.memory_space<hbm>> -> memref<10112x128xf32, #tpu.memory_space<hbm>>
        %dma_start3A_228 = tpu.memref_slice %arg10[%dma_start3A_217] : memref<2x!tpu.dma_semaphore, #tpu.memory_space<semaphore_mem>> -> memref<1x!tpu.dma_semaphore, #tpu.memory_space<semaphore_mem>>
        %dma_start3A_229 = tpu.memref_squeeze %dma_start3A_228 : memref<1x!tpu.dma_semaphore, #tpu.memory_space<semaphore_mem>> -> memref<!tpu.dma_semaphore, #tpu.memory_space<semaphore_mem>>
        tpu.enqueue_indirect_dma source(%dma_start3A_227 : memref<10112x128xf32, #tpu.memory_space<hbm>>) target(%dma_start3A_221 : memref<128x128xf32, #tpu.memory_space<vmem>>) offsets(%dma_start3A_224 : memref<128xi32, #tpu.memory_space<vmem>>) semaphore(%dma_start3A_229 : memref<!tpu.dma_semaphore, #tpu.memory_space<semaphore_mem>>)
      } else {
      }
      %add3A_163 = arith.constant 1 : i32
      %add3A_164 = arith.addi %add3A_115, %add3A_163 : i32
      %dma_wait3A_165 = arith.constant 1 : i32
      %dma_wait3A_166 = arith.constant 1 : i32
      %dma_wait3A_167 = arith.constant 0 : i32
      %dma_wait3A_168 = arith.constant 0 : i32
      %dma_wait3A_169 = tpu.memref_slice %arg9[%dma_wait3A_165, %dma_wait3A_167, %dma_wait3A_168] : memref<2x128x128xf32, #tpu.memory_space<vmem>> -> memref<1x128x128xf32, #tpu.memory_space<vmem>>
      %dma_wait3A_170 = tpu.memref_squeeze %dma_wait3A_169 : memref<1x128x128xf32, #tpu.memory_space<vmem>> -> memref<128x128xf32, #tpu.memory_space<vmem>>
      %dma_wait3A_171 = arith.constant 0 : i32
      %dma_wait3A_172 = tpu.memref_slice %arg7[%add3A_164, %dma_wait3A_171] : memref<40x128xi32, #tpu.memory_space<vmem>> -> memref<1x128xi32, #tpu.memory_space<vmem>>
      %dma_wait3A_173 = tpu.memref_squeeze %dma_wait3A_172 : memref<1x128xi32, #tpu.memory_space<vmem>> -> memref<128xi32, #tpu.memory_space<vmem>>
      %dma_wait3A_174 = arith.constant 0 : i32
      %dma_wait3A_175 = arith.constant 0 : i32
      %dma_wait3A_176 = tpu.memref_slice %arg2[%dma_wait3A_174, %dma_wait3A_175] : memref<10112x128xf32, #tpu.memory_space<hbm>> -> memref<10112x128xf32, #tpu.memory_space<hbm>>
      %dma_wait3A_177 = tpu.memref_slice %arg10[%dma_wait3A_166] : memref<2x!tpu.dma_semaphore, #tpu.memory_space<semaphore_mem>> -> memref<1x!tpu.dma_semaphore, #tpu.memory_space<semaphore_mem>>
      %dma_wait3A_178 = tpu.memref_squeeze %dma_wait3A_177 : memref<1x!tpu.dma_semaphore, #tpu.memory_space<semaphore_mem>> -> memref<!tpu.dma_semaphore, #tpu.memory_space<semaphore_mem>>
      tpu.wait_indirect_dma semaphore(%dma_wait3A_178 : memref<!tpu.dma_semaphore, #tpu.memory_space<semaphore_mem>>) src(%dma_wait3A_176 : memref<10112x128xf32, #tpu.memory_space<hbm>>) dst(%dma_wait3A_170 : memref<128x128xf32, #tpu.memory_space<vmem>>)
      %dma_start3A_179 = arith.constant 1 : i32
      %dma_start3A_180 = arith.constant 1 : i32
      %dma_start3A_181 = arith.constant 0 : i32
      %dma_start3A_182 = arith.constant 0 : i32
      %dma_start3A_183 = tpu.memref_slice %arg9[%dma_start3A_179, %dma_start3A_181, %dma_start3A_182] : memref<2x128x128xf32, #tpu.memory_space<vmem>> -> memref<1x128x128xf32, #tpu.memory_space<vmem>>
      %dma_start3A_184 = tpu.memref_squeeze %dma_start3A_183 : memref<1x128x128xf32, #tpu.memory_space<vmem>> -> memref<128x128xf32, #tpu.memory_space<vmem>>
      %dma_start3A_185 = arith.constant 0 : i32
      %dma_start3A_186 = tpu.memref_slice %arg8[%add3A_164, %dma_start3A_185] : memref<40x128xi32, #tpu.memory_space<vmem>> -> memref<1x128xi32, #tpu.memory_space<vmem>>
      %dma_start3A_187 = tpu.memref_squeeze %dma_start3A_186 : memref<1x128xi32, #tpu.memory_space<vmem>> -> memref<128xi32, #tpu.memory_space<vmem>>
      %dma_start3A_188 = arith.constant 0 : i32
      %dma_start3A_189 = arith.constant 0 : i32
      %dma_start3A_190 = tpu.memref_slice %arg6[%dma_start3A_188, %dma_start3A_189] : memref<10112x128xf32, #tpu.memory_space<vmem_shared>> -> memref<10112x128xf32, #tpu.memory_space<vmem_shared>>
      %dma_start3A_191 = tpu.memref_slice %arg11[%dma_start3A_180] : memref<2x!tpu.dma_semaphore, #tpu.memory_space<semaphore_mem>> -> memref<1x!tpu.dma_semaphore, #tpu.memory_space<semaphore_mem>>
      %dma_start3A_192 = tpu.memref_squeeze %dma_start3A_191 : memref<1x!tpu.dma_semaphore, #tpu.memory_space<semaphore_mem>> -> memref<!tpu.dma_semaphore, #tpu.memory_space<semaphore_mem>>
      tpu.enqueue_indirect_dma source(%dma_start3A_184 : memref<128x128xf32, #tpu.memory_space<vmem>>) target(%dma_start3A_190 : memref<10112x128xf32, #tpu.memory_space<vmem_shared>>) offsets(%dma_start3A_187 : memref<128xi32, #tpu.memory_space<vmem>>) semaphore(%dma_start3A_192 : memref<!tpu.dma_semaphore, #tpu.memory_space<semaphore_mem>>) {add = true}
      %dma_wait3A_193 = arith.constant 1 : i32
      %dma_wait3A_194 = arith.constant 1 : i32
      %dma_wait3A_195 = arith.constant 0 : i32
      %dma_wait3A_196 = arith.constant 0 : i32
      %dma_wait3A_197 = tpu.memref_slice %arg9[%dma_wait3A_193, %dma_wait3A_195, %dma_wait3A_196] : memref<2x128x128xf32, #tpu.memory_space<vmem>> -> memref<1x128x128xf32, #tpu.memory_space<vmem>>
      %dma_wait3A_198 = tpu.memref_squeeze %dma_wait3A_197 : memref<1x128x128xf32, #tpu.memory_space<vmem>> -> memref<128x128xf32, #tpu.memory_space<vmem>>
      %dma_wait3A_199 = arith.constant 0 : i32
      %dma_wait3A_200 = tpu.memref_slice %arg8[%add3A_164, %dma_wait3A_199] : memref<40x128xi32, #tpu.memory_space<vmem>> -> memref<1x128xi32, #tpu.memory_space<vmem>>
      %dma_wait3A_201 = tpu.memref_squeeze %dma_wait3A_200 : memref<1x128xi32, #tpu.memory_space<vmem>> -> memref<128xi32, #tpu.memory_space<vmem>>
      %dma_wait3A_202 = arith.constant 0 : i32
      %dma_wait3A_203 = arith.constant 0 : i32
      %dma_wait3A_204 = tpu.memref_slice %arg6[%dma_wait3A_202, %dma_wait3A_203] : memref<10112x128xf32, #tpu.memory_space<vmem_shared>> -> memref<10112x128xf32, #tpu.memory_space<vmem_shared>>
      %dma_wait3A_205 = tpu.memref_slice %arg11[%dma_wait3A_194] : memref<2x!tpu.dma_semaphore, #tpu.memory_space<semaphore_mem>> -> memref<1x!tpu.dma_semaphore, #tpu.memory_space<semaphore_mem>>
      %dma_wait3A_206 = tpu.memref_squeeze %dma_wait3A_205 : memref<1x!tpu.dma_semaphore, #tpu.memory_space<semaphore_mem>> -> memref<!tpu.dma_semaphore, #tpu.memory_space<semaphore_mem>>
      tpu.wait_indirect_dma semaphore(%dma_wait3A_206 : memref<!tpu.dma_semaphore, #tpu.memory_space<semaphore_mem>>) src(%dma_wait3A_198 : memref<128x128xf32, #tpu.memory_space<vmem>>) dst(%dma_wait3A_204 : memref<10112x128xf32, #tpu.memory_space<vmem_shared>>)
      %add3A_207 = arith.constant 2 : i32
      %add3A_208 = arith.addi %add3A_164, %add3A_207 : i32
      %lt3A_209 = arith.constant 40 : i32
      %lt3A_210 = arith.cmpi slt, %add3A_208, %lt3A_209 : i32
      %convert_element_type3A_211 = arith.extui %lt3A_210 : i1 to i32
      %cond3A_212 = arith.constant 0 : i32
      %cond3A_213 = arith.cmpi ne, %convert_element_type3A_211, %cond3A_212 : i32
      scf.if %cond3A_213 {
        %add3A_214 = arith.constant 2 : i32
        %add3A_215 = arith.addi %add3A_164, %add3A_214 : i32
        %dma_start3A_216 = arith.constant 1 : i32
        %dma_start3A_217 = arith.constant 1 : i32
        %dma_start3A_218 = arith.constant 0 : i32
        %dma_start3A_219 = arith.constant 0 : i32
        %dma_start3A_220 = tpu.memref_slice %arg9[%dma_start3A_216, %dma_start3A_218, %dma_start3A_219] : memref<2x128x128xf32, #tpu.memory_space<vmem>> -> memref<1x128x128xf32, #tpu.memory_space<vmem>>
        %dma_start3A_221 = tpu.memref_squeeze %dma_start3A_220 : memref<1x128x128xf32, #tpu.memory_space<vmem>> -> memref<128x128xf32, #tpu.memory_space<vmem>>
        %dma_start3A_222 = arith.constant 0 : i32
        %dma_start3A_223 = tpu.memref_slice %arg7[%add3A_215, %dma_start3A_222] : memref<40x128xi32, #tpu.memory_space<vmem>> -> memref<1x128xi32, #tpu.memory_space<vmem>>
        %dma_start3A_224 = tpu.memref_squeeze %dma_start3A_223 : memref<1x128xi32, #tpu.memory_space<vmem>> -> memref<128xi32, #tpu.memory_space<vmem>>
        %dma_start3A_225 = arith.constant 0 : i32
        %dma_start3A_226 = arith.constant 0 : i32
        %dma_start3A_227 = tpu.memref_slice %arg2[%dma_start3A_225, %dma_start3A_226] : memref<10112x128xf32, #tpu.memory_space<hbm>> -> memref<10112x128xf32, #tpu.memory_space<hbm>>
        %dma_start3A_228 = tpu.memref_slice %arg10[%dma_start3A_217] : memref<2x!tpu.dma_semaphore, #tpu.memory_space<semaphore_mem>> -> memref<1x!tpu.dma_semaphore, #tpu.memory_space<semaphore_mem>>
        %dma_start3A_229 = tpu.memref_squeeze %dma_start3A_228 : memref<1x!tpu.dma_semaphore, #tpu.memory_space<semaphore_mem>> -> memref<!tpu.dma_semaphore, #tpu.memory_space<semaphore_mem>>
        tpu.enqueue_indirect_dma source(%dma_start3A_227 : memref<10112x128xf32, #tpu.memory_space<hbm>>) target(%dma_start3A_221 : memref<128x128xf32, #tpu.memory_space<vmem>>) offsets(%dma_start3A_224 : memref<128xi32, #tpu.memory_space<vmem>>) semaphore(%dma_start3A_229 : memref<!tpu.dma_semaphore, #tpu.memory_space<semaphore_mem>>)
      } else {
      }
    }
    %scan3A_105 = arith.constant 20 : i32
    %barrier3A_106 = arith.constant 0 : index
    tpu.barrier barrier_id(%barrier3A_106)
    %mul3A_107 = arith.constant 632 : i32
    %mul3A_108 = arith.muli %arg1, %mul3A_107 : i32
    %mul3A_109 = arith.constant 632 : i32
    %mul3A_110 = arith.muli %arg1, %mul3A_109 : i32
    "tpu.region"() ({
      %run_scoped3A_111 = tpu.sem_alloc : memref<!tpu.dma_semaphore, #tpu.memory_space<semaphore_mem>>
      %dma_start3A_112 = arith.constant 0 : i32
      %dma_start3A_113 = tpu.memref_slice %arg5[%arg0, %mul3A_110, %dma_start3A_112] : memref<2x10112x128xf32, #tpu.memory_space<hbm>> -> memref<1x632x128xf32, #tpu.memory_space<hbm>>
      %dma_start3A_114 = tpu.memref_squeeze %dma_start3A_113 : memref<1x632x128xf32, #tpu.memory_space<hbm>> -> memref<632x128xf32, #tpu.memory_space<hbm>>
      %dma_start3A_115 = arith.constant 0 : i32
      %dma_start3A_116 = tpu.memref_slice %arg6[%mul3A_108, %dma_start3A_115] : memref<10112x128xf32, #tpu.memory_space<vmem_shared>> -> memref<632x128xf32, #tpu.memory_space<vmem_shared>>
      tpu.enqueue_dma source(%dma_start3A_116 : memref<632x128xf32, #tpu.memory_space<vmem_shared>>) target(%dma_start3A_114 : memref<632x128xf32, #tpu.memory_space<hbm>>) target_semaphore(%run_scoped3A_111 : memref<!tpu.dma_semaphore, #tpu.memory_space<semaphore_mem>>)
      %dma_wait3A = arith.constant 0 : i32
      %dma_wait3A_117 = tpu.memref_slice %arg5[%arg0, %mul3A_110, %dma_wait3A] : memref<2x10112x128xf32, #tpu.memory_space<hbm>> -> memref<1x632x128xf32, #tpu.memory_space<hbm>>
      %dma_wait3A_118 = tpu.memref_squeeze %dma_wait3A_117 : memref<1x632x128xf32, #tpu.memory_space<hbm>> -> memref<632x128xf32, #tpu.memory_space<hbm>>
      %dma_wait3A_119 = arith.constant 0 : i32
      %dma_wait3A_120 = tpu.memref_slice %arg6[%mul3A_108, %dma_wait3A_119] : memref<10112x128xf32, #tpu.memory_space<vmem_shared>> -> memref<632x128xf32, #tpu.memory_space<vmem_shared>>
      tpu.wait_dma2 semaphore(%run_scoped3A_111 : memref<!tpu.dma_semaphore, #tpu.memory_space<semaphore_mem>>) src(%dma_wait3A_120 : memref<632x128xf32, #tpu.memory_space<vmem_shared>>) dst(%dma_wait3A_118 : memref<632x128xf32, #tpu.memory_space<hbm>>)
      tpu.yield
    }) : () -> ()
    return
  }
}

module attributes {stable_mosaic.version = 14 : i64} {
  func.func @body(%arg0: memref<10000x128xf32, #tpu.memory_space<vmem>>, %arg1: memref<128x64xf32, #tpu.memory_space<vmem>>, %arg2: memref<128x64xf32, #tpu.memory_space<vmem>>, %arg3: memref<1x64xf32, #tpu.memory_space<vmem>>, %arg4: memref<10112x128xf32, #tpu.memory_space<vmem>>, %arg5: memref<10112x64xf32, #tpu.memory_space<vmem>>) attributes {dimension_semantics = [], scalar_prefetch = 0 : i64, scratch_operands = 0 : i64, tpu.core_type = #tpu.core_type<tc>} {
    %get3A = arith.constant 0 : index
    %get3A_0 = arith.constant 0 : index
    %get3A_1 = vector.load %arg0[%get3A, %get3A_0] : memref<10000x128xf32, #tpu.memory_space<vmem>>, vector<10000x128xf32>
    %get3A_2 = arith.constant 0 : index
    %get3A_3 = arith.constant 0 : index
    %get3A_4 = vector.load %arg1[%get3A_2, %get3A_3] : memref<128x64xf32, #tpu.memory_space<vmem>>, vector<128x64xf32>
    %dot_general3A = arith.constant dense<0.000000e+00> : vector<10000x64xf32>
    %dot_general3A_5 = tpu.matmul %get3A_1, %get3A_4, %dot_general3A {dimension_numbers = #tpu.dot_dimension_numbers<[1], [0], [0], [1], [0, 0, 1, 1], [], []>, transpose_lhs_hint = false} : vector<10000x128xf32>, vector<128x64xf32>, vector<10000x64xf32> -> vector<10000x64xf32>
    %swap3A = arith.constant 0 : index
    %swap3A_6 = arith.constant 0 : index
    %swap3A_7 = vector.load %arg4[%swap3A, %swap3A_6] : memref<10112x128xf32, #tpu.memory_space<vmem>>, vector<10000x64xf32>
    tpu.vector_store %arg4[%swap3A, %swap3A_6], %dot_general3A_5 {strides = array<i32>} : memref<10112x128xf32, #tpu.memory_space<vmem>>, vector<10000x64xf32>,
    %broadcast_in_dim3A = arith.constant 1.000000e+00 : f32
    %broadcast_in_dim3A_8 = vector.broadcast %broadcast_in_dim3A : f32 to vector<10112x64xf32>
    %swap3A_9 = arith.constant 0 : index
    %swap3A_10 = arith.constant 64 : index
    %swap3A_11 = vector.load %arg4[%swap3A_9, %swap3A_10] : memref<10112x128xf32, #tpu.memory_space<vmem>>, vector<10112x64xf32>
    tpu.vector_store %arg4[%swap3A_9, %swap3A_10], %broadcast_in_dim3A_8 {strides = array<i32>} : memref<10112x128xf32, #tpu.memory_space<vmem>>, vector<10112x64xf32>,
    %get3A_12 = arith.constant 0 : index
    %get3A_13 = arith.constant 0 : index
    %get3A_14 = vector.load %arg2[%get3A_12, %get3A_13] : memref<128x64xf32, #tpu.memory_space<vmem>>, vector<128x64xf32>
    %dot_general3A_15 = arith.constant dense<0.000000e+00> : vector<10000x64xf32>
    %dot_general3A_16 = tpu.matmul %get3A_1, %get3A_14, %dot_general3A_15 {dimension_numbers = #tpu.dot_dimension_numbers<[1], [0], [0], [1], [0, 0, 1, 1], [], []>, transpose_lhs_hint = false} : vector<10000x128xf32>, vector<128x64xf32>, vector<10000x64xf32> -> vector<10000x64xf32>
    %get3A_17 = arith.constant 0 : index
    %get3A_18 = arith.constant 0 : index
    %get3A_19 = vector.load %arg3[%get3A_17, %get3A_18] : memref<1x64xf32, #tpu.memory_space<vmem>>, vector<1x64xf32>
    %add3A = vector.broadcast %get3A_19 : vector<1x64xf32> to vector<10000x64xf32>
    %add3A_20 = arith.addf %dot_general3A_16, %add3A : vector<10000x64xf32>
    %swap3A_21 = arith.constant 0 : index
    %swap3A_22 = arith.constant 0 : index
    %swap3A_23 = vector.load %arg5[%swap3A_21, %swap3A_22] : memref<10112x64xf32, #tpu.memory_space<vmem>>, vector<10000x64xf32>
    tpu.vector_store %arg5[%swap3A_21, %swap3A_22], %add3A_20 {strides = array<i32>} : memref<10112x64xf32, #tpu.memory_space<vmem>>, vector<10000x64xf32>,
    %broadcast_in_dim3A_24 = arith.constant 0.000000e+00 : f32
    %broadcast_in_dim3A_25 = vector.broadcast %broadcast_in_dim3A_24 : f32 to vector<112x64xf32>
    %swap3A_26 = arith.constant 10000 : index
    %swap3A_27 = arith.constant 0 : index
    %swap3A_28 = vector.load %arg5[%swap3A_26, %swap3A_27] : memref<10112x64xf32, #tpu.memory_space<vmem>>, vector<112x64xf32>
    tpu.vector_store %arg5[%swap3A_26, %swap3A_27], %broadcast_in_dim3A_25 {strides = array<i32>} : memref<10112x64xf32, #tpu.memory_space<vmem>>, vector<112x64xf32>,
    return
  }
}

module attributes {stable_mosaic.version = 14 : i64} {
  func.func @body(%arg0: memref<2x10112x128xf32, #tpu.memory_space<vmem>>, %arg1: memref<10112x64xf32, #tpu.memory_space<vmem>>, %arg2: memref<64x64xf32, #tpu.memory_space<vmem>>, %arg3: memref<64x64xf32, #tpu.memory_space<vmem>>, %arg4: memref<1x64xf32, #tpu.memory_space<vmem>>, %arg5: memref<10112x128xf32, #tpu.memory_space<vmem>>, %arg6: memref<10112x64xf32, #tpu.memory_space<vmem>>) attributes {dimension_semantics = [], scalar_prefetch = 0 : i64, scratch_operands = 0 : i64, tpu.core_type = #tpu.core_type<tc>} {
    %get3A = arith.constant 0 : index
    %get3A_0 = arith.constant 0 : index
    %get3A_1 = arith.constant 0 : index
    %get3A_2 = vector.load %arg0[%get3A, %get3A_0, %get3A_1] : memref<2x10112x128xf32, #tpu.memory_space<vmem>>, vector<1x10112x128xf32>
    %get3A_3 = vector.shape_cast %get3A_2 : vector<1x10112x128xf32> to vector<10112x128xf32>
    %get3A_4 = arith.constant 1 : index
    %get3A_5 = arith.constant 0 : index
    %get3A_6 = arith.constant 0 : index
    %get3A_7 = vector.load %arg0[%get3A_4, %get3A_5, %get3A_6] : memref<2x10112x128xf32, #tpu.memory_space<vmem>>, vector<1x10112x128xf32>
    %get3A_8 = vector.shape_cast %get3A_7 : vector<1x10112x128xf32> to vector<10112x128xf32>
    %add3A = arith.addf %get3A_3, %get3A_8 : vector<10112x128xf32>
    %slice3A = vector.extract_strided_slice %add3A {offsets = [0, 64], sizes = [10112, 1], strides = [1, 1]} : vector<10112x128xf32> to vector<10112x1xf32>
    %slice3A_9 = vector.extract_strided_slice %add3A {offsets = [0, 0], sizes = [10112, 64], strides = [1, 1]} : vector<10112x128xf32> to vector<10112x64xf32>
    %max3A = arith.constant 1.000000e+00 : f32
    %max3A_10 = vector.broadcast %max3A : f32 to vector<10112x1xf32>
    %max3A_11 = arith.maximumf %slice3A, %max3A_10 : vector<10112x1xf32>
    %div3A = vector.broadcast %max3A_11 : vector<10112x1xf32> to vector<10112x64xf32>
    %div3A_12 = arith.divf %slice3A_9, %div3A : vector<10112x64xf32>
    %get3A_13 = arith.constant 0 : index
    %get3A_14 = arith.constant 0 : index
    %get3A_15 = vector.load %arg1[%get3A_13, %get3A_14] : memref<10112x64xf32, #tpu.memory_space<vmem>>, vector<10112x64xf32>
    %add3A_16 = arith.addf %div3A_12, %get3A_15 : vector<10112x64xf32>
    %max3A_17 = arith.constant 0.000000e+00 : f32
    %max3A_18 = vector.broadcast %max3A_17 : f32 to vector<10112x64xf32>
    %max3A_19 = arith.maximumf %add3A_16, %max3A_18 : vector<10112x64xf32>
    %get3A_20 = arith.constant 0 : index
    %get3A_21 = arith.constant 0 : index
    %get3A_22 = vector.load %arg2[%get3A_20, %get3A_21] : memref<64x64xf32, #tpu.memory_space<vmem>>, vector<64x64xf32>
    %dot_general3A = arith.constant dense<0.000000e+00> : vector<10112x64xf32>
    %dot_general3A_23 = tpu.matmul %max3A_19, %get3A_22, %dot_general3A {dimension_numbers = #tpu.dot_dimension_numbers<[1], [0], [0], [1], [0, 0, 1, 1], [], []>, transpose_lhs_hint = false} : vector<10112x64xf32>, vector<64x64xf32>, vector<10112x64xf32> -> vector<10112x64xf32>
    %swap3A = arith.constant 0 : index
    %swap3A_24 = arith.constant 0 : index
    %swap3A_25 = vector.load %arg5[%swap3A, %swap3A_24] : memref<10112x128xf32, #tpu.memory_space<vmem>>, vector<10112x64xf32>
    tpu.vector_store %arg5[%swap3A, %swap3A_24], %dot_general3A_23 {strides = array<i32>} : memref<10112x128xf32, #tpu.memory_space<vmem>>, vector<10112x64xf32>,
    %broadcast_in_dim3A = arith.constant 1.000000e+00 : f32
    %broadcast_in_dim3A_26 = vector.broadcast %broadcast_in_dim3A : f32 to vector<10112x64xf32>
    %swap3A_27 = arith.constant 0 : index
    %swap3A_28 = arith.constant 64 : index
    %swap3A_29 = vector.load %arg5[%swap3A_27, %swap3A_28] : memref<10112x128xf32, #tpu.memory_space<vmem>>, vector<10112x64xf32>
    tpu.vector_store %arg5[%swap3A_27, %swap3A_28], %broadcast_in_dim3A_26 {strides = array<i32>} : memref<10112x128xf32, #tpu.memory_space<vmem>>, vector<10112x64xf32>,
    %get3A_30 = arith.constant 0 : index
    %get3A_31 = arith.constant 0 : index
    %get3A_32 = vector.load %arg3[%get3A_30, %get3A_31] : memref<64x64xf32, #tpu.memory_space<vmem>>, vector<64x64xf32>
    %dot_general3A_33 = arith.constant dense<0.000000e+00> : vector<10112x64xf32>
    %dot_general3A_34 = tpu.matmul %max3A_19, %get3A_32, %dot_general3A_33 {dimension_numbers = #tpu.dot_dimension_numbers<[1], [0], [0], [1], [0, 0, 1, 1], [], []>, transpose_lhs_hint = false} : vector<10112x64xf32>, vector<64x64xf32>, vector<10112x64xf32> -> vector<10112x64xf32>
    %get3A_35 = arith.constant 0 : index
    %get3A_36 = arith.constant 0 : index
    %get3A_37 = vector.load %arg4[%get3A_35, %get3A_36] : memref<1x64xf32, #tpu.memory_space<vmem>>, vector<1x64xf32>
    %add3A_38 = vector.broadcast %get3A_37 : vector<1x64xf32> to vector<10112x64xf32>
    %add3A_39 = arith.addf %dot_general3A_34, %add3A_38 : vector<10112x64xf32>
    %swap3A_40 = arith.constant 0 : index
    %swap3A_41 = arith.constant 0 : index
    %swap3A_42 = vector.load %arg6[%swap3A_40, %swap3A_41] : memref<10112x64xf32, #tpu.memory_space<vmem>>, vector<10112x64xf32>
    tpu.vector_store %arg6[%swap3A_40, %swap3A_41], %add3A_39 {strides = array<i32>} : memref<10112x64xf32, #tpu.memory_space<vmem>>, vector<10112x64xf32>,
    return
  }
}

module attributes {stable_mosaic.version = 14 : i64} {
  func.func @body(%arg0: memref<2x10112x128xf32, #tpu.memory_space<vmem>>, %arg1: memref<10112x64xf32, #tpu.memory_space<vmem>>, %arg2: memref<64x1xf32, #tpu.memory_space<vmem>>, %arg3: memref<1x1xf32, #tpu.memory_space<vmem>>, %arg4: memref<10112x1xf32, #tpu.memory_space<vmem>>) attributes {dimension_semantics = [], scalar_prefetch = 0 : i64, scratch_operands = 0 : i64, tpu.core_type = #tpu.core_type<tc>} {
    %get3A = arith.constant 0 : index
    %get3A_0 = arith.constant 0 : index
    %get3A_1 = arith.constant 0 : index
    %get3A_2 = vector.load %arg0[%get3A, %get3A_0, %get3A_1] : memref<2x10112x128xf32, #tpu.memory_space<vmem>>, vector<1x10112x128xf32>
    %get3A_3 = vector.shape_cast %get3A_2 : vector<1x10112x128xf32> to vector<10112x128xf32>
    %get3A_4 = arith.constant 1 : index
    %get3A_5 = arith.constant 0 : index
    %get3A_6 = arith.constant 0 : index
    %get3A_7 = vector.load %arg0[%get3A_4, %get3A_5, %get3A_6] : memref<2x10112x128xf32, #tpu.memory_space<vmem>>, vector<1x10112x128xf32>
    %get3A_8 = vector.shape_cast %get3A_7 : vector<1x10112x128xf32> to vector<10112x128xf32>
    %add3A = arith.addf %get3A_3, %get3A_8 : vector<10112x128xf32>
    %slice3A = vector.extract_strided_slice %add3A {offsets = [0, 64], sizes = [10112, 1], strides = [1, 1]} : vector<10112x128xf32> to vector<10112x1xf32>
    %slice3A_9 = vector.extract_strided_slice %add3A {offsets = [0, 0], sizes = [10112, 64], strides = [1, 1]} : vector<10112x128xf32> to vector<10112x64xf32>
    %max3A = arith.constant 1.000000e+00 : f32
    %max3A_10 = vector.broadcast %max3A : f32 to vector<10112x1xf32>
    %max3A_11 = arith.maximumf %slice3A, %max3A_10 : vector<10112x1xf32>
    %div3A = vector.broadcast %max3A_11 : vector<10112x1xf32> to vector<10112x64xf32>
    %div3A_12 = arith.divf %slice3A_9, %div3A : vector<10112x64xf32>
    %get3A_13 = arith.constant 0 : index
    %get3A_14 = arith.constant 0 : index
    %get3A_15 = vector.load %arg1[%get3A_13, %get3A_14] : memref<10112x64xf32, #tpu.memory_space<vmem>>, vector<10112x64xf32>
    %add3A_16 = arith.addf %div3A_12, %get3A_15 : vector<10112x64xf32>
    %max3A_17 = arith.constant 0.000000e+00 : f32
    %max3A_18 = vector.broadcast %max3A_17 : f32 to vector<10112x64xf32>
    %max3A_19 = arith.maximumf %add3A_16, %max3A_18 : vector<10112x64xf32>
    %get3A_20 = arith.constant 0 : index
    %get3A_21 = arith.constant 0 : index
    %get3A_22 = vector.load %arg2[%get3A_20, %get3A_21] : memref<64x1xf32, #tpu.memory_space<vmem>>, vector<64x1xf32>
    %dot_general3A = arith.constant dense<0.000000e+00> : vector<10112x1xf32>
    %dot_general3A_23 = tpu.matmul %max3A_19, %get3A_22, %dot_general3A {dimension_numbers = #tpu.dot_dimension_numbers<[1], [0], [0], [1], [0, 0, 1, 1], [], []>, transpose_lhs_hint = false} : vector<10112x64xf32>, vector<64x1xf32>, vector<10112x1xf32> -> vector<10112x1xf32>
    %get3A_24 = arith.constant 0 : index
    %get3A_25 = arith.constant 0 : index
    %get3A_26 = vector.load %arg3[%get3A_24, %get3A_25] : memref<1x1xf32, #tpu.memory_space<vmem>>, vector<1x1xf32>
    %add3A_27 = vector.broadcast %get3A_26 : vector<1x1xf32> to vector<10112x1xf32>
    %add3A_28 = arith.addf %dot_general3A_23, %add3A_27 : vector<10112x1xf32>
    %swap3A = arith.constant 0 : index
    %swap3A_29 = arith.constant 0 : index
    %swap3A_30 = vector.load %arg4[%swap3A, %swap3A_29] : memref<10112x1xf32, #tpu.memory_space<vmem>>, vector<10112x1xf32>
    tpu.vector_store %arg4[%swap3A, %swap3A_29], %add3A_28 {strides = array<i32>} : memref<10112x1xf32, #tpu.memory_space<vmem>>, vector<10112x1xf32>,
    return
  }
}

</mosaic_0001>

<sc_bundles>
// kernel: kernel.10.cloned.1.call-start
scs
__scs_entry_jumppad:
0x0: {  	(pc) =	sbr.rel $0x88, $3  }
0x1: {  	(tag) =	ssettag $0x0;
	lr =	simm.s32 $0x1  }
0x2: {  	[smem:$0x3F97] =	sst lr;
	_ =	strace $0xD0000000  }
0x3: {  	_ = 	snop  }
0x4: {  	_ = 	snop  }
0x5: {  	_ = 	snop  }
0x6: {  	_ = 	snop  }
0x7: {  	_ = 	snop  }
__scs_overlays_trampoline_lowered:
0x8: {  	[smem:$0x3FA6] =	sst s0  }
0x9: {  	[smem:$0x3FA7] =	sst s1  }
0xa: {  	[smem:$0x3FA8] =	sst s2  }
0xb: {  	[smem:$0x3FA9] =	sst s3  }
0xc: {  	[smem:$0x3FAA] =	sst s4  }
0xd: {  	[smem:$0x3FAB] =	sst s5  }
0xe: {  	[smem:$0x3FAC] =	sst s6  }
0xf: {  	[smem:$0x3FAD] =	sst s7  }
0x10: {  	[smem:$0x3FAE] =	sst s8  }
0x11: {  	[smem:$0x3FAF] =	sst s9;
	s0 =	simm.s32 @!p0 $0x0  }
0x12: {  	s1 =	sld [smem:$0x3F95];
	s0 =	simm.s32 @p0 $0x1  }
0x13: {  	[smem:$0x3FB0] =	sst s0;
	s0 =	simm.s32 @!p1 $0x0  }
0x14: {  	s2 =	sld [smem:$0x3F94];
	s0 =	simm.s32 @p1 $0x1  }
0x15: {  	[smem:$0x3FB1] =	sst s0;
	s0 =	simm.s32 @!p2 $0x0  }
0x16: {  	s3 =	sld [smem:$0x3FDB];
	s0 =	simm.s32 @p2 $0x1  }
0x17: {  	s4 =	simm.s32 $0x1BF5;
	[smem:$0x3FB3] =	sst s0  }
0x18: {  	s0 =	sld [smem:$0x3F96];
	_ =	swait.ge [sflag:s4], $0x0  }
0x19: {  	s7 =	sld [smem:$0x3F97]  }
0x1a: {  	s8 =	sadd.s32 $0xFFFFE003, lr  }
0x1b: {  	s9 =	sadd.s32 $0xFFFFFEF7, lr;
	s5 =	simm.s32 $0xFFFFFFFF;
	p2 =	slt.u32 s8, $0xFFFFF086  }
0x1c: {  	p1 =	slt.u32 s9, $0xF7A;
	s5 =	simm.s32 @!p2 $0x0  }
0x1d: {  	s5 =	simm.s32 @p1 $0x1;
	p0 =	seq.s32 s7, s2  }
0x1e: {  	s7 =	smul.u32 @!p0 $0xF7A, s2;
	p2 =	seq.s32 @!p0 s5, $0x0  }
0x1f: {  	s9 =	smul.u32 $0xF7A, s1;
	s8 =	simm.s32 @!p0 $0x1BF5;
	p2 =	por !p2, p0  }
0x20: {  	[sflag:s8] =	ssyncset.s32 @!p0 $0xFFFFF086;
	s6 =	sadd.s32 @!p0 s3, s7;
	s7 =	simm.s32 @!p0 $0x108  }
0x21: {  	s3 =	sadd.s32 s3, s9;
	s6 =	sadd.s32 @!p0 $0x88, s6;
	s7 =	simm.s32 @p2 $0x1082  }
0x22: {  	[simem:s7], [sflag:s8] =	dma.local @!p0 [hbm:s6], $0xF7A  }
0x23: {  	s9 =	sor.u32 $0xD0000000, s2;
	s6 =	simm.s32 $0x108;
	_ =	swait.ge @!p0 [sflag:s8], $0x0  }
0x24: {  	s3 =	sadd.s32 $0x88, s3;
	s6 =	simm.s32 @!p1 $0x1082;
	[sflag:s4] =	ssyncset.s32 $0xFFFFF086  }
0x25: {  	[simem:s6], [sflag:s4] =	dma.local [hbm:s3], $0xF7A  }
0x26: {  	[smem:$0x3F97] =	sst s1;
	(tag) =	ssettag s2;
	_ =	strace s9  }
0x27: {  	s1 =	sld [smem:$0x3FA7]  }
0x28: {  	s2 =	sld [smem:$0x3FA8]  }
0x29: {  	s4 =	sld [smem:$0x3FAA]  }
0x2a: {  	p0 =	seq.s32 s5, $0x0;
	s5 =	sld [smem:$0x3FAB]  }
0x2b: {  	s6 =	sld [smem:$0x3FAC]  }
0x2c: {  	s7 =	sld [smem:$0x3FAD]  }
0x2d: {  	s3 =	simm.s32 $0x108;
	s8 =	sld [smem:$0x3FAE]  }
0x2e: {  	s3 =	simm.s32 @!p0 $0x1082;
	s9 =	sld [smem:$0x3FAF]  }
0x2f: {  	lr =	sadd.s32 s0, s3;
	s0 =	sld [smem:$0x3FA6]  }
0x30: {  	s3 =	sld [smem:$0x3FA9]  }
0x31: {  	[smem:$0x3FB2] =	sst s10  }
0x32: {  	s10 =	sld [smem:$0x3FB0];
	_ =	sdelay $0x3  }
0x33: {  	p0 =	seq.s32 s10, $0x1;
	s10 =	sld [smem:$0x3FB2];
	_ =	sdelay $0x3  }
0x34: {  	[smem:$0x3FB2] =	sst s10  }
0x35: {  	s10 =	sld [smem:$0x3FB1];
	_ =	sdelay $0x3  }
0x36: {  	p1 =	seq.s32 s10, $0x1;
	s10 =	sld [smem:$0x3FB2];
	_ =	sdelay $0x3  }
0x37: {  	[smem:$0x3FB2] =	sst s10  }
0x38: {  	s10 =	sld [smem:$0x3FB3]  }
0x39: {  	_ = 	snop;
	(pc) =	sbr.ind lr, $3  }
0x3a: {  	_ = 	snop  }
0x3b: {  	_ = 	snop  }
0x3c: {  	p2 =	seq.s32 s10, $0x1;
	s10 =	sld [smem:$0x3FB2]  }
0x3d: {  	_ =	shalt  }
0x3e: {  	_ =	shalt  }
0x3f: {  	_ =	shalt  }
0x40: {  	_ =	shalt  }
0x41: {  	_ =	shalt  }
0x42: {  	_ =	shalt  }
0x43: {  	_ =	shalt  }
0x44: {  	_ =	shalt  }
0x45: {  	_ =	shalt  }
0x46: {  	_ =	shalt  }
0x47: {  	_ =	shalt  }
0x48: {  	_ =	shalt  }
0x49: {  	_ =	shalt  }
0x4a: {  	_ =	shalt  }
0x4b: {  	_ =	shalt  }
0x4c: {  	_ =	shalt  }
0x4d: {  	_ =	shalt  }
0x4e: {  	_ =	shalt  }
0x4f: {  	_ =	shalt  }
0x50: {  	_ =	shalt  }
0x51: {  	_ =	shalt  }
0x52: {  	_ =	shalt  }
0x53: {  	_ =	shalt  }
0x54: {  	_ =	shalt  }
0x55: {  	_ =	shalt  }
0x56: {  	_ =	shalt  }
0x57: {  	_ =	shalt  }
0x58: {  	_ =	shalt  }
0x59: {  	_ =	shalt  }
0x5a: {  	_ =	shalt  }
0x5b: {  	_ =	shalt  }
0x5c: {  	_ =	shalt  }
0x5d: {  	_ =	shalt  }
0x5e: {  	_ =	shalt  }
0x5f: {  	_ =	shalt  }
0x60: {  	_ =	shalt  }
0x61: {  	_ =	shalt  }
0x62: {  	_ =	shalt  }
0x63: {  	_ =	shalt  }
0x64: {  	_ =	shalt  }
0x65: {  	_ =	shalt  }
0x66: {  	_ =	shalt  }
0x67: {  	_ =	shalt  }
0x68: {  	_ =	shalt  }
0x69: {  	_ =	shalt  }
0x6a: {  	_ =	shalt  }
0x6b: {  	_ =	shalt  }
0x6c: {  	_ =	shalt  }
0x6d: {  	_ =	shalt  }
0x6e: {  	_ =	shalt  }
0x6f: {  	_ =	shalt  }
0x70: {  	_ =	shalt  }
0x71: {  	_ =	shalt  }
0x72: {  	_ =	shalt  }
0x73: {  	_ =	shalt  }
0x74: {  	_ =	shalt  }
0x75: {  	_ =	shalt  }
0x76: {  	_ =	shalt  }
0x77: {  	_ =	shalt  }
0x78: {  	_ =	shalt  }
0x79: {  	_ =	shalt  }
0x7a: {  	_ =	shalt  }
0x7b: {  	_ =	shalt  }
0x7c: {  	_ =	shalt  }
0x7d: {  	_ =	shalt  }
0x7e: {  	_ =	shalt  }
0x7f: {  	_ =	shalt  }
0x80: {  	_ =	shalt  }
0x81: {  	_ =	shalt  }
0x82: {  	_ =	shalt  }
0x83: {  	_ =	shalt  }
0x84: {  	_ =	shalt  }
0x85: {  	_ =	shalt  }
0x86: {  	_ =	shalt  }
0x87: {  	_ =	shalt  }
.Lfunc_end0:
.L_simem_size_0:
called_computation.1_lowered:
.L_overlay_start_0:
0x88: {  	s2 =	sld [smem:$0x3FD9]  }
0x89: {  	s3 =	sld [smem:$0x3FFE];
	_ =	sdelay $0x1  }
0x8a: {  	s1 =	srdreg.scid  }
0x8b: {  	s0 =	sand.u32 $0x1, s1  }
0x8c: {  	s16 =	sshll.u32 s0, $0xA;
	s2 =	sadd.s32 s3, s2  }
0x8d: {  	s2 =	sadd.s32 s2, s16  }
0x8e: {  	[smem:$0x3FBE] =	sst s2  }
0x8f: {  	_ = 	snop  }
0x90: {  	(tm) =	ssettm $0x1  }
0x91: {  	s17 =	sld [smem:$0x3FFB];
	_ =	sdelay $0x3  }
0x92: {  	_ =	strace s17  }
0x93: {  	s2 =	sld [smem:$0x3FFC];
	_ =	sdelay $0x3  }
0x94: {  	_ =	strace s2  }
0x95: {  	s2 =	sld [smem:$0x3FFD];
	_ =	sdelay $0x3  }
0x96: {  	_ =	strace s2  }
0x97: {  	_ =	strace $0x8FFFFFFF  }
0x98: {  	s18 =	sld [smem:$0x3FDB];
	_ =	sdelay $0x1  }
0x99: {  	s19 =	simm.s32 $_scs_section_size  }
0x9a: {  	s4 =	simm.s32 $_size__tile_overlayer_lowered;
	s5 =	simm.s32 $_tile_overlayer_lowered  }
0x9b: {  	s22 =	simm.s32 $0x1BFF;
	s21 =	sshll.u32 s5, $0x1;
	s2 =	sadd.s32 s19, s18  }
0x9c: {  	s6 =	simm.s32 $0x0;
	s20 =	sshll.u32 s4, $0x1;
	s4 =	sadd.s32 s21, s2  }
0x9d: {  	[timem:s6], [sflag:s22] =	dma.local [hbm:s4], s20  }
0x9e: {  	_ =	swait.ge [sflag:s22], s20  }
0x9f: {  	s3 =	ssub.s32 $0x0, s20;
	[sflag:s22] =	ssyncset.done $0x0  }
0xa0: {  	[sflag:s22] =	ssyncadd.s32 s3;
	_ =	sdelay $0x1  }
0xa1: {  	s23 =	simm.s32 $0x1B8B  }
0xa2: {  	_ =	swait.ge [sflag:s23], $0x1  }
0xa3: {  	[sflag:s23] =	ssyncset.done $0x0  }
0xa4: {  	s25 =	simm.s32 $0x1B8E;
	s24 =	sld [smem:$0x3FFE];
	[sflag:s23] =	ssyncadd.s32 $0xFFFFFFFF  }
0xa5: {  	s26 =	simm.s32 $execute0_lowered;
	[smem:$0x3FD2] =	sst s25  }
0xa6: {  	s4 =	sshll.u32 s26, $0x1;
	_ =	strace $0x80000049;
	[dreg:$0x1] =	wrdreg $0xFFFFFFFF  }
0xa7: {  	s28 =	simm.s32 $_size_execute0_lowered;
	s2 =	sadd.s32 s2, s4;
	[dreg:$0x0] =	wrdreg $0x0  }
0xa8: {  	s4 =	sshll.u32 s28, $0x1;
	[dreg:$0x2] =	wrdreg s2  }
0xa9: {  	[dreg:$0x3] =	wrdreg s4  }
0xaa: {  	[dreg:$0x4] =	wrdreg $0xC0  }
0xab: {  	_ =	task [dreg:s6], $0x5FFFF  }
0xac: {  	[dreg:$0x1] =	wrdreg $0xFFFFFFFF  }
0xad: {  	[dreg:$0x0] =	wrdreg $0x60  }
0xae: {  	[dreg:$0x2] =	wrdreg s24  }
0xaf: {  	[dreg:$0x3] =	wrdreg $0x0  }
0xb0: {  	[dreg:$0x4] =	wrdreg $0x9  }
0xb1: {  	_ =	task.clear_ibuf [dreg:s6], $0x5FFFF;
	_ =	strace $0x90000049  }
0xb2: {  	s29 =	simm.s32 $0x9;
	_ =	strace $0x8000004B  }
0xb3: {  	_ =	swait.ge [sflag:s29], $0x1  }
0xb4: {  	[sflag:s29] =	ssyncadd.s32 $0xFFFFFFFF  }
0xb5: {  	_ =	strace $0x9000004B  }
0xb6: {  	_ =	sfence  }
0xb7: {  	s30 =	sld [smem:$0x0];
	_ =	sdelay $0x2  }
0xb8: {  	s31 =	sshll.u32 s1, $0xD;
	s1 =	sshrl.u32 s1, $0x2  }
0xb9: {  	s3 =	sand.u32 $0x4000, s31;
	s1 =	sadd.s32 s1, s30  }
0xba: {  	s0 =	sor.u32 s3, s0;
	s1 =	sshll.u32 s1, $0x11  }
0xbb: {  	s0 =	sor.u32 s1, s0  }
0xbc: {  	s0 =	sadd.s32 $0x8F2B, s0  }
0xbd: {  	[sflag:s0] =	ssyncadd.remote.s32 $0x1  }
0xbe: {  	_ =	sfence.sel $0xFFFF  }
0xbf: {  	[dreg:$0x0] =	wrdreg $0xFFFFFFFF;
	(pc) =	sbr.abs _section_cstart, $3  }
0xc0: {  	[dreg:$0x1] =	wrdreg $0xFFFFFFFF  }
0xc1: {  	_ =	task.clear_ibuf [dreg:s6], $0x2FFFF;
	_ =	strace $0x9FFFFFFF  }
0xc2: {  	(tm) =	ssettm $0x7FFFFFFF  }
0xc3: {  	_ =	shalt  }
tec
execute0_lowered:
.L_overlay_start_1:
0x0: {  	(tag) =	ssettag $0x1  }
0x1: {  	s5 =	rddreg [dreg:$0x0]  }
0x2: {  	s0 =	srdreg.scid;
	s2 =	rddreg [dreg:$0x1]  }
0x3: {  	s1 =	stileid.u32;
	s3 =	simm.s32 $0x0;
	s17 =	simm.s32 $0x5  }
0x4: {  	s18 =	simm.s32 $0x13C00;
	s19 =	simm.s32 $0x15000;
	s20 =	simm.s32 $0x80  }
0x5: {  	s21 =	simm.s32 $0x13C80;
	s22 =	simm.s32 $0x1A400;
	s23 =	simm.s32 $0x1  }
0x6: {  	s28 =	simm.s32 $0x16300;
	s29 =	simm.s32 $0x16380;
	s6 =	sand.u32 $0x1, s0  }
0x7: {  	s8 =	smul.u32 $0x13C00, s1;
	[smem:$0x7FF] =	sst s3;
	s4 =	sadd.s32 $0x15C00, s5  }
0x8: {  	s12 =	sadd.s32 $0xBC00, s5;
	s24 =	smul.u32 $0x4F000, s1;
	s13 =	sadd.s32 $0x1C00, s5  }
0x9: {  	s7 =	smul.u32 $0x13C000, s6;
	_ =	strace $0x8000004A;
	s25 =	sshll.u32 s6, $0x4  }
0xa: {  	s6 =	ssub.s32 $0x2, s6;
	s26 =	sor.u32 s1, s25;
	s30 =	sshrl.u32 s24, $0x2  }
0xb: {  	s31 =	sshrl.u32 s6, $0x1;
	s24 =	simm.s32 $0x3;
	s25 =	simm.s32 $0x2  }
0xc: {  	s7 =	sadd.s32 s8, s7;
	s9 =	smul.u32 $0x2800, s26;
	s15 =	ssub.s32 s6, s31  }
0xd: {  	s11 =	smul.u32 $0x500, s26;
	s26 =	simm.s32 $0x4;
	s7 =	sshrl.u32 s7, $0x3  }
0xe: {  	s15 =	smax.u32 s15, $0x1;
	s14 =	sadd.s32 s7, s5;
	s5 =	sadd.s32 s30, s2  }
0xf: {  	s16 =	sshrl.u32 s9, $0x3;
	s10 =	sadd.s32 s12, s11;
	s11 =	sadd.s32 s13, s11  }
0x10: {  	s6 =	sadd.s32 $0x4000, s5;
	s7 =	sadd.s32 $0x8000, s5;
	s8 =	sadd.s32 $0xC000, s5  }
0x11: {  	s9 =	sadd.s32 $0x10000, s5;
	s16 =	sadd.s32 $0x280, s16;
	s14 =	sadd.s32 $0x3D400, s14  }
0x12: {  	v0 =	vimm.f32 $0.0e+00;
	s12 =	sadd.s32 s12, s16;
	s13 =	sadd.s32 s13, s16;
	s16 =	simm.s32 $0x16400  }
.LBB2_1:
0x13: {  	s30 =	simm.s32 $0x0;
	s31 =	simm.s32 $0x200  }
.LBB2_2:
0x14: {  	p0 =	sne.s32 s31, $0xFE00;
	[tilespmem:s30+$0x16470] =	vst v0  }
0x15: {  	[tilespmem:s30+$0x16400] =	vst v0  }
0x16: {  	[tilespmem:s30+$0x16410] =	vst v0  }
.Ltmp0:
0x17: {  	[tilespmem:s30+$0x16420] =	vst v0;
	(pc) =	sbr.rel @p0 .LBB2_2-.Ltmp0, $4  }
0x18: {  	[tilespmem:s30+$0x16430] =	vst v0  }
0x19: {  	[tilespmem:s30+$0x16440] =	vst v0  }
0x1a: {  	[tilespmem:s30+$0x16450] =	vst v0  }
0x1b: {  	[tilespmem:s30+$0x16460] =	vst v0;
	s30 =	sshra.s32 s31, $0x2;
	s31 =	sadd.s32 $0x200, s31  }
0x1c: {  	[tilespmem:s30+$0x16470] =	vst v0  }
0x1d: {  	[tilespmem:s30+$0x16400] =	vst v0  }
0x1e: {  	[tilespmem:s30+$0x16410] =	vst v0  }
0x1f: {  	[tilespmem:s30+$0x16420] =	vst v0  }
0x20: {  	[tilespmem:s30+$0x16430] =	vst v0  }
0x21: {  	[tilespmem:s30+$0x16440] =	vst v0  }
0x22: {  	[tilespmem:s30+$0x16450] =	vst v0  }
0x23: {  	[tilespmem:s30+$0x16460] =	vst v0  }
0x24: {  	[spmem:s5] =	stream.linear.scatter [tilespmem:s16], [sflag:$0x5], $0x4000, $0x38;
	[tilespmem:$0x1E400] =	vst v63  }
0x25: {  	_ =	swait.ge [sflag:s17], $0x4000  }
0x26: {  	[sflag:s17] =	ssyncset.done $0x0  }
0x27: {  	[sflag:s17] =	ssyncadd.s32 $0xFFFFC000  }
0x28: {  	[spmem:s6] =	stream.linear.scatter [tilespmem:s16], [sflag:$0x5], $0x4000, $0x38;
	[tilespmem:$0x1E400] =	vst v63  }
0x29: {  	_ =	swait.ge [sflag:s17], $0x4000  }
0x2a: {  	[sflag:s17] =	ssyncset.done $0x0  }
0x2b: {  	[sflag:s17] =	ssyncadd.s32 $0xFFFFC000  }
0x2c: {  	[spmem:s7] =	stream.linear.scatter [tilespmem:s16], [sflag:$0x5], $0x4000, $0x38;
	[tilespmem:$0x1E400] =	vst v63  }
0x2d: {  	_ =	swait.ge [sflag:s17], $0x4000  }
0x2e: {  	[sflag:s17] =	ssyncset.done $0x0  }
0x2f: {  	[sflag:s17] =	ssyncadd.s32 $0xFFFFC000  }
0x30: {  	[spmem:s8] =	stream.linear.scatter [tilespmem:s16], [sflag:$0x5], $0x4000, $0x38;
	[tilespmem:$0x1E400] =	vst v63  }
0x31: {  	_ =	swait.ge [sflag:s17], $0x4000  }
0x32: {  	[sflag:s17] =	ssyncset.done $0x0  }
0x33: {  	[sflag:s17] =	ssyncadd.s32 $0xFFFFC000  }
0x34: {  	[spmem:s9] =	stream.linear.scatter [tilespmem:s16], [sflag:$0x5], $0x3C00, $0x38;
	[tilespmem:$0x1E400] =	vst v63  }
0x35: {  	_ =	swait.ge [sflag:s17], $0x3C00  }
0x36: {  	[sflag:s17] =	ssyncset.done $0x0  }
0x37: {  	[sflag:s17] =	ssyncadd.s32 $0xFFFFC400  }
0x38: {  	s30 =	simm.s32 $0x0;
	[bflag:$0x0] =	sbarrier.arrive $0xFFFF  }
0x39: {  	[tilespmem:s18], [sflag:$0x5] =	stream.linear.gather [hbm4b:s10+s30], $0x1400, $0x38;
	[tilespmem:$0x1E400] =	vst v63  }
0x3a: {  	_ =	swait.ge [sflag:s17], $0x1400  }
0x3b: {  	[sflag:s17] =	ssyncset.done $0x0  }
0x3c: {  	[sflag:s17] =	ssyncadd.s32 $0xFFFFEC00  }
0x3d: {  	[tilespmem:s19], [sflag:$0x5] =	stream.linear.gather [hbm4b:s11+s30], $0x1400, $0x38;
	[tilespmem:$0x1E400] =	vst v63  }
0x3e: {  	_ =	swait.ge [sflag:s17], $0x1400  }
0x3f: {  	[sflag:s17] =	ssyncset.done $0x0  }
0x40: {  	[sflag:s17] =	ssyncadd.s32 $0xFFFFEC00  }
0x41: {  	[tilespmem:s16], [sflag:$0x1] =	stream.indirect.gather [hbm4b:s4+s20], $0x80, s18, s20, $0xb8;
	[tilespmem:$0x1E400] =	vst v63  }
0x42: {  	_ = 	snop  }
0x43: {  	[tilespmem:s22], [sflag:$0x2] =	stream.indirect.gather [hbm4b:s4+s20], $0x80, s21, s20, $0xb8;
	[tilespmem:$0x1E400] =	vst v63  }
0x44: {  	_ =	swait.ge [sflag:s23], $0x4000  }
0x45: {  	[sflag:s23] =	ssyncset.done $0x0  }
0x46: {  	s30 =	simm.s32 $0x15000;
	[sflag:s23] =	ssyncadd.s32 $0xFFFFC000  }
0x47: {  	[spmem:s2] =	stream.indirect.scatter.add.f32 [tilespmem:s16], [sflag:$0x3], $0x80, s30, s20, $0xb8;
	[tilespmem:$0x1E400] =	vst v63  }
0x48: {  	_ =	swait.ge [sflag:s24], $0x4000  }
0x49: {  	[sflag:s24] =	ssyncset.done $0x0  }
0x4a: {  	s30 =	simm.s32 $0x13D00;
	[sflag:s24] =	ssyncadd.s32 $0xFFFFC000  }
0x4b: {  	[tilespmem:s16], [sflag:$0x1] =	stream.indirect.gather [hbm4b:s4+s20], $0x80, s30, s20, $0xb8;
	[tilespmem:$0x1E400] =	vst v63  }
0x4c: {  	_ =	swait.ge [sflag:s25], $0x4000  }
0x4d: {  	[sflag:s25] =	ssyncset.done $0x0  }
0x4e: {  	s30 =	simm.s32 $0x15080;
	[sflag:s25] =	ssyncadd.s32 $0xFFFFC000  }
0x4f: {  	[spmem:s2] =	stream.indirect.scatter.add.f32 [tilespmem:s22], [sflag:$0x4], $0x80, s30, s20, $0xb8;
	[tilespmem:$0x1E400] =	vst v63  }
0x50: {  	_ =	swait.ge [sflag:s26], $0x4000  }
0x51: {  	[sflag:s26] =	ssyncset.done $0x0  }
0x52: {  	s31 =	simm.s32 $0x13D80;
	s30 =	simm.s32 $0x400;
	[sflag:s26] =	ssyncadd.s32 $0xFFFFC000  }
.LBB2_4:
0x53: {  	[tilespmem:s22], [sflag:$0x2] =	stream.indirect.gather [hbm4b:s4+s20], $0x80, s31, s20, $0xb8;
	[tilespmem:$0x1E400] =	vst v63  }
0x54: {  	s31 =	smov.u32 s30  }
0x55: {  	p0 =	sne.s32 s30, $0x4800;
	s30 =	sadd.s32 $0x400, s30;
	_ =	swait.ge [sflag:s23], $0x4000  }
0x56: {  	s31 =	sshra.s32 s31, $0x2;
	[sflag:s23] =	ssyncset.done $0x0  }
0x57: {  	s0 =	sadd.s32 $0x15000, s31;
	[sflag:s23] =	ssyncadd.s32 $0xFFFFC000  }
0x58: {  	[spmem:s2] =	stream.indirect.scatter.add.f32 [tilespmem:s16], [sflag:$0x3], $0x80, s0, s20, $0xb8;
	[tilespmem:$0x1E400] =	vst v63  }
0x59: {  	_ =	swait.ge [sflag:s24], $0x4000  }
0x5a: {  	[sflag:s24] =	ssyncset.done $0x0  }
0x5b: {  	s0 =	sadd.s32 $0x13D00, s31;
	[sflag:s24] =	ssyncadd.s32 $0xFFFFC000  }
0x5c: {  	[tilespmem:s16], [sflag:$0x1] =	stream.indirect.gather [hbm4b:s4+s20], $0x80, s0, s20, $0xb8;
	[tilespmem:$0x1E400] =	vst v63  }
0x5d: {  	_ =	swait.ge [sflag:s25], $0x4000  }
0x5e: {  	[sflag:s25] =	ssyncset.done $0x0  }
.Ltmp1:
0x5f: {  	s0 =	sadd.s32 $0x15080, s31;
	[sflag:s25] =	ssyncadd.s32 $0xFFFFC000;
	(pc) =	sbr.rel @p0 .LBB2_4-.Ltmp1, $4  }
0x60: {  	[spmem:s2] =	stream.indirect.scatter.add.f32 [tilespmem:s22], [sflag:$0x4], $0x80, s0, s20, $0xb8;
	[tilespmem:$0x1E400] =	vst v63  }
0x61: {  	_ =	swait.ge [sflag:s26], $0x4000  }
0x62: {  	[sflag:s26] =	ssyncset.done $0x0  }
0x63: {  	s31 =	sadd.s32 $0x13D80, s31;
	[sflag:s26] =	ssyncadd.s32 $0xFFFFC000  }
0x64: {  	[tilespmem:s22], [sflag:$0x2] =	stream.indirect.gather [hbm4b:s4+s20], $0x80, s31, s20, $0xb8;
	[tilespmem:$0x1E400] =	vst v63  }
0x65: {  	_ =	swait.ge [sflag:s23], $0x4000  }
0x66: {  	[sflag:s23] =	ssyncset.done $0x0  }
0x67: {  	[sflag:s23] =	ssyncadd.s32 $0xFFFFC000  }
0x68: {  	[spmem:s2] =	stream.indirect.scatter.add.f32 [tilespmem:s16], [sflag:$0x3], $0x80, s28, s20, $0xb8;
	[tilespmem:$0x1E400] =	vst v63  }
0x69: {  	_ =	swait.ge [sflag:s24], $0x4000  }
0x6a: {  	[sflag:s24] =	ssyncset.done $0x0  }
0x6b: {  	[sflag:s24] =	ssyncadd.s32 $0xFFFFC000  }
0x6c: {  	_ =	swait.ge [sflag:s25], $0x4000  }
0x6d: {  	[sflag:s25] =	ssyncset.done $0x0  }
0x6e: {  	[sflag:s25] =	ssyncadd.s32 $0xFFFFC000  }
0x6f: {  	[spmem:s2] =	stream.indirect.scatter.add.f32 [tilespmem:s22], [sflag:$0x4], $0x80, s29, s20, $0xb8;
	[tilespmem:$0x1E400] =	vst v63  }
0x70: {  	_ =	swait.ge [sflag:s26], $0x4000  }
0x71: {  	[sflag:s26] =	ssyncset.done $0x0  }
0x72: {  	s0 =	simm.s32 $0x0;
	[sflag:s26] =	ssyncadd.s32 $0xFFFFC000  }
0x73: {  	[tilespmem:s18], [sflag:$0x5] =	stream.linear.gather [hbm4b:s12+s0], $0x1400, $0x38;
	[tilespmem:$0x1E400] =	vst v63  }
0x74: {  	_ =	swait.ge [sflag:s17], $0x1400  }
0x75: {  	[sflag:s17] =	ssyncset.done $0x0  }
0x76: {  	[sflag:s17] =	ssyncadd.s32 $0xFFFFEC00  }
0x77: {  	[tilespmem:s19], [sflag:$0x5] =	stream.linear.gather [hbm4b:s13+s0], $0x1400, $0x38;
	[tilespmem:$0x1E400] =	vst v63  }
0x78: {  	_ =	swait.ge [sflag:s17], $0x1400  }
0x79: {  	[sflag:s17] =	ssyncset.done $0x0  }
0x7a: {  	[sflag:s17] =	ssyncadd.s32 $0xFFFFEC00  }
0x7b: {  	[tilespmem:s16], [sflag:$0x1] =	stream.indirect.gather [hbm4b:s4+s20], $0x80, s18, s20, $0xb8;
	[tilespmem:$0x1E400] =	vst v63  }
0x7c: {  	_ = 	snop  }
0x7d: {  	[tilespmem:s22], [sflag:$0x2] =	stream.indirect.gather [hbm4b:s4+s20], $0x80, s21, s20, $0xb8;
	[tilespmem:$0x1E400] =	vst v63  }
0x7e: {  	_ =	swait.ge [sflag:s23], $0x4000  }
0x7f: {  	[sflag:s23] =	ssyncset.done $0x0  }
0x80: {  	s0 =	simm.s32 $0x15000;
	[sflag:s23] =	ssyncadd.s32 $0xFFFFC000  }
0x81: {  	[spmem:s2] =	stream.indirect.scatter.add.f32 [tilespmem:s16], [sflag:$0x3], $0x80, s0, s20, $0xb8;
	[tilespmem:$0x1E400] =	vst v63  }
0x82: {  	_ =	swait.ge [sflag:s24], $0x4000  }
0x83: {  	[sflag:s24] =	ssyncset.done $0x0  }
0x84: {  	s0 =	simm.s32 $0x13D00;
	[sflag:s24] =	ssyncadd.s32 $0xFFFFC000  }
0x85: {  	[tilespmem:s16], [sflag:$0x1] =	stream.indirect.gather [hbm4b:s4+s20], $0x80, s0, s20, $0xb8;
	[tilespmem:$0x1E400] =	vst v63  }
0x86: {  	_ =	swait.ge [sflag:s25], $0x4000  }
0x87: {  	[sflag:s25] =	ssyncset.done $0x0  }
0x88: {  	s0 =	simm.s32 $0x15080;
	[sflag:s25] =	ssyncadd.s32 $0xFFFFC000  }
0x89: {  	[spmem:s2] =	stream.indirect.scatter.add.f32 [tilespmem:s22], [sflag:$0x4], $0x80, s0, s20, $0xb8;
	[tilespmem:$0x1E400] =	vst v63  }
0x8a: {  	_ =	swait.ge [sflag:s26], $0x4000  }
0x8b: {  	[sflag:s26] =	ssyncset.done $0x0  }
0x8c: {  	s30 =	simm.s32 $0x400;
	s31 =	simm.s32 $0x13D80;
	[sflag:s26] =	ssyncadd.s32 $0xFFFFC000  }
.LBB2_6:
0x8d: {  	[tilespmem:s22], [sflag:$0x2] =	stream.indirect.gather [hbm4b:s4+s20], $0x80, s31, s20, $0xb8;
	[tilespmem:$0x1E400] =	vst v63  }
0x8e: {  	s0 =	smov.u32 s30  }
0x8f: {  	p0 =	sne.s32 s30, $0x4800;
	s30 =	sadd.s32 $0x400, s30;
	_ =	swait.ge [sflag:s23], $0x4000  }
0x90: {  	s0 =	sshra.s32 s0, $0x2;
	[sflag:s23] =	ssyncset.done $0x0  }
0x91: {  	s31 =	sadd.s32 $0x15000, s0;
	[sflag:s23] =	ssyncadd.s32 $0xFFFFC000  }
0x92: {  	[spmem:s2] =	stream.indirect.scatter.add.f32 [tilespmem:s16], [sflag:$0x3], $0x80, s31, s20, $0xb8;
	[tilespmem:$0x1E400] =	vst v63  }
0x93: {  	_ =	swait.ge [sflag:s24], $0x4000  }
0x94: {  	[sflag:s24] =	ssyncset.done $0x0  }
0x95: {  	s31 =	sadd.s32 $0x13D00, s0;
	[sflag:s24] =	ssyncadd.s32 $0xFFFFC000  }
0x96: {  	[tilespmem:s16], [sflag:$0x1] =	stream.indirect.gather [hbm4b:s4+s20], $0x80, s31, s20, $0xb8;
	[tilespmem:$0x1E400] =	vst v63  }
0x97: {  	_ =	swait.ge [sflag:s25], $0x4000  }
0x98: {  	[sflag:s25] =	ssyncset.done $0x0  }
.Ltmp2:
0x99: {  	s31 =	sadd.s32 $0x15080, s0;
	[sflag:s25] =	ssyncadd.s32 $0xFFFFC000;
	(pc) =	sbr.rel @p0 .LBB2_6-.Ltmp2, $4  }
0x9a: {  	[spmem:s2] =	stream.indirect.scatter.add.f32 [tilespmem:s22], [sflag:$0x4], $0x80, s31, s20, $0xb8;
	[tilespmem:$0x1E400] =	vst v63  }
0x9b: {  	_ =	swait.ge [sflag:s26], $0x4000  }
0x9c: {  	[sflag:s26] =	ssyncset.done $0x0  }
0x9d: {  	s31 =	sadd.s32 $0x13D80, s0;
	[sflag:s26] =	ssyncadd.s32 $0xFFFFC000  }
0x9e: {  	[tilespmem:s22], [sflag:$0x2] =	stream.indirect.gather [hbm4b:s4+s20], $0x80, s31, s20, $0xb8;
	[tilespmem:$0x1E400] =	vst v63  }
0x9f: {  	_ =	swait.ge [sflag:s23], $0x4000  }
0xa0: {  	[sflag:s23] =	ssyncset.done $0x0  }
0xa1: {  	[sflag:s23] =	ssyncadd.s32 $0xFFFFC000  }
0xa2: {  	[spmem:s2] =	stream.indirect.scatter.add.f32 [tilespmem:s16], [sflag:$0x3], $0x80, s28, s20, $0xb8;
	[tilespmem:$0x1E400] =	vst v63  }
0xa3: {  	_ =	swait.ge [sflag:s24], $0x4000  }
0xa4: {  	[sflag:s24] =	ssyncset.done $0x0  }
0xa5: {  	[sflag:s24] =	ssyncadd.s32 $0xFFFFC000  }
0xa6: {  	_ =	swait.ge [sflag:s25], $0x4000  }
0xa7: {  	[sflag:s25] =	ssyncset.done $0x0  }
0xa8: {  	[sflag:s25] =	ssyncadd.s32 $0xFFFFC000  }
0xa9: {  	[spmem:s2] =	stream.indirect.scatter.add.f32 [tilespmem:s22], [sflag:$0x4], $0x80, s29, s20, $0xb8;
	[tilespmem:$0x1E400] =	vst v63  }
0xaa: {  	_ =	swait.ge [sflag:s26], $0x4000  }
0xab: {  	s0 =	sshll.u32 s1, $0x6;
	s3 =	sadd.s32 $0x1, s3;
	[sflag:s26] =	ssyncset.done $0x0  }
0xac: {  	s30 =	sshrl.u32 s5, $0x3;
	p0 =	sne.s32 s3, s15;
	[sflag:s26] =	ssyncadd.s32 $0xFFFFC000  }
.Ltmp3:
0xad: {  	s0 =	sor.u32 $0x1C05, s0;
	[bflag:$0x0] =	sbarrier.arrive $0xFFFF;
	(pc) =	sbr.rel @p0 .LBB2_1-.Ltmp3, $4  }
0xae: {  	[hbm:s14], [sflag:s0] =	dma.local [spmem:s30], $0x2780  }
0xaf: {  	_ =	swait.ge [sflag:s17], $0x2780  }
0xb0: {  	[sflag:s17] =	ssyncset.done $0x0  }
0xb1: {  	[sflag:s17] =	ssyncadd.s32 $0xFFFFD880  }
0xb2: {  	_ =	sfence.sel $0x180000  }
0xb3: {  	[bflag:$0x0] =	sbarrier.arrive $0xFFFF  }
0xb4: {  	_ =	strace $0x9000004A  }
0xb5: {  	[bflag:$0x2] =	sbarrier.arrive $0xFFFF  }
0xb6: {  	p0 =	sne.s32 s1, $0x0;
	s0 =	rddreg [dreg:$0x2]  }
0xb7: {  	s0 =	sadd.s32 @!p0 $0x100000, s0  }
0xb8: {  	[sflag:s0] =	ssyncadd.tile.s32 @!p0 $0x1;
	_ =	shalt  }
.Lfunc_end2:
_tile_overlayer_lowered:
.L_overlay_start_2:
0xb9: {  	(tag) =	ssettag $0x2  }
0xba: {  	s0 =	rddreg [dreg:$0x0];
	s2 =	stileid.u32  }
0xbb: {  	s1 =	rddreg [dreg:$0x1];
	p0 =	sne.s32 s2, $0x0  }
0xbc: {  	s3 =	rddreg [dreg:$0x2];
	[bflag:$0x3] =	sbarrier.arrive $0xFFFF;
	s2 =	simm.s32 @!p0 $0x1C05  }
0xbd: {  	[timem:s3], [sflag:s2] =	dma.local @!p0 [hbm:s0], s1  }
0xbe: {  	s0 =	simm.s32 @!p0 $0x5  }
0xbf: {  	_ =	swait.ge @!p0 [sflag:s0], s1  }
0xc0: {  	s1 =	ssub.s32 @!p0 $0x0, s1;
	[sflag:s0] =	ssyncset.done @!p0 $0x0  }
0xc1: {  	[sflag:s0] =	ssyncadd.s32 @!p0 s1  }
0xc2: {  	[bflag:$0x3] =	sbarrier.arrive $0xFFFF  }
0xc3: {  	_ =	shalt  }

// kernel: kernel.7.cloned.1.call-start
scs
__scs_entry_jumppad:
0x0: {  	(pc) =	sbr.rel $0x88, $3  }
0x1: {  	(tag) =	ssettag $0x0;
	lr =	simm.s32 $0x1  }
0x2: {  	[smem:$0x3F97] =	sst lr;
	_ =	strace $0xD0000000  }
0x3: {  	_ = 	snop  }
0x4: {  	_ = 	snop  }
0x5: {  	_ = 	snop  }
0x6: {  	_ = 	snop  }
0x7: {  	_ = 	snop  }
__scs_overlays_trampoline_lowered:
0x8: {  	[smem:$0x3FA6] =	sst s0  }
0x9: {  	[smem:$0x3FA7] =	sst s1  }
0xa: {  	[smem:$0x3FA8] =	sst s2  }
0xb: {  	[smem:$0x3FA9] =	sst s3  }
0xc: {  	[smem:$0x3FAA] =	sst s4  }
0xd: {  	[smem:$0x3FAB] =	sst s5  }
0xe: {  	[smem:$0x3FAC] =	sst s6  }
0xf: {  	[smem:$0x3FAD] =	sst s7  }
0x10: {  	[smem:$0x3FAE] =	sst s8  }
0x11: {  	[smem:$0x3FAF] =	sst s9;
	s0 =	simm.s32 @!p0 $0x0  }
0x12: {  	s1 =	sld [smem:$0x3F95];
	s0 =	simm.s32 @p0 $0x1  }
0x13: {  	[smem:$0x3FB0] =	sst s0;
	s0 =	simm.s32 @!p1 $0x0  }
0x14: {  	s2 =	sld [smem:$0x3F94];
	s0 =	simm.s32 @p1 $0x1  }
0x15: {  	[smem:$0x3FB1] =	sst s0;
	s0 =	simm.s32 @!p2 $0x0  }
0x16: {  	s3 =	sld [smem:$0x3FDB];
	s0 =	simm.s32 @p2 $0x1  }
0x17: {  	s4 =	simm.s32 $0x1BF5;
	[smem:$0x3FB3] =	sst s0  }
0x18: {  	s0 =	sld [smem:$0x3F96];
	_ =	swait.ge [sflag:s4], $0x0  }
0x19: {  	s7 =	sld [smem:$0x3F97]  }
0x1a: {  	s8 =	sadd.s32 $0xFFFFE003, lr  }
0x1b: {  	s9 =	sadd.s32 $0xFFFFFEF7, lr;
	s5 =	simm.s32 $0xFFFFFFFF;
	p2 =	slt.u32 s8, $0xFFFFF086  }
0x1c: {  	p1 =	slt.u32 s9, $0xF7A;
	s5 =	simm.s32 @!p2 $0x0  }
0x1d: {  	s5 =	simm.s32 @p1 $0x1;
	p0 =	seq.s32 s7, s2  }
0x1e: {  	s7 =	smul.u32 @!p0 $0xF7A, s2;
	p2 =	seq.s32 @!p0 s5, $0x0  }
0x1f: {  	s9 =	smul.u32 $0xF7A, s1;
	s8 =	simm.s32 @!p0 $0x1BF5;
	p2 =	por !p2, p0  }
0x20: {  	[sflag:s8] =	ssyncset.s32 @!p0 $0xFFFFF086;
	s6 =	sadd.s32 @!p0 s3, s7;
	s7 =	simm.s32 @!p0 $0x108  }
0x21: {  	s3 =	sadd.s32 s3, s9;
	s6 =	sadd.s32 @!p0 $0x88, s6;
	s7 =	simm.s32 @p2 $0x1082  }
0x22: {  	[simem:s7], [sflag:s8] =	dma.local @!p0 [hbm:s6], $0xF7A  }
0x23: {  	s9 =	sor.u32 $0xD0000000, s2;
	s6 =	simm.s32 $0x108;
	_ =	swait.ge @!p0 [sflag:s8], $0x0  }
0x24: {  	s3 =	sadd.s32 $0x88, s3;
	s6 =	simm.s32 @!p1 $0x1082;
	[sflag:s4] =	ssyncset.s32 $0xFFFFF086  }
0x25: {  	[simem:s6], [sflag:s4] =	dma.local [hbm:s3], $0xF7A  }
0x26: {  	[smem:$0x3F97] =	sst s1;
	(tag) =	ssettag s2;
	_ =	strace s9  }
0x27: {  	s1 =	sld [smem:$0x3FA7]  }
0x28: {  	s2 =	sld [smem:$0x3FA8]  }
0x29: {  	s4 =	sld [smem:$0x3FAA]  }
0x2a: {  	p0 =	seq.s32 s5, $0x0;
	s5 =	sld [smem:$0x3FAB]  }
0x2b: {  	s6 =	sld [smem:$0x3FAC]  }
0x2c: {  	s7 =	sld [smem:$0x3FAD]  }
0x2d: {  	s3 =	simm.s32 $0x108;
	s8 =	sld [smem:$0x3FAE]  }
0x2e: {  	s3 =	simm.s32 @!p0 $0x1082;
	s9 =	sld [smem:$0x3FAF]  }
0x2f: {  	lr =	sadd.s32 s0, s3;
	s0 =	sld [smem:$0x3FA6]  }
0x30: {  	s3 =	sld [smem:$0x3FA9]  }
0x31: {  	[smem:$0x3FB2] =	sst s10  }
0x32: {  	s10 =	sld [smem:$0x3FB0];
	_ =	sdelay $0x3  }
0x33: {  	p0 =	seq.s32 s10, $0x1;
	s10 =	sld [smem:$0x3FB2];
	_ =	sdelay $0x3  }
0x34: {  	[smem:$0x3FB2] =	sst s10  }
0x35: {  	s10 =	sld [smem:$0x3FB1];
	_ =	sdelay $0x3  }
0x36: {  	p1 =	seq.s32 s10, $0x1;
	s10 =	sld [smem:$0x3FB2];
	_ =	sdelay $0x3  }
0x37: {  	[smem:$0x3FB2] =	sst s10  }
0x38: {  	s10 =	sld [smem:$0x3FB3]  }
0x39: {  	_ = 	snop;
	(pc) =	sbr.ind lr, $3  }
0x3a: {  	_ = 	snop  }
0x3b: {  	_ = 	snop  }
0x3c: {  	p2 =	seq.s32 s10, $0x1;
	s10 =	sld [smem:$0x3FB2]  }
0x3d: {  	_ =	shalt  }
0x3e: {  	_ =	shalt  }
0x3f: {  	_ =	shalt  }
0x40: {  	_ =	shalt  }
0x41: {  	_ =	shalt  }
0x42: {  	_ =	shalt  }
0x43: {  	_ =	shalt  }
0x44: {  	_ =	shalt  }
0x45: {  	_ =	shalt  }
0x46: {  	_ =	shalt  }
0x47: {  	_ =	shalt  }
0x48: {  	_ =	shalt  }
0x49: {  	_ =	shalt  }
0x4a: {  	_ =	shalt  }
0x4b: {  	_ =	shalt  }
0x4c: {  	_ =	shalt  }
0x4d: {  	_ =	shalt  }
0x4e: {  	_ =	shalt  }
0x4f: {  	_ =	shalt  }
0x50: {  	_ =	shalt  }
0x51: {  	_ =	shalt  }
0x52: {  	_ =	shalt  }
0x53: {  	_ =	shalt  }
0x54: {  	_ =	shalt  }
0x55: {  	_ =	shalt  }
0x56: {  	_ =	shalt  }
0x57: {  	_ =	shalt  }
0x58: {  	_ =	shalt  }
0x59: {  	_ =	shalt  }
0x5a: {  	_ =	shalt  }
0x5b: {  	_ =	shalt  }
0x5c: {  	_ =	shalt  }
0x5d: {  	_ =	shalt  }
0x5e: {  	_ =	shalt  }
0x5f: {  	_ =	shalt  }
0x60: {  	_ =	shalt  }
0x61: {  	_ =	shalt  }
0x62: {  	_ =	shalt  }
0x63: {  	_ =	shalt  }
0x64: {  	_ =	shalt  }
0x65: {  	_ =	shalt  }
0x66: {  	_ =	shalt  }
0x67: {  	_ =	shalt  }
0x68: {  	_ =	shalt  }
0x69: {  	_ =	shalt  }
0x6a: {  	_ =	shalt  }
0x6b: {  	_ =	shalt  }
0x6c: {  	_ =	shalt  }
0x6d: {  	_ =	shalt  }
0x6e: {  	_ =	shalt  }
0x6f: {  	_ =	shalt  }
0x70: {  	_ =	shalt  }
0x71: {  	_ =	shalt  }
0x72: {  	_ =	shalt  }
0x73: {  	_ =	shalt  }
0x74: {  	_ =	shalt  }
0x75: {  	_ =	shalt  }
0x76: {  	_ =	shalt  }
0x77: {  	_ =	shalt  }
0x78: {  	_ =	shalt  }
0x79: {  	_ =	shalt  }
0x7a: {  	_ =	shalt  }
0x7b: {  	_ =	shalt  }
0x7c: {  	_ =	shalt  }
0x7d: {  	_ =	shalt  }
0x7e: {  	_ =	shalt  }
0x7f: {  	_ =	shalt  }
0x80: {  	_ =	shalt  }
0x81: {  	_ =	shalt  }
0x82: {  	_ =	shalt  }
0x83: {  	_ =	shalt  }
0x84: {  	_ =	shalt  }
0x85: {  	_ =	shalt  }
0x86: {  	_ =	shalt  }
0x87: {  	_ =	shalt  }
.Lfunc_end0:
.L_simem_size_0:
called_computation_lowered:
.L_overlay_start_0:
0x88: {  	s2 =	sld [smem:$0x3FD9]  }
0x89: {  	s3 =	sld [smem:$0x3FFE];
	_ =	sdelay $0x1  }
0x8a: {  	s1 =	srdreg.scid  }
0x8b: {  	s0 =	sand.u32 $0x1, s1  }
0x8c: {  	s16 =	sshll.u32 s0, $0xA;
	s2 =	sadd.s32 s3, s2  }
0x8d: {  	s2 =	sadd.s32 s2, s16  }
0x8e: {  	[smem:$0x3FBE] =	sst s2  }
0x8f: {  	_ = 	snop  }
0x90: {  	(tm) =	ssettm $0x1  }
0x91: {  	s17 =	sld [smem:$0x3FFB];
	_ =	sdelay $0x3  }
0x92: {  	_ =	strace s17  }
0x93: {  	s2 =	sld [smem:$0x3FFC];
	_ =	sdelay $0x3  }
0x94: {  	_ =	strace s2  }
0x95: {  	s2 =	sld [smem:$0x3FFD];
	_ =	sdelay $0x3  }
0x96: {  	_ =	strace s2  }
0x97: {  	_ =	strace $0x8FFFFFFF  }
0x98: {  	s18 =	sld [smem:$0x3FDB];
	_ =	sdelay $0x1  }
0x99: {  	s19 =	simm.s32 $_scs_section_size  }
0x9a: {  	s4 =	simm.s32 $_size__tile_overlayer_lowered;
	s5 =	simm.s32 $_tile_overlayer_lowered  }
0x9b: {  	s22 =	simm.s32 $0x1BFF;
	s21 =	sshll.u32 s5, $0x1;
	s2 =	sadd.s32 s19, s18  }
0x9c: {  	s6 =	simm.s32 $0x0;
	s20 =	sshll.u32 s4, $0x1;
	s4 =	sadd.s32 s21, s2  }
0x9d: {  	[timem:s6], [sflag:s22] =	dma.local [hbm:s4], s20  }
0x9e: {  	_ =	swait.ge [sflag:s22], s20  }
0x9f: {  	s3 =	ssub.s32 $0x0, s20;
	[sflag:s22] =	ssyncset.done $0x0  }
0xa0: {  	[sflag:s22] =	ssyncadd.s32 s3;
	_ =	sdelay $0x1  }
0xa1: {  	s23 =	simm.s32 $0x1B8B  }
0xa2: {  	_ =	swait.ge [sflag:s23], $0x1  }
0xa3: {  	[sflag:s23] =	ssyncset.done $0x0  }
0xa4: {  	s25 =	simm.s32 $0x1B8E;
	s24 =	sld [smem:$0x3FFE];
	[sflag:s23] =	ssyncadd.s32 $0xFFFFFFFF  }
0xa5: {  	s26 =	simm.s32 $execute0_lowered;
	[smem:$0x3FD2] =	sst s25  }
0xa6: {  	s4 =	sshll.u32 s26, $0x1;
	_ =	strace $0x80000046;
	[dreg:$0x1] =	wrdreg $0xFFFFFFFF  }
0xa7: {  	s28 =	simm.s32 $_size_execute0_lowered;
	s2 =	sadd.s32 s2, s4;
	[dreg:$0x0] =	wrdreg $0x0  }
0xa8: {  	s4 =	sshll.u32 s28, $0x1;
	[dreg:$0x2] =	wrdreg s2  }
0xa9: {  	[dreg:$0x3] =	wrdreg s4  }
0xaa: {  	[dreg:$0x4] =	wrdreg $0xC0  }
0xab: {  	_ =	task [dreg:s6], $0x5FFFF  }
0xac: {  	[dreg:$0x1] =	wrdreg $0xFFFFFFFF  }
0xad: {  	[dreg:$0x0] =	wrdreg $0x60  }
0xae: {  	[dreg:$0x2] =	wrdreg s24  }
0xaf: {  	[dreg:$0x3] =	wrdreg $0x0  }
0xb0: {  	[dreg:$0x4] =	wrdreg $0x9  }
0xb1: {  	_ =	task.clear_ibuf [dreg:s6], $0x5FFFF;
	_ =	strace $0x90000046  }
0xb2: {  	s29 =	simm.s32 $0x9;
	_ =	strace $0x80000048  }
0xb3: {  	_ =	swait.ge [sflag:s29], $0x1  }
0xb4: {  	[sflag:s29] =	ssyncadd.s32 $0xFFFFFFFF  }
0xb5: {  	_ =	strace $0x90000048  }
0xb6: {  	_ =	sfence  }
0xb7: {  	s30 =	sld [smem:$0x0];
	_ =	sdelay $0x2  }
0xb8: {  	s31 =	sshll.u32 s1, $0xD;
	s1 =	sshrl.u32 s1, $0x2  }
0xb9: {  	s3 =	sand.u32 $0x4000, s31;
	s1 =	sadd.s32 s1, s30  }
0xba: {  	s0 =	sor.u32 s3, s0;
	s1 =	sshll.u32 s1, $0x11  }
0xbb: {  	s0 =	sor.u32 s1, s0  }
0xbc: {  	s0 =	sadd.s32 $0x8F2B, s0  }
0xbd: {  	[sflag:s0] =	ssyncadd.remote.s32 $0x1  }
0xbe: {  	_ =	sfence.sel $0xFFFF  }
0xbf: {  	[dreg:$0x0] =	wrdreg $0xFFFFFFFF;
	(pc) =	sbr.abs _section_cstart, $3  }
0xc0: {  	[dreg:$0x1] =	wrdreg $0xFFFFFFFF  }
0xc1: {  	_ =	task.clear_ibuf [dreg:s6], $0x2FFFF;
	_ =	strace $0x9FFFFFFF  }
0xc2: {  	(tm) =	ssettm $0x7FFFFFFF  }
0xc3: {  	_ =	shalt  }
tec
execute0_lowered:
.L_overlay_start_1:
0x0: {  	(tag) =	ssettag $0x1  }
0x1: {  	s5 =	rddreg [dreg:$0x0]  }
0x2: {  	s0 =	srdreg.scid;
	s2 =	rddreg [dreg:$0x1]  }
0x3: {  	s1 =	stileid.u32;
	s3 =	simm.s32 $0x0;
	s17 =	simm.s32 $0x5  }
0x4: {  	s18 =	simm.s32 $0x13C00;
	s19 =	simm.s32 $0x15000;
	s20 =	simm.s32 $0x80  }
0x5: {  	s21 =	simm.s32 $0x13C80;
	s22 =	simm.s32 $0x1A400;
	s23 =	simm.s32 $0x1  }
0x6: {  	s28 =	simm.s32 $0x16300;
	s29 =	simm.s32 $0x16380;
	s6 =	sand.u32 $0x1, s0  }
0x7: {  	s8 =	smul.u32 $0x13C00, s1;
	[smem:$0x7FF] =	sst s3;
	s4 =	sadd.s32 $0x15C00, s5  }
0x8: {  	s12 =	sadd.s32 $0xBC00, s5;
	s24 =	smul.u32 $0x4F000, s1;
	s13 =	sadd.s32 $0x1C00, s5  }
0x9: {  	s7 =	smul.u32 $0x13C000, s6;
	_ =	strace $0x80000047;
	s25 =	sshll.u32 s6, $0x4  }
0xa: {  	s6 =	ssub.s32 $0x2, s6;
	s26 =	sor.u32 s1, s25;
	s30 =	sshrl.u32 s24, $0x2  }
0xb: {  	s31 =	sshrl.u32 s6, $0x1;
	s24 =	simm.s32 $0x3;
	s25 =	simm.s32 $0x2  }
0xc: {  	s7 =	sadd.s32 s8, s7;
	s9 =	smul.u32 $0x2800, s26;
	s15 =	ssub.s32 s6, s31  }
0xd: {  	s11 =	smul.u32 $0x500, s26;
	s26 =	simm.s32 $0x4;
	s7 =	sshrl.u32 s7, $0x3  }
0xe: {  	s15 =	smax.u32 s15, $0x1;
	s14 =	sadd.s32 s7, s5;
	s5 =	sadd.s32 s30, s2  }
0xf: {  	s16 =	sshrl.u32 s9, $0x3;
	s10 =	sadd.s32 s12, s11;
	s11 =	sadd.s32 s13, s11  }
0x10: {  	s6 =	sadd.s32 $0x4000, s5;
	s7 =	sadd.s32 $0x8000, s5;
	s8 =	sadd.s32 $0xC000, s5  }
0x11: {  	s9 =	sadd.s32 $0x10000, s5;
	s16 =	sadd.s32 $0x280, s16;
	s14 =	sadd.s32 $0x3D400, s14  }
0x12: {  	v0 =	vimm.f32 $0.0e+00;
	s12 =	sadd.s32 s12, s16;
	s13 =	sadd.s32 s13, s16;
	s16 =	simm.s32 $0x16400  }
.LBB2_1:
0x13: {  	s30 =	simm.s32 $0x0;
	s31 =	simm.s32 $0x200  }
.LBB2_2:
0x14: {  	p0 =	sne.s32 s31, $0xFE00;
	[tilespmem:s30+$0x16470] =	vst v0  }
0x15: {  	[tilespmem:s30+$0x16400] =	vst v0  }
0x16: {  	[tilespmem:s30+$0x16410] =	vst v0  }
.Ltmp0:
0x17: {  	[tilespmem:s30+$0x16420] =	vst v0;
	(pc) =	sbr.rel @p0 .LBB2_2-.Ltmp0, $4  }
0x18: {  	[tilespmem:s30+$0x16430] =	vst v0  }
0x19: {  	[tilespmem:s30+$0x16440] =	vst v0  }
0x1a: {  	[tilespmem:s30+$0x16450] =	vst v0  }
0x1b: {  	[tilespmem:s30+$0x16460] =	vst v0;
	s30 =	sshra.s32 s31, $0x2;
	s31 =	sadd.s32 $0x200, s31  }
0x1c: {  	[tilespmem:s30+$0x16470] =	vst v0  }
0x1d: {  	[tilespmem:s30+$0x16400] =	vst v0  }
0x1e: {  	[tilespmem:s30+$0x16410] =	vst v0  }
0x1f: {  	[tilespmem:s30+$0x16420] =	vst v0  }
0x20: {  	[tilespmem:s30+$0x16430] =	vst v0  }
0x21: {  	[tilespmem:s30+$0x16440] =	vst v0  }
0x22: {  	[tilespmem:s30+$0x16450] =	vst v0  }
0x23: {  	[tilespmem:s30+$0x16460] =	vst v0  }
0x24: {  	[spmem:s5] =	stream.linear.scatter [tilespmem:s16], [sflag:$0x5], $0x4000, $0x38;
	[tilespmem:$0x1E400] =	vst v63  }
0x25: {  	_ =	swait.ge [sflag:s17], $0x4000  }
0x26: {  	[sflag:s17] =	ssyncset.done $0x0  }
0x27: {  	[sflag:s17] =	ssyncadd.s32 $0xFFFFC000  }
0x28: {  	[spmem:s6] =	stream.linear.scatter [tilespmem:s16], [sflag:$0x5], $0x4000, $0x38;
	[tilespmem:$0x1E400] =	vst v63  }
0x29: {  	_ =	swait.ge [sflag:s17], $0x4000  }
0x2a: {  	[sflag:s17] =	ssyncset.done $0x0  }
0x2b: {  	[sflag:s17] =	ssyncadd.s32 $0xFFFFC000  }
0x2c: {  	[spmem:s7] =	stream.linear.scatter [tilespmem:s16], [sflag:$0x5], $0x4000, $0x38;
	[tilespmem:$0x1E400] =	vst v63  }
0x2d: {  	_ =	swait.ge [sflag:s17], $0x4000  }
0x2e: {  	[sflag:s17] =	ssyncset.done $0x0  }
0x2f: {  	[sflag:s17] =	ssyncadd.s32 $0xFFFFC000  }
0x30: {  	[spmem:s8] =	stream.linear.scatter [tilespmem:s16], [sflag:$0x5], $0x4000, $0x38;
	[tilespmem:$0x1E400] =	vst v63  }
0x31: {  	_ =	swait.ge [sflag:s17], $0x4000  }
0x32: {  	[sflag:s17] =	ssyncset.done $0x0  }
0x33: {  	[sflag:s17] =	ssyncadd.s32 $0xFFFFC000  }
0x34: {  	[spmem:s9] =	stream.linear.scatter [tilespmem:s16], [sflag:$0x5], $0x3C00, $0x38;
	[tilespmem:$0x1E400] =	vst v63  }
0x35: {  	_ =	swait.ge [sflag:s17], $0x3C00  }
0x36: {  	[sflag:s17] =	ssyncset.done $0x0  }
0x37: {  	[sflag:s17] =	ssyncadd.s32 $0xFFFFC400  }
0x38: {  	s30 =	simm.s32 $0x0;
	[bflag:$0x0] =	sbarrier.arrive $0xFFFF  }
0x39: {  	[tilespmem:s18], [sflag:$0x5] =	stream.linear.gather [hbm4b:s10+s30], $0x1400, $0x38;
	[tilespmem:$0x1E400] =	vst v63  }
0x3a: {  	_ =	swait.ge [sflag:s17], $0x1400  }
0x3b: {  	[sflag:s17] =	ssyncset.done $0x0  }
0x3c: {  	[sflag:s17] =	ssyncadd.s32 $0xFFFFEC00  }
0x3d: {  	[tilespmem:s19], [sflag:$0x5] =	stream.linear.gather [hbm4b:s11+s30], $0x1400, $0x38;
	[tilespmem:$0x1E400] =	vst v63  }
0x3e: {  	_ =	swait.ge [sflag:s17], $0x1400  }
0x3f: {  	[sflag:s17] =	ssyncset.done $0x0  }
0x40: {  	[sflag:s17] =	ssyncadd.s32 $0xFFFFEC00  }
0x41: {  	[tilespmem:s16], [sflag:$0x1] =	stream.indirect.gather [hbm4b:s4+s20], $0x80, s18, s20, $0xb8;
	[tilespmem:$0x1E400] =	vst v63  }
0x42: {  	_ = 	snop  }
0x43: {  	[tilespmem:s22], [sflag:$0x2] =	stream.indirect.gather [hbm4b:s4+s20], $0x80, s21, s20, $0xb8;
	[tilespmem:$0x1E400] =	vst v63  }
0x44: {  	_ =	swait.ge [sflag:s23], $0x4000  }
0x45: {  	[sflag:s23] =	ssyncset.done $0x0  }
0x46: {  	s30 =	simm.s32 $0x15000;
	[sflag:s23] =	ssyncadd.s32 $0xFFFFC000  }
0x47: {  	[spmem:s2] =	stream.indirect.scatter.add.f32 [tilespmem:s16], [sflag:$0x3], $0x80, s30, s20, $0xb8;
	[tilespmem:$0x1E400] =	vst v63  }
0x48: {  	_ =	swait.ge [sflag:s24], $0x4000  }
0x49: {  	[sflag:s24] =	ssyncset.done $0x0  }
0x4a: {  	s30 =	simm.s32 $0x13D00;
	[sflag:s24] =	ssyncadd.s32 $0xFFFFC000  }
0x4b: {  	[tilespmem:s16], [sflag:$0x1] =	stream.indirect.gather [hbm4b:s4+s20], $0x80, s30, s20, $0xb8;
	[tilespmem:$0x1E400] =	vst v63  }
0x4c: {  	_ =	swait.ge [sflag:s25], $0x4000  }
0x4d: {  	[sflag:s25] =	ssyncset.done $0x0  }
0x4e: {  	s30 =	simm.s32 $0x15080;
	[sflag:s25] =	ssyncadd.s32 $0xFFFFC000  }
0x4f: {  	[spmem:s2] =	stream.indirect.scatter.add.f32 [tilespmem:s22], [sflag:$0x4], $0x80, s30, s20, $0xb8;
	[tilespmem:$0x1E400] =	vst v63  }
0x50: {  	_ =	swait.ge [sflag:s26], $0x4000  }
0x51: {  	[sflag:s26] =	ssyncset.done $0x0  }
0x52: {  	s31 =	simm.s32 $0x13D80;
	s30 =	simm.s32 $0x400;
	[sflag:s26] =	ssyncadd.s32 $0xFFFFC000  }
.LBB2_4:
0x53: {  	[tilespmem:s22], [sflag:$0x2] =	stream.indirect.gather [hbm4b:s4+s20], $0x80, s31, s20, $0xb8;
	[tilespmem:$0x1E400] =	vst v63  }
0x54: {  	s31 =	smov.u32 s30  }
0x55: {  	p0 =	sne.s32 s30, $0x4800;
	s30 =	sadd.s32 $0x400, s30;
	_ =	swait.ge [sflag:s23], $0x4000  }
0x56: {  	s31 =	sshra.s32 s31, $0x2;
	[sflag:s23] =	ssyncset.done $0x0  }
0x57: {  	s0 =	sadd.s32 $0x15000, s31;
	[sflag:s23] =	ssyncadd.s32 $0xFFFFC000  }
0x58: {  	[spmem:s2] =	stream.indirect.scatter.add.f32 [tilespmem:s16], [sflag:$0x3], $0x80, s0, s20, $0xb8;
	[tilespmem:$0x1E400] =	vst v63  }
0x59: {  	_ =	swait.ge [sflag:s24], $0x4000  }
0x5a: {  	[sflag:s24] =	ssyncset.done $0x0  }
0x5b: {  	s0 =	sadd.s32 $0x13D00, s31;
	[sflag:s24] =	ssyncadd.s32 $0xFFFFC000  }
0x5c: {  	[tilespmem:s16], [sflag:$0x1] =	stream.indirect.gather [hbm4b:s4+s20], $0x80, s0, s20, $0xb8;
	[tilespmem:$0x1E400] =	vst v63  }
0x5d: {  	_ =	swait.ge [sflag:s25], $0x4000  }
0x5e: {  	[sflag:s25] =	ssyncset.done $0x0  }
.Ltmp1:
0x5f: {  	s0 =	sadd.s32 $0x15080, s31;
	[sflag:s25] =	ssyncadd.s32 $0xFFFFC000;
	(pc) =	sbr.rel @p0 .LBB2_4-.Ltmp1, $4  }
0x60: {  	[spmem:s2] =	stream.indirect.scatter.add.f32 [tilespmem:s22], [sflag:$0x4], $0x80, s0, s20, $0xb8;
	[tilespmem:$0x1E400] =	vst v63  }
0x61: {  	_ =	swait.ge [sflag:s26], $0x4000  }
0x62: {  	[sflag:s26] =	ssyncset.done $0x0  }
0x63: {  	s31 =	sadd.s32 $0x13D80, s31;
	[sflag:s26] =	ssyncadd.s32 $0xFFFFC000  }
0x64: {  	[tilespmem:s22], [sflag:$0x2] =	stream.indirect.gather [hbm4b:s4+s20], $0x80, s31, s20, $0xb8;
	[tilespmem:$0x1E400] =	vst v63  }
0x65: {  	_ =	swait.ge [sflag:s23], $0x4000  }
0x66: {  	[sflag:s23] =	ssyncset.done $0x0  }
0x67: {  	[sflag:s23] =	ssyncadd.s32 $0xFFFFC000  }
0x68: {  	[spmem:s2] =	stream.indirect.scatter.add.f32 [tilespmem:s16], [sflag:$0x3], $0x80, s28, s20, $0xb8;
	[tilespmem:$0x1E400] =	vst v63  }
0x69: {  	_ =	swait.ge [sflag:s24], $0x4000  }
0x6a: {  	[sflag:s24] =	ssyncset.done $0x0  }
0x6b: {  	[sflag:s24] =	ssyncadd.s32 $0xFFFFC000  }
0x6c: {  	_ =	swait.ge [sflag:s25], $0x4000  }
0x6d: {  	[sflag:s25] =	ssyncset.done $0x0  }
0x6e: {  	[sflag:s25] =	ssyncadd.s32 $0xFFFFC000  }
0x6f: {  	[spmem:s2] =	stream.indirect.scatter.add.f32 [tilespmem:s22], [sflag:$0x4], $0x80, s29, s20, $0xb8;
	[tilespmem:$0x1E400] =	vst v63  }
0x70: {  	_ =	swait.ge [sflag:s26], $0x4000  }
0x71: {  	[sflag:s26] =	ssyncset.done $0x0  }
0x72: {  	s0 =	simm.s32 $0x0;
	[sflag:s26] =	ssyncadd.s32 $0xFFFFC000  }
0x73: {  	[tilespmem:s18], [sflag:$0x5] =	stream.linear.gather [hbm4b:s12+s0], $0x1400, $0x38;
	[tilespmem:$0x1E400] =	vst v63  }
0x74: {  	_ =	swait.ge [sflag:s17], $0x1400  }
0x75: {  	[sflag:s17] =	ssyncset.done $0x0  }
0x76: {  	[sflag:s17] =	ssyncadd.s32 $0xFFFFEC00  }
0x77: {  	[tilespmem:s19], [sflag:$0x5] =	stream.linear.gather [hbm4b:s13+s0], $0x1400, $0x38;
	[tilespmem:$0x1E400] =	vst v63  }
0x78: {  	_ =	swait.ge [sflag:s17], $0x1400  }
0x79: {  	[sflag:s17] =	ssyncset.done $0x0  }
0x7a: {  	[sflag:s17] =	ssyncadd.s32 $0xFFFFEC00  }
0x7b: {  	[tilespmem:s16], [sflag:$0x1] =	stream.indirect.gather [hbm4b:s4+s20], $0x80, s18, s20, $0xb8;
	[tilespmem:$0x1E400] =	vst v63  }
0x7c: {  	_ = 	snop  }
0x7d: {  	[tilespmem:s22], [sflag:$0x2] =	stream.indirect.gather [hbm4b:s4+s20], $0x80, s21, s20, $0xb8;
	[tilespmem:$0x1E400] =	vst v63  }
0x7e: {  	_ =	swait.ge [sflag:s23], $0x4000  }
0x7f: {  	[sflag:s23] =	ssyncset.done $0x0  }
0x80: {  	s0 =	simm.s32 $0x15000;
	[sflag:s23] =	ssyncadd.s32 $0xFFFFC000  }
0x81: {  	[spmem:s2] =	stream.indirect.scatter.add.f32 [tilespmem:s16], [sflag:$0x3], $0x80, s0, s20, $0xb8;
	[tilespmem:$0x1E400] =	vst v63  }
0x82: {  	_ =	swait.ge [sflag:s24], $0x4000  }
0x83: {  	[sflag:s24] =	ssyncset.done $0x0  }
0x84: {  	s0 =	simm.s32 $0x13D00;
	[sflag:s24] =	ssyncadd.s32 $0xFFFFC000  }
0x85: {  	[tilespmem:s16], [sflag:$0x1] =	stream.indirect.gather [hbm4b:s4+s20], $0x80, s0, s20, $0xb8;
	[tilespmem:$0x1E400] =	vst v63  }
0x86: {  	_ =	swait.ge [sflag:s25], $0x4000  }
0x87: {  	[sflag:s25] =	ssyncset.done $0x0  }
0x88: {  	s0 =	simm.s32 $0x15080;
	[sflag:s25] =	ssyncadd.s32 $0xFFFFC000  }
0x89: {  	[spmem:s2] =	stream.indirect.scatter.add.f32 [tilespmem:s22], [sflag:$0x4], $0x80, s0, s20, $0xb8;
	[tilespmem:$0x1E400] =	vst v63  }
0x8a: {  	_ =	swait.ge [sflag:s26], $0x4000  }
0x8b: {  	[sflag:s26] =	ssyncset.done $0x0  }
0x8c: {  	s30 =	simm.s32 $0x400;
	s31 =	simm.s32 $0x13D80;
	[sflag:s26] =	ssyncadd.s32 $0xFFFFC000  }
.LBB2_6:
0x8d: {  	[tilespmem:s22], [sflag:$0x2] =	stream.indirect.gather [hbm4b:s4+s20], $0x80, s31, s20, $0xb8;
	[tilespmem:$0x1E400] =	vst v63  }
0x8e: {  	s0 =	smov.u32 s30  }
0x8f: {  	p0 =	sne.s32 s30, $0x4800;
	s30 =	sadd.s32 $0x400, s30;
	_ =	swait.ge [sflag:s23], $0x4000  }
0x90: {  	s0 =	sshra.s32 s0, $0x2;
	[sflag:s23] =	ssyncset.done $0x0  }
0x91: {  	s31 =	sadd.s32 $0x15000, s0;
	[sflag:s23] =	ssyncadd.s32 $0xFFFFC000  }
0x92: {  	[spmem:s2] =	stream.indirect.scatter.add.f32 [tilespmem:s16], [sflag:$0x3], $0x80, s31, s20, $0xb8;
	[tilespmem:$0x1E400] =	vst v63  }
0x93: {  	_ =	swait.ge [sflag:s24], $0x4000  }
0x94: {  	[sflag:s24] =	ssyncset.done $0x0  }
0x95: {  	s31 =	sadd.s32 $0x13D00, s0;
	[sflag:s24] =	ssyncadd.s32 $0xFFFFC000  }
0x96: {  	[tilespmem:s16], [sflag:$0x1] =	stream.indirect.gather [hbm4b:s4+s20], $0x80, s31, s20, $0xb8;
	[tilespmem:$0x1E400] =	vst v63  }
0x97: {  	_ =	swait.ge [sflag:s25], $0x4000  }
0x98: {  	[sflag:s25] =	ssyncset.done $0x0  }
.Ltmp2:
0x99: {  	s31 =	sadd.s32 $0x15080, s0;
	[sflag:s25] =	ssyncadd.s32 $0xFFFFC000;
	(pc) =	sbr.rel @p0 .LBB2_6-.Ltmp2, $4  }
0x9a: {  	[spmem:s2] =	stream.indirect.scatter.add.f32 [tilespmem:s22], [sflag:$0x4], $0x80, s31, s20, $0xb8;
	[tilespmem:$0x1E400] =	vst v63  }
0x9b: {  	_ =	swait.ge [sflag:s26], $0x4000  }
0x9c: {  	[sflag:s26] =	ssyncset.done $0x0  }
0x9d: {  	s31 =	sadd.s32 $0x13D80, s0;
	[sflag:s26] =	ssyncadd.s32 $0xFFFFC000  }
0x9e: {  	[tilespmem:s22], [sflag:$0x2] =	stream.indirect.gather [hbm4b:s4+s20], $0x80, s31, s20, $0xb8;
	[tilespmem:$0x1E400] =	vst v63  }
0x9f: {  	_ =	swait.ge [sflag:s23], $0x4000  }
0xa0: {  	[sflag:s23] =	ssyncset.done $0x0  }
0xa1: {  	[sflag:s23] =	ssyncadd.s32 $0xFFFFC000  }
0xa2: {  	[spmem:s2] =	stream.indirect.scatter.add.f32 [tilespmem:s16], [sflag:$0x3], $0x80, s28, s20, $0xb8;
	[tilespmem:$0x1E400] =	vst v63  }
0xa3: {  	_ =	swait.ge [sflag:s24], $0x4000  }
0xa4: {  	[sflag:s24] =	ssyncset.done $0x0  }
0xa5: {  	[sflag:s24] =	ssyncadd.s32 $0xFFFFC000  }
0xa6: {  	_ =	swait.ge [sflag:s25], $0x4000  }
0xa7: {  	[sflag:s25] =	ssyncset.done $0x0  }
0xa8: {  	[sflag:s25] =	ssyncadd.s32 $0xFFFFC000  }
0xa9: {  	[spmem:s2] =	stream.indirect.scatter.add.f32 [tilespmem:s22], [sflag:$0x4], $0x80, s29, s20, $0xb8;
	[tilespmem:$0x1E400] =	vst v63  }
0xaa: {  	_ =	swait.ge [sflag:s26], $0x4000  }
0xab: {  	s0 =	sshll.u32 s1, $0x6;
	s3 =	sadd.s32 $0x1, s3;
	[sflag:s26] =	ssyncset.done $0x0  }
0xac: {  	s30 =	sshrl.u32 s5, $0x3;
	p0 =	sne.s32 s3, s15;
	[sflag:s26] =	ssyncadd.s32 $0xFFFFC000  }
.Ltmp3:
0xad: {  	s0 =	sor.u32 $0x1C05, s0;
	[bflag:$0x0] =	sbarrier.arrive $0xFFFF;
	(pc) =	sbr.rel @p0 .LBB2_1-.Ltmp3, $4  }
0xae: {  	[hbm:s14], [sflag:s0] =	dma.local [spmem:s30], $0x2780  }
0xaf: {  	_ =	swait.ge [sflag:s17], $0x2780  }
0xb0: {  	[sflag:s17] =	ssyncset.done $0x0  }
0xb1: {  	[sflag:s17] =	ssyncadd.s32 $0xFFFFD880  }
0xb2: {  	_ =	sfence.sel $0x180000  }
0xb3: {  	[bflag:$0x0] =	sbarrier.arrive $0xFFFF  }
0xb4: {  	_ =	strace $0x90000047  }
0xb5: {  	[bflag:$0x2] =	sbarrier.arrive $0xFFFF  }
0xb6: {  	p0 =	sne.s32 s1, $0x0;
	s0 =	rddreg [dreg:$0x2]  }
0xb7: {  	s0 =	sadd.s32 @!p0 $0x100000, s0  }
0xb8: {  	[sflag:s0] =	ssyncadd.tile.s32 @!p0 $0x1;
	_ =	shalt  }
.Lfunc_end2:
_tile_overlayer_lowered:
.L_overlay_start_2:
0xb9: {  	(tag) =	ssettag $0x2  }
0xba: {  	s0 =	rddreg [dreg:$0x0];
	s2 =	stileid.u32  }
0xbb: {  	s1 =	rddreg [dreg:$0x1];
	p0 =	sne.s32 s2, $0x0  }
0xbc: {  	s3 =	rddreg [dreg:$0x2];
	[bflag:$0x3] =	sbarrier.arrive $0xFFFF;
	s2 =	simm.s32 @!p0 $0x1C05  }
0xbd: {  	[timem:s3], [sflag:s2] =	dma.local @!p0 [hbm:s0], s1  }
0xbe: {  	s0 =	simm.s32 @!p0 $0x5  }
0xbf: {  	_ =	swait.ge @!p0 [sflag:s0], s1  }
0xc0: {  	s1 =	ssub.s32 @!p0 $0x0, s1;
	[sflag:s0] =	ssyncset.done @!p0 $0x0  }
0xc1: {  	[sflag:s0] =	ssyncadd.s32 @!p0 s1  }
0xc2: {  	[bflag:$0x3] =	sbarrier.arrive $0xFFFF  }
0xc3: {  	_ =	shalt  }

</sc_bundles>
